<compile_context>
chip_gen: v7x
topology: tpu7x:2x2x1
jax: 0.10.2.dev20260603
libtpu: 0.0.44.dev20260713+nightly
codegen_flags: <defaults>
</compile_context>

<pallas_src>
import functools

import jax
import jax.numpy as jnp
from jax import lax
from jax.experimental import pallas as pl
from jax.experimental.pallas import tpu as pltpu
from jax.experimental.pallas import tpu_sc as plsc

_N = 10000
_E = 320000
_D0 = 128
_H = 150
_HP = 160
_NC = 2
_NS = 16
_NW = _NC * _NS
_EPT = _E // _NW
_C = 80
_NCH = _EPT // _C
_RPTP = 640
_NP = _RPTP * _NS
_CA = 88
_NCHA = 115
_EPTP = _CA * _NCHA
_CS = 80
_KSEG = _RPTP // _CS
_R = 1000
_G = _N // _R


def _sc_mesh():
    return plsc.VectorSubcoreMesh(core_axis_name="c", subcore_axis_name="s")


@functools.partial(
    pl.kernel,
    mesh=_sc_mesh(),
    out_type=jax.ShapeDtypeStruct((_NC * 2 * _NP,), jnp.float32),
    compiler_params=pltpu.CompilerParams(use_tc_tiling_on_sc=False),
    scratch_types=[
        pltpu.VMEM((_NCH, 2, _C), jnp.int32),
        pltpu.VMEM((_C,), jnp.float32),
        pltpu.VMEM((_RPTP,), jnp.float32),
        pltpu.VMEM_SHARED((_NP,), jnp.float32),
        pltpu.VMEM_SHARED((_NP,), jnp.float32),
        pltpu.SemaphoreType.DMA,
        pltpu.SemaphoreType.DMA,
    ],
)
def _deg_kernel(idx_hbm, out_hbm, ixall, ones, stage, degs, degd, ds0, ds1):
    c = lax.axis_index("c")
    s = lax.axis_index("s")
    ch0 = (s * _NC + c) * _NCH
    pltpu.sync_copy(idx_hbm.at[pl.ds(ch0, _NCH)], ixall)
    for j in range(_C // 16):
        ones[pl.ds(j * 16, 16)] = jnp.ones((16,), jnp.float32)

    def zfill(j, carry):
        stage[pl.ds(j * 16, 16)] = jnp.zeros((16,), jnp.float32)
        return carry

    lax.fori_loop(0, _RPTP // 16, zfill, 0)
    r0 = s * _RPTP
    pltpu.sync_copy(stage, degs.at[pl.ds(r0, _RPTP)])
    pltpu.sync_copy(stage, degd.at[pl.ds(r0, _RPTP)])
    plsc.subcore_barrier()
    one_c = ones

    def body(m, carry):
        for t in range(5):
            i = m * 5 + t
            pltpu.async_copy(one_c, degs.at[ixall.at[i, 0]], ds0, add=True)
            pltpu.async_copy(one_c, degd.at[ixall.at[i, 1]], ds1, add=True)
        for t in range(5):
            i = m * 5 + t
            pltpu.make_async_copy(one_c, degs.at[ixall.at[i, 0]], ds0).wait()
            pltpu.make_async_copy(one_c, degd.at[ixall.at[i, 1]], ds1).wait()
        return carry

    lax.fori_loop(0, _NCH // 5, body, 0)
    plsc.subcore_barrier()
    pltpu.sync_copy(degs.at[pl.ds(r0, _RPTP)], stage)
    pltpu.sync_copy(stage, out_hbm.at[pl.ds(c * 2 * _NP + r0, _RPTP)])
    pltpu.sync_copy(degd.at[pl.ds(r0, _RPTP)], stage)
    pltpu.sync_copy(stage, out_hbm.at[pl.ds((c * 2 + 1) * _NP + r0, _RPTP)])


def _make_agg(D):
    @functools.partial(
        pl.kernel,
        mesh=_sc_mesh(),
        out_type=jax.ShapeDtypeStruct((_NC, _NP, D), jnp.float32),
        compiler_params=pltpu.CompilerParams(use_tc_tiling_on_sc=False),
        scratch_types=[
            pltpu.VMEM((2, _CA), jnp.int32),
            pltpu.VMEM((2, _CA), jnp.int32),
            pltpu.VMEM((_CA, D), jnp.float32),
            pltpu.VMEM((_CA, D), jnp.float32),
            pltpu.VMEM_SHARED((_NP, D), jnp.float32),
            pltpu.SemaphoreType.DMA,
            pltpu.SemaphoreType.DMA,
            pltpu.SemaphoreType.DMA,
            pltpu.SemaphoreType.DMA,
        ],
    )
    def agg_kernel(h_hbm, idx_hbm, out_hbm, ixa, ixb, rows_a, rows_b,
                   acc, gs0, gs1, isa, isb):
        c = lax.axis_index("c")
        s = lax.axis_index("s")
        r0 = s * _RPTP
        ch0 = (s * _NC + c) * _NCHA

        def zfill(r, carry):
            for j in range(D // 16):
                rows_a[r, pl.ds(j * 16, 16)] = jnp.zeros((16,), jnp.float32)
            return carry

        lax.fori_loop(0, _CS, zfill, 0)
        seg = rows_a.at[: _CS]

        def zcopy(k, carry):
            pltpu.sync_copy(seg, acc.at[pl.ds(r0 + k * _CS, _CS)])
            return carry

        lax.fori_loop(0, _KSEG, zcopy, 0)
        plsc.subcore_barrier()

        pltpu.sync_copy(idx_hbm.at[ch0], ixa)
        pltpu.async_copy(h_hbm.at[ixa.at[0]], rows_a, gs0)
        pltpu.async_copy(idx_hbm.at[ch0 + 1], ixb, isb)

        def body(j, carry):
            i0 = ch0 + 2 * j
            i3 = jnp.minimum(i0 + 3, ch0 + _NCHA - 1)
            pltpu.make_async_copy(idx_hbm.at[i0 + 1], ixb, isb).wait()
            pltpu.async_copy(h_hbm.at[ixb.at[0]], rows_b, gs1)
            pltpu.make_async_copy(h_hbm.at[ixa.at[0]], rows_a, gs0).wait()
            pltpu.sync_copy(rows_a, acc.at[ixa.at[1]], add=True)
            pltpu.async_copy(idx_hbm.at[i0 + 2], ixa, isa)
            pltpu.make_async_copy(idx_hbm.at[i0 + 2], ixa, isa).wait()
            pltpu.async_copy(h_hbm.at[ixa.at[0]], rows_a, gs0)
            pltpu.make_async_copy(h_hbm.at[ixb.at[0]], rows_b, gs1).wait()
            pltpu.sync_copy(rows_b, acc.at[ixb.at[1]], add=True)
            pltpu.async_copy(idx_hbm.at[i3], ixb, isb)
            return carry

        lax.fori_loop(0, (_NCHA - 1) // 2, body, 0)
        pltpu.make_async_copy(h_hbm.at[ixa.at[0]], rows_a, gs0).wait()
        pltpu.sync_copy(rows_a, acc.at[ixa.at[1]], add=True)
        pltpu.make_async_copy(idx_hbm.at[ch0 + _NCHA - 1], ixb, isb).wait()
        plsc.subcore_barrier()

        sega = rows_a.at[: _CS]
        segb = rows_b.at[: _CS]

        def out_copy(k, carry):
            q0 = r0 + 2 * k * _CS
            q1 = q0 + _CS
            pltpu.sync_copy(acc.at[pl.ds(q0, _CS)], sega)
            pltpu.async_copy(sega, out_hbm.at[c, pl.ds(q0, _CS)], gs0)
            pltpu.sync_copy(acc.at[pl.ds(q1, _CS)], segb)
            pltpu.async_copy(segb, out_hbm.at[c, pl.ds(q1, _CS)], gs1)
            pltpu.make_async_copy(sega, out_hbm.at[c, pl.ds(q0, _CS)], gs0).wait()
            pltpu.make_async_copy(segb, out_hbm.at[c, pl.ds(q1, _CS)], gs1).wait()
            return carry

        lax.fori_loop(0, _KSEG // 2, out_copy, 0)

    return agg_kernel


_agg_x = _make_agg(_D0)
_agg_h = _make_agg(_HP)


def _prep_body(deg_ref, x_ref, xs_ref, nrm_ref):
    d = deg_ref[...]
    onorm = lax.rsqrt(jnp.maximum(d[:, 0:1] + d[:, 2:3], 1.0))
    inorm = lax.rsqrt(jnp.maximum(d[:, 1:2] + d[:, 3:4], 1.0))
    xs_ref[...] = x_ref[...] * onorm
    nrm_ref[...] = jnp.concatenate([onorm, inorm], axis=1)


def _dense1_body(a0_ref, a1_ref, nrm_ref, w_ref, b_ref, out_ref):
    n = nrm_ref[...]
    agg = (a0_ref[...] + a1_ref[...]) * n[:, 1:2]
    h = jnp.tanh(jnp.dot(agg, w_ref[...], preferred_element_type=jnp.float32)
                 + b_ref[...])
    out_ref[...] = h * n[:, 0:1]


def _dense2_body(a0_ref, a1_ref, nrm_ref, x_ref, w2_ref, b2_ref, q1h_ref,
                 q1x_ref, q1b_ref, q2_ref, q2b_ref, q3_ref, q3b_ref, out_ref):
    n = nrm_ref[...]
    agg = (a0_ref[...] + a1_ref[...]) * n[:, 1:2]
    h2 = jnp.tanh(jnp.dot(agg, w2_ref[...], preferred_element_type=jnp.float32)
                  + b2_ref[...])
    y = jnp.tanh(jnp.dot(h2, q1h_ref[...], preferred_element_type=jnp.float32)
                 + jnp.dot(x_ref[...], q1x_ref[...],
                           preferred_element_type=jnp.float32)
                 + q1b_ref[...])
    y = jnp.tanh(jnp.dot(y, q2_ref[...], preferred_element_type=jnp.float32)
                 + q2b_ref[...])
    y = jnp.tanh(jnp.dot(y, q3_ref[...], preferred_element_type=jnp.float32)
                 + q3b_ref[...])
    out_ref[...] = y


def _row_spec(cols):
    return pl.BlockSpec((_R, cols), lambda i: (i, 0))


def _full_spec(shape):
    nd = len(shape)
    return pl.BlockSpec(shape, lambda i, _n=nd: (0,) * _n)


def kernel(x, edge_index, W1, b1, W2, b2, pW1, pb1, pW2, pb2, pW3, pb3):
    ei = edge_index.astype(jnp.int32)
    idx2 = jnp.stack([ei[0].reshape(_E // _C, _C),
                      ei[1].reshape(_E // _C, _C)], axis=1)
    npad = _EPTP - _EPT
    srcp = jnp.pad(ei[0].reshape(_NW, _EPT), ((0, 0), (0, npad)))
    dstp = jnp.pad(ei[1].reshape(_NW, _EPT), ((0, 0), (0, npad)),
                   constant_values=_N + 16)
    idxa2 = jnp.stack([srcp.reshape(_NW, _NCHA, _CA),
                       dstp.reshape(_NW, _NCHA, _CA)],
                      axis=2).reshape(_NW * _NCHA, 2, _CA)

    degs = _deg_kernel(idx2).reshape(_NC, 2, _NP)[:, :, :_N]
    degs_t = jnp.transpose(degs, (2, 0, 1)).reshape(_N, 4)

    xs, norms = pl.pallas_call(
        _prep_body,
        grid=(_G,),
        in_specs=[_row_spec(4), _row_spec(_D0)],
        out_specs=[_row_spec(_D0), _row_spec(2)],
        out_shape=[
            jax.ShapeDtypeStruct((_N, _D0), jnp.float32),
            jax.ShapeDtypeStruct((_N, 2), jnp.float32),
        ],
    )(degs_t, x)

    agg1 = _agg_x(xs, idxa2)

    w1p = jnp.zeros((_D0, _HP), jnp.float32).at[:, :_H].set(W1)
    b1p = jnp.zeros((1, _HP), jnp.float32).at[0, :_H].set(b1)
    h1s = pl.pallas_call(
        _dense1_body,
        grid=(_G,),
        in_specs=[_row_spec(_D0), _row_spec(_D0), _row_spec(2),
                  _full_spec((_D0, _HP)), _full_spec((1, _HP))],
        out_specs=_row_spec(_HP),
        out_shape=jax.ShapeDtypeStruct((_N, _HP), jnp.float32),
    )(agg1[0], agg1[1], norms, w1p, b1p)

    agg2 = _agg_h(h1s, idxa2)

    w2p = jnp.zeros((_HP, _H), jnp.float32).at[:_H, :].set(W2)
    q1h = pW1[:_H]
    q1x = pW1[_H:]
    y = pl.pallas_call(
        _dense2_body,
        grid=(_G,),
        in_specs=[_row_spec(_HP), _row_spec(_HP), _row_spec(2), _row_spec(_D0),
                  _full_spec((_HP, _H)), _full_spec((1, _H)),
                  _full_spec((_H, _H)), _full_spec((_D0, _H)),
                  _full_spec((1, _H)), _full_spec((_H, _H)),
                  _full_spec((1, _H)), _full_spec((_H, 1)),
                  _full_spec((1, 1))],
        out_specs=_row_spec(1),
        out_shape=jax.ShapeDtypeStruct((_N, 1), jnp.float32),
    )(agg2[0], agg2[1], norms, x, w2p, b2.reshape(1, _H), q1h, q1x,
      pb1.reshape(1, _H), pW2, pb2.reshape(1, _H), pW3, pb3.reshape(1, 1))
    return y

# --- scband reference (transcript-rebuilt; emitter-appended) ---
"""Pipeline reference for scband-traditional-gnnmodel-66417374265805 (READ-ONLY COPY).

The authoritative reference and input builder live on the scoring server;
editing this copy changes nothing except your own understanding.
"""

import jax, jax.numpy as jnp
import numpy as np

N = 10000
E = 320000
D0 = 128
H = 150
SCALE = 1.0


def setup_inputs(seed: int = 0) -> dict:
    key = jax.random.key(seed)
    ks = jax.random.split(key, 14)
    x = jax.random.normal(ks[0], (N, D0), dtype=jnp.float32)
    edge_index = jax.random.randint(ks[1], (2, E), 0, N)
    # GraphConv layer 0: 128 -> 150 ; layer 1: 150 -> 150 (layer 2 unused by wholeforward)
    W1 = jax.random.normal(ks[2], (D0, H), dtype=jnp.float32) / np.sqrt(D0)
    b1 = jnp.zeros((H,), dtype=jnp.float32)
    W2 = jax.random.normal(ks[3], (H, H), dtype=jnp.float32) / np.sqrt(H)
    b2 = jnp.zeros((H,), dtype=jnp.float32)
    # NaiveModel post: (150+128)=278 -> 150 -> 150 -> 1
    F_IN = H + D0
    pW1 = jax.random.normal(ks[4], (F_IN, 150), dtype=jnp.float32) / np.sqrt(F_IN)
    pb1 = jnp.zeros((150,), dtype=jnp.float32)
    pW2 = jax.random.normal(ks[5], (150, 150), dtype=jnp.float32) / np.sqrt(150)
    pb2 = jnp.zeros((150,), dtype=jnp.float32)
    pW3 = jax.random.normal(ks[6], (150, 1), dtype=jnp.float32) / np.sqrt(150)
    pb3 = jnp.zeros((1,), dtype=jnp.float32)
    return {"x": x, "edge_index": edge_index, "W1": W1, "b1": b1, "W2": W2, "b2": b2,
            "pW1": pW1, "pb1": pb1, "pW2": pW2, "pb2": pb2, "pW3": pW3, "pb3": pb3}


def _graph_conv(h, src, dst, W, b, n_nodes):
    # DGL GraphConv with norm='both': D_out^{-1/2} scatter-add D_in^{-1/2}, then linear
    ones = jnp.ones(src.shape[0], dtype=h.dtype)
    outdeg = jax.ops.segment_sum(ones, src, num_segments=n_nodes)
    outdeg = jnp.clip(outdeg, 1.0)
    indeg = jax.ops.segment_sum(ones, dst, num_segments=n_nodes)
    indeg = jnp.clip(indeg, 1.0)
    h = h * (outdeg ** -0.5)[:, None]
    msg = jnp.take(h, src, axis=0)
    agg = jax.ops.segment_sum(msg, dst, num_segments=n_nodes)
    agg = agg * (indeg ** -0.5)[:, None]
    return agg @ W + b


def reference(x, edge_index, W1, b1, W2, b2, pW1, pb1, pW2, pb2, pW3, pb3):
    src = edge_index[0]
    dst = edge_index[1]
    init_x = x
    h = jnp.tanh(_graph_conv(x, src, dst, W1, b1, N))
    h = jnp.tanh(_graph_conv(h, src, dst, W2, b2, N))
    feats = jnp.concatenate([h, init_x], axis=1)
    y = jnp.tanh(feats @ pW1 + pb1)
    y = jnp.tanh(y @ pW2 + pb2)
    y = jnp.tanh(y @ pW3 + pb3)
    return SCALE * y

if __name__ == "__main__":
    import jax
    _d = setup_inputs()
    print(jax.jit(kernel)(*tuple(_d.values())))

</pallas_src>

<mosaic_0001>
#map = affine_map<(d0, d1) -> (0, 0)>
#map1 = affine_map<(d0, d1) -> (0, 0, 0)>
module attributes {stable_mosaic.version = 14 : i64} {
  func.func @agg_kernel(%arg0: i32, %arg1: i32, %arg2: memref<10000x160xf32, #tpu.memory_space<hbm>>, %arg3: memref<3680x2x88xi32, #tpu.memory_space<hbm>>, %arg4: memref<2x10240x160xf32, #tpu.memory_space<hbm>>, %arg5: memref<2x88xi32, #tpu.memory_space<vmem>>, %arg6: memref<2x88xi32, #tpu.memory_space<vmem>>, %arg7: memref<88x160xf32, #tpu.memory_space<vmem>>, %arg8: memref<88x160xf32, #tpu.memory_space<vmem>>, %arg9: memref<10240x160xf32, #tpu.memory_space<vmem_shared>>, %arg10: memref<!tpu.dma_semaphore, #tpu.memory_space<semaphore_mem>>, %arg11: memref<!tpu.dma_semaphore, #tpu.memory_space<semaphore_mem>>, %arg12: memref<!tpu.dma_semaphore, #tpu.memory_space<semaphore_mem>>, %arg13: memref<!tpu.dma_semaphore, #tpu.memory_space<semaphore_mem>>) attributes {dimension_semantics = [#tpu.dimension_semantics<core_parallel>, #tpu.dimension_semantics<subcore_parallel>], iteration_bounds = array<i64: 2, 16>, scalar_prefetch = 0 : i64, scratch_operands = 9 : i64, tpu.core_type = #tpu.core_type<sc_vector_subcore>, window_params = [{transform_indices = #map}, {transform_indices = #map1}, {transform_indices = #map1}]} {
    %mul3A = arith.constant 640 : i32
    %mul3A_0 = arith.muli %arg1, %mul3A : i32
    %mul3A_1 = arith.constant 2 : i32
    %mul3A_2 = arith.muli %arg1, %mul3A_1 : i32
    %add3A = arith.addi %mul3A_2, %arg0 : i32
    %mul3A_3 = arith.constant 115 : i32
    %mul3A_4 = arith.muli %add3A, %mul3A_3 : i32
    %scan3A = arith.constant 0 : i32
    %scan3A_5 = arith.constant 0 : i32
    %scan3A_6 = arith.constant 80 : i32
    %scan3A_7 = arith.addi %scan3A_5, %scan3A_6 : i32
    %scan3A_8 = arith.constant 1 : i32
    scf.for %scan3A_62 = %scan3A_5 to %scan3A_7 step %scan3A_8  : i32 {
      %broadcast_in_dim3A = arith.constant 0.000000e+00 : f32
      %broadcast_in_dim3A_63 = vector.broadcast %broadcast_in_dim3A : f32 to vector<16xf32>
      %swap3A = arith.index_cast %scan3A_62 : i32 to index
      %swap3A_64 = arith.constant 0 : index
      %swap3A_65 = tpu.vector_load %arg7[%swap3A, %swap3A_64] {strides = array<i32>} : memref<88x160xf32, #tpu.memory_space<vmem>>, vector<1x16xf32>,
      %swap3A_66 = vector.shape_cast %swap3A_65 : vector<1x16xf32> to vector<16xf32>
      %swap3A_67 = vector.shape_cast %broadcast_in_dim3A_63 : vector<16xf32> to vector<1x16xf32>
      tpu.vector_store %arg7[%swap3A, %swap3A_64], %swap3A_67 {strides = array<i32>} : memref<88x160xf32, #tpu.memory_space<vmem>>, vector<1x16xf32>,
      %broadcast_in_dim3A_68 = arith.constant 0.000000e+00 : f32
      %broadcast_in_dim3A_69 = vector.broadcast %broadcast_in_dim3A_68 : f32 to vector<16xf32>
      %swap3A_70 = arith.index_cast %scan3A_62 : i32 to index
      %swap3A_71 = arith.constant 16 : index
      %swap3A_72 = tpu.vector_load %arg7[%swap3A_70, %swap3A_71] {strides = array<i32>} : memref<88x160xf32, #tpu.memory_space<vmem>>, vector<1x16xf32>,
      %swap3A_73 = vector.shape_cast %swap3A_72 : vector<1x16xf32> to vector<16xf32>
      %swap3A_74 = vector.shape_cast %broadcast_in_dim3A_69 : vector<16xf32> to vector<1x16xf32>
      tpu.vector_store %arg7[%swap3A_70, %swap3A_71], %swap3A_74 {strides = array<i32>} : memref<88x160xf32, #tpu.memory_space<vmem>>, vector<1x16xf32>,
      %broadcast_in_dim3A_75 = arith.constant 0.000000e+00 : f32
      %broadcast_in_dim3A_76 = vector.broadcast %broadcast_in_dim3A_75 : f32 to vector<16xf32>
      %swap3A_77 = arith.index_cast %scan3A_62 : i32 to index
      %swap3A_78 = arith.constant 32 : index
      %swap3A_79 = tpu.vector_load %arg7[%swap3A_77, %swap3A_78] {strides = array<i32>} : memref<88x160xf32, #tpu.memory_space<vmem>>, vector<1x16xf32>,
      %swap3A_80 = vector.shape_cast %swap3A_79 : vector<1x16xf32> to vector<16xf32>
      %swap3A_81 = vector.shape_cast %broadcast_in_dim3A_76 : vector<16xf32> to vector<1x16xf32>
      tpu.vector_store %arg7[%swap3A_77, %swap3A_78], %swap3A_81 {strides = array<i32>} : memref<88x160xf32, #tpu.memory_space<vmem>>, vector<1x16xf32>,
      %broadcast_in_dim3A_82 = arith.constant 0.000000e+00 : f32
      %broadcast_in_dim3A_83 = vector.broadcast %broadcast_in_dim3A_82 : f32 to vector<16xf32>
      %swap3A_84 = arith.index_cast %scan3A_62 : i32 to index
      %swap3A_85 = arith.constant 48 : index
      %swap3A_86 = tpu.vector_load %arg7[%swap3A_84, %swap3A_85] {strides = array<i32>} : memref<88x160xf32, #tpu.memory_space<vmem>>, vector<1x16xf32>,
      %swap3A_87 = vector.shape_cast %swap3A_86 : vector<1x16xf32> to vector<16xf32>
      %swap3A_88 = vector.shape_cast %broadcast_in_dim3A_83 : vector<16xf32> to vector<1x16xf32>
      tpu.vector_store %arg7[%swap3A_84, %swap3A_85], %swap3A_88 {strides = array<i32>} : memref<88x160xf32, #tpu.memory_space<vmem>>, vector<1x16xf32>,
      %broadcast_in_dim3A_89 = arith.constant 0.000000e+00 : f32
      %broadcast_in_dim3A_90 = vector.broadcast %broadcast_in_dim3A_89 : f32 to vector<16xf32>
      %swap3A_91 = arith.index_cast %scan3A_62 : i32 to index
      %swap3A_92 = arith.constant 64 : index
      %swap3A_93 = tpu.vector_load %arg7[%swap3A_91, %swap3A_92] {strides = array<i32>} : memref<88x160xf32, #tpu.memory_space<vmem>>, vector<1x16xf32>,
      %swap3A_94 = vector.shape_cast %swap3A_93 : vector<1x16xf32> to vector<16xf32>
      %swap3A_95 = vector.shape_cast %broadcast_in_dim3A_90 : vector<16xf32> to vector<1x16xf32>
      tpu.vector_store %arg7[%swap3A_91, %swap3A_92], %swap3A_95 {strides = array<i32>} : memref<88x160xf32, #tpu.memory_space<vmem>>, vector<1x16xf32>,
      %broadcast_in_dim3A_96 = arith.constant 0.000000e+00 : f32
      %broadcast_in_dim3A_97 = vector.broadcast %broadcast_in_dim3A_96 : f32 to vector<16xf32>
      %swap3A_98 = arith.index_cast %scan3A_62 : i32 to index
      %swap3A_99 = arith.constant 80 : index
      %swap3A_100 = tpu.vector_load %arg7[%swap3A_98, %swap3A_99] {strides = array<i32>} : memref<88x160xf32, #tpu.memory_space<vmem>>, vector<1x16xf32>,
      %swap3A_101 = vector.shape_cast %swap3A_100 : vector<1x16xf32> to vector<16xf32>
      %swap3A_102 = vector.shape_cast %broadcast_in_dim3A_97 : vector<16xf32> to vector<1x16xf32>
      tpu.vector_store %arg7[%swap3A_98, %swap3A_99], %swap3A_102 {strides = array<i32>} : memref<88x160xf32, #tpu.memory_space<vmem>>, vector<1x16xf32>,
      %broadcast_in_dim3A_103 = arith.constant 0.000000e+00 : f32
      %broadcast_in_dim3A_104 = vector.broadcast %broadcast_in_dim3A_103 : f32 to vector<16xf32>
      %swap3A_105 = arith.index_cast %scan3A_62 : i32 to index
      %swap3A_106 = arith.constant 96 : index
      %swap3A_107 = tpu.vector_load %arg7[%swap3A_105, %swap3A_106] {strides = array<i32>} : memref<88x160xf32, #tpu.memory_space<vmem>>, vector<1x16xf32>,
      %swap3A_108 = vector.shape_cast %swap3A_107 : vector<1x16xf32> to vector<16xf32>
      %swap3A_109 = vector.shape_cast %broadcast_in_dim3A_104 : vector<16xf32> to vector<1x16xf32>
      tpu.vector_store %arg7[%swap3A_105, %swap3A_106], %swap3A_109 {strides = array<i32>} : memref<88x160xf32, #tpu.memory_space<vmem>>, vector<1x16xf32>,
      %broadcast_in_dim3A_110 = arith.constant 0.000000e+00 : f32
      %broadcast_in_dim3A_111 = vector.broadcast %broadcast_in_dim3A_110 : f32 to vector<16xf32>
      %swap3A_112 = arith.index_cast %scan3A_62 : i32 to index
      %swap3A_113 = arith.constant 112 : index
      %swap3A_114 = tpu.vector_load %arg7[%swap3A_112, %swap3A_113] {strides = array<i32>} : memref<88x160xf32, #tpu.memory_space<vmem>>, vector<1x16xf32>,
      %swap3A_115 = vector.shape_cast %swap3A_114 : vector<1x16xf32> to vector<16xf32>
      %swap3A_116 = vector.shape_cast %broadcast_in_dim3A_111 : vector<16xf32> to vector<1x16xf32>
      tpu.vector_store %arg7[%swap3A_112, %swap3A_113], %swap3A_116 {strides = array<i32>} : memref<88x160xf32, #tpu.memory_space<vmem>>, vector<1x16xf32>,
      %broadcast_in_dim3A_117 = arith.constant 0.000000e+00 : f32
      %broadcast_in_dim3A_118 = vector.broadcast %broadcast_in_dim3A_117 : f32 to vector<16xf32>
      %swap3A_119 = arith.index_cast %scan3A_62 : i32 to index
      %swap3A_120 = arith.constant 128 : index
      %swap3A_121 = tpu.vector_load %arg7[%swap3A_119, %swap3A_120] {strides = array<i32>} : memref<88x160xf32, #tpu.memory_space<vmem>>, vector<1x16xf32>,
      %swap3A_122 = vector.shape_cast %swap3A_121 : vector<1x16xf32> to vector<16xf32>
      %swap3A_123 = vector.shape_cast %broadcast_in_dim3A_118 : vector<16xf32> to vector<1x16xf32>
      tpu.vector_store %arg7[%swap3A_119, %swap3A_120], %swap3A_123 {strides = array<i32>} : memref<88x160xf32, #tpu.memory_space<vmem>>, vector<1x16xf32>,
      %broadcast_in_dim3A_124 = arith.constant 0.000000e+00 : f32
      %broadcast_in_dim3A_125 = vector.broadcast %broadcast_in_dim3A_124 : f32 to vector<16xf32>
      %swap3A_126 = arith.index_cast %scan3A_62 : i32 to index
      %swap3A_127 = arith.constant 144 : index
      %swap3A_128 = tpu.vector_load %arg7[%swap3A_126, %swap3A_127] {strides = array<i32>} : memref<88x160xf32, #tpu.memory_space<vmem>>, vector<1x16xf32>,
      %swap3A_129 = vector.shape_cast %swap3A_128 : vector<1x16xf32> to vector<16xf32>
      %swap3A_130 = vector.shape_cast %broadcast_in_dim3A_125 : vector<16xf32> to vector<1x16xf32>
      tpu.vector_store %arg7[%swap3A_126, %swap3A_127], %swap3A_130 {strides = array<i32>} : memref<88x160xf32, #tpu.memory_space<vmem>>, vector<1x16xf32>,
    }
    %scan3A_9 = arith.constant 80 : i32
    %scan3A_10 = arith.constant 0 : i32
    %scan3A_11 = arith.constant 0 : i32
    %scan3A_12 = arith.constant 8 : i32
    %scan3A_13 = arith.addi %scan3A_11, %scan3A_12 : i32
    %scan3A_14 = arith.constant 1 : i32
    scf.for %scan3A_62 = %scan3A_11 to %scan3A_13 step %scan3A_14  : i32 {
      %mul3A_63 = arith.constant 80 : i32
      %mul3A_64 = arith.muli %scan3A_62, %mul3A_63 : i32
      %add3A_65 = arith.addi %mul3A_0, %mul3A_64 : i32
      "tpu.region"() ({
        %run_scoped3A_66 = tpu.sem_alloc : memref<!tpu.dma_semaphore, #tpu.memory_space<semaphore_mem>>
        %dma_start3A_67 = arith.constant 0 : i32
        %dma_start3A_68 = arith.constant 0 : i32
        %dma_start3A_69 = tpu.memref_slice %arg7[%dma_start3A_67, %dma_start3A_68] : memref<88x160xf32, #tpu.memory_space<vmem>> -> memref<80x160xf32, #tpu.memory_space<vmem>>
        %dma_start3A_70 = arith.constant 0 : i32
        %dma_start3A_71 = tpu.memref_slice %arg9[%add3A_65, %dma_start3A_70] : memref<10240x160xf32, #tpu.memory_space<vmem_shared>> -> memref<80x160xf32, #tpu.memory_space<vmem_shared>>
        %dma_start3A_72 = arith.constant 0 : i32
        %dma_start3A_73 = tpu.memref_slice %arg9[%add3A_65, %dma_start3A_72] : memref<10240x160xf32, #tpu.memory_space<vmem_shared>> -> memref<80x160xf32, #tpu.memory_space<vmem_shared>>
        %dma_start3A_74 = arith.constant 0 : i32
        %dma_start3A_75 = arith.constant 0 : i32
        %dma_start3A_76 = tpu.memref_slice %arg7[%dma_start3A_74, %dma_start3A_75] : memref<88x160xf32, #tpu.memory_space<vmem>> -> memref<80x160xf32, #tpu.memory_space<vmem>>
        tpu.enqueue_dma source(%dma_start3A_76 : memref<80x160xf32, #tpu.memory_space<vmem>>) target(%dma_start3A_73 : memref<80x160xf32, #tpu.memory_space<vmem_shared>>) target_semaphore(%run_scoped3A_66 : memref<!tpu.dma_semaphore, #tpu.memory_space<semaphore_mem>>)
        %dma_wait3A_77 = arith.constant 0 : i32
        %dma_wait3A_78 = arith.constant 0 : i32
        %dma_wait3A_79 = tpu.memref_slice %arg7[%dma_wait3A_77, %dma_wait3A_78] : memref<88x160xf32, #tpu.memory_space<vmem>> -> memref<80x160xf32, #tpu.memory_space<vmem>>
        %dma_wait3A_80 = arith.constant 0 : i32
        %dma_wait3A_81 = tpu.memref_slice %arg9[%add3A_65, %dma_wait3A_80] : memref<10240x160xf32, #tpu.memory_space<vmem_shared>> -> memref<80x160xf32, #tpu.memory_space<vmem_shared>>
        %dma_wait3A_82 = arith.constant 0 : i32
        %dma_wait3A_83 = tpu.memref_slice %arg9[%add3A_65, %dma_wait3A_82] : memref<10240x160xf32, #tpu.memory_space<vmem_shared>> -> memref<80x160xf32, #tpu.memory_space<vmem_shared>>
        %dma_wait3A_84 = arith.constant 0 : i32
        %dma_wait3A_85 = arith.constant 0 : i32
        %dma_wait3A_86 = tpu.memref_slice %arg7[%dma_wait3A_84, %dma_wait3A_85] : memref<88x160xf32, #tpu.memory_space<vmem>> -> memref<80x160xf32, #tpu.memory_space<vmem>>
        tpu.wait_dma2 semaphore(%run_scoped3A_66 : memref<!tpu.dma_semaphore, #tpu.memory_space<semaphore_mem>>) src(%dma_wait3A_86 : memref<80x160xf32, #tpu.memory_space<vmem>>) dst(%dma_wait3A_83 : memref<80x160xf32, #tpu.memory_space<vmem_shared>>)
        tpu.yield
      }) : () -> ()
    }
    %scan3A_15 = arith.constant 8 : i32
    %barrier3A = arith.constant 0 : index
    tpu.barrier barrier_id(%barrier3A)
    "tpu.region"() ({
      %run_scoped3A_62 = tpu.sem_alloc : memref<!tpu.dma_semaphore, #tpu.memory_space<semaphore_mem>>
      %dma_start3A_63 = arith.constant 0 : i32
      %dma_start3A_64 = arith.constant 0 : i32
      %dma_start3A_65 = tpu.memref_slice %arg3[%mul3A_4, %dma_start3A_63, %dma_start3A_64] : memref<3680x2x88xi32, #tpu.memory_space<hbm>> -> memref<1x2x88xi32, #tpu.memory_space<hbm>>
      %dma_start3A_66 = tpu.memref_squeeze %dma_start3A_65 : memref<1x2x88xi32, #tpu.memory_space<hbm>> -> memref<2x88xi32, #tpu.memory_space<hbm>>
      %dma_start3A_67 = arith.constant 0 : i32
      %dma_start3A_68 = arith.constant 0 : i32
      %dma_start3A_69 = tpu.memref_slice %arg3[%mul3A_4, %dma_start3A_67, %dma_start3A_68] : memref<3680x2x88xi32, #tpu.memory_space<hbm>> -> memref<1x2x88xi32, #tpu.memory_space<hbm>>
      %dma_start3A_70 = tpu.memref_squeeze %dma_start3A_69 : memref<1x2x88xi32, #tpu.memory_space<hbm>> -> memref<2x88xi32, #tpu.memory_space<hbm>>
      tpu.enqueue_dma source(%dma_start3A_70 : memref<2x88xi32, #tpu.memory_space<hbm>>) target(%arg5 : memref<2x88xi32, #tpu.memory_space<vmem>>) target_semaphore(%run_scoped3A_62 : memref<!tpu.dma_semaphore, #tpu.memory_space<semaphore_mem>>)
      %dma_wait3A_71 = arith.constant 0 : i32
      %dma_wait3A_72 = arith.constant 0 : i32
      %dma_wait3A_73 = tpu.memref_slice %arg3[%mul3A_4, %dma_wait3A_71, %dma_wait3A_72] : memref<3680x2x88xi32, #tpu.memory_space<hbm>> -> memref<1x2x88xi32, #tpu.memory_space<hbm>>
      %dma_wait3A_74 = tpu.memref_squeeze %dma_wait3A_73 : memref<1x2x88xi32, #tpu.memory_space<hbm>> -> memref<2x88xi32, #tpu.memory_space<hbm>>
      %dma_wait3A_75 = arith.constant 0 : i32
      %dma_wait3A_76 = arith.constant 0 : i32
      %dma_wait3A_77 = tpu.memref_slice %arg3[%mul3A_4, %dma_wait3A_75, %dma_wait3A_76] : memref<3680x2x88xi32, #tpu.memory_space<hbm>> -> memref<1x2x88xi32, #tpu.memory_space<hbm>>
      %dma_wait3A_78 = tpu.memref_squeeze %dma_wait3A_77 : memref<1x2x88xi32, #tpu.memory_space<hbm>> -> memref<2x88xi32, #tpu.memory_space<hbm>>
      tpu.wait_dma2 semaphore(%run_scoped3A_62 : memref<!tpu.dma_semaphore, #tpu.memory_space<semaphore_mem>>) src(%dma_wait3A_78 : memref<2x88xi32, #tpu.memory_space<hbm>>) dst(%arg5 : memref<2x88xi32, #tpu.memory_space<vmem>>)
      tpu.yield
    }) : () -> ()
    %dma_start3A = arith.constant 0 : i32
    %dma_start3A_16 = arith.constant 0 : i32
    %dma_start3A_17 = tpu.memref_slice %arg5[%dma_start3A, %dma_start3A_16] : memref<2x88xi32, #tpu.memory_space<vmem>> -> memref<1x88xi32, #tpu.memory_space<vmem>>
    %dma_start3A_18 = tpu.memref_squeeze %dma_start3A_17 : memref<1x88xi32, #tpu.memory_space<vmem>> -> memref<88xi32, #tpu.memory_space<vmem>>
    %dma_start3A_19 = arith.constant 0 : i32
    %dma_start3A_20 = arith.constant 0 : i32
    %dma_start3A_21 = tpu.memref_slice %arg2[%dma_start3A_19, %dma_start3A_20] : memref<10000x160xf32, #tpu.memory_space<hbm>> -> memref<10000x160xf32, #tpu.memory_space<hbm>>
    tpu.enqueue_indirect_dma source(%dma_start3A_21 : memref<10000x160xf32, #tpu.memory_space<hbm>>) target(%arg7 : memref<88x160xf32, #tpu.memory_space<vmem>>) offsets(%dma_start3A_18 : memref<88xi32, #tpu.memory_space<vmem>>) semaphore(%arg10 : memref<!tpu.dma_semaphore, #tpu.memory_space<semaphore_mem>>)
    %add3A_22 = arith.constant 1 : i32
    %add3A_23 = arith.addi %mul3A_4, %add3A_22 : i32
    %dma_start3A_24 = arith.constant 0 : i32
    %dma_start3A_25 = arith.constant 0 : i32
    %dma_start3A_26 = tpu.memref_slice %arg3[%add3A_23, %dma_start3A_24, %dma_start3A_25] : memref<3680x2x88xi32, #tpu.memory_space<hbm>> -> memref<1x2x88xi32, #tpu.memory_space<hbm>>
    %dma_start3A_27 = tpu.memref_squeeze %dma_start3A_26 : memref<1x2x88xi32, #tpu.memory_space<hbm>> -> memref<2x88xi32, #tpu.memory_space<hbm>>
    %dma_start3A_28 = arith.constant 0 : i32
    %dma_start3A_29 = arith.constant 0 : i32
    %dma_start3A_30 = tpu.memref_slice %arg3[%add3A_23, %dma_start3A_28, %dma_start3A_29] : memref<3680x2x88xi32, #tpu.memory_space<hbm>> -> memref<1x2x88xi32, #tpu.memory_space<hbm>>
    %dma_start3A_31 = tpu.memref_squeeze %dma_start3A_30 : memref<1x2x88xi32, #tpu.memory_space<hbm>> -> memref<2x88xi32, #tpu.memory_space<hbm>>
    tpu.enqueue_dma source(%dma_start3A_31 : memref<2x88xi32, #tpu.memory_space<hbm>>) target(%arg6 : memref<2x88xi32, #tpu.memory_space<vmem>>) target_semaphore(%arg13 : memref<!tpu.dma_semaphore, #tpu.memory_space<semaphore_mem>>)
    %scan3A_32 = arith.constant 0 : i32
    %scan3A_33 = arith.constant 0 : i32
    %scan3A_34 = arith.constant 57 : i32
    %scan3A_35 = arith.addi %scan3A_33, %scan3A_34 : i32
    %scan3A_36 = arith.constant 1 : i32
    scf.for %scan3A_62 = %scan3A_33 to %scan3A_35 step %scan3A_36  : i32 {
      %mul3A_63 = arith.constant 2 : i32
      %mul3A_64 = arith.muli %mul3A_63, %scan3A_62 : i32
      %add3A_65 = arith.addi %mul3A_4, %mul3A_64 : i32
      %add3A_66 = arith.constant 3 : i32
      %add3A_67 = arith.addi %add3A_65, %add3A_66 : i32
      %add3A_68 = arith.constant 115 : i32
      %add3A_69 = arith.addi %mul3A_4, %add3A_68 : i32
      %sub3A_70 = arith.constant 1 : i32
      %sub3A_71 = arith.subi %add3A_69, %sub3A_70 : i32
      %min3A = arith.minsi %add3A_67, %sub3A_71 : i32
      %add3A_72 = arith.constant 1 : i32
      %add3A_73 = arith.addi %add3A_65, %add3A_72 : i32
      %dma_wait3A_74 = arith.constant 0 : i32
      %dma_wait3A_75 = arith.constant 0 : i32
      %dma_wait3A_76 = tpu.memref_slice %arg3[%add3A_73, %dma_wait3A_74, %dma_wait3A_75] : memref<3680x2x88xi32, #tpu.memory_space<hbm>> -> memref<1x2x88xi32, #tpu.memory_space<hbm>>
      %dma_wait3A_77 = tpu.memref_squeeze %dma_wait3A_76 : memref<1x2x88xi32, #tpu.memory_space<hbm>> -> memref<2x88xi32, #tpu.memory_space<hbm>>
      %dma_wait3A_78 = arith.constant 0 : i32
      %dma_wait3A_79 = arith.constant 0 : i32
      %dma_wait3A_80 = tpu.memref_slice %arg3[%add3A_73, %dma_wait3A_78, %dma_wait3A_79] : memref<3680x2x88xi32, #tpu.memory_space<hbm>> -> memref<1x2x88xi32, #tpu.memory_space<hbm>>
      %dma_wait3A_81 = tpu.memref_squeeze %dma_wait3A_80 : memref<1x2x88xi32, #tpu.memory_space<hbm>> -> memref<2x88xi32, #tpu.memory_space<hbm>>
      tpu.wait_dma2 semaphore(%arg13 : memref<!tpu.dma_semaphore, #tpu.memory_space<semaphore_mem>>) src(%dma_wait3A_81 : memref<2x88xi32, #tpu.memory_space<hbm>>) dst(%arg6 : memref<2x88xi32, #tpu.memory_space<vmem>>)
      %dma_start3A_82 = arith.constant 0 : i32
      %dma_start3A_83 = arith.constant 0 : i32
      %dma_start3A_84 = tpu.memref_slice %arg6[%dma_start3A_82, %dma_start3A_83] : memref<2x88xi32, #tpu.memory_space<vmem>> -> memref<1x88xi32, #tpu.memory_space<vmem>>
      %dma_start3A_85 = tpu.memref_squeeze %dma_start3A_84 : memref<1x88xi32, #tpu.memory_space<vmem>> -> memref<88xi32, #tpu.memory_space<vmem>>
      %dma_start3A_86 = arith.constant 0 : i32
      %dma_start3A_87 = arith.constant 0 : i32
      %dma_start3A_88 = tpu.memref_slice %arg2[%dma_start3A_86, %dma_start3A_87] : memref<10000x160xf32, #tpu.memory_space<hbm>> -> memref<10000x160xf32, #tpu.memory_space<hbm>>
      tpu.enqueue_indirect_dma source(%dma_start3A_88 : memref<10000x160xf32, #tpu.memory_space<hbm>>) target(%arg8 : memref<88x160xf32, #tpu.memory_space<vmem>>) offsets(%dma_start3A_85 : memref<88xi32, #tpu.memory_space<vmem>>) semaphore(%arg11 : memref<!tpu.dma_semaphore, #tpu.memory_space<semaphore_mem>>)
      %dma_wait3A_89 = arith.constant 0 : i32
      %dma_wait3A_90 = arith.constant 0 : i32
      %dma_wait3A_91 = tpu.memref_slice %arg5[%dma_wait3A_89, %dma_wait3A_90] : memref<2x88xi32, #tpu.memory_space<vmem>> -> memref<1x88xi32, #tpu.memory_space<vmem>>
      %dma_wait3A_92 = tpu.memref_squeeze %dma_wait3A_91 : memref<1x88xi32, #tpu.memory_space<vmem>> -> memref<88xi32, #tpu.memory_space<vmem>>
      %dma_wait3A_93 = arith.constant 0 : i32
      %dma_wait3A_94 = arith.constant 0 : i32
      %dma_wait3A_95 = tpu.memref_slice %arg2[%dma_wait3A_93, %dma_wait3A_94] : memref<10000x160xf32, #tpu.memory_space<hbm>> -> memref<10000x160xf32, #tpu.memory_space<hbm>>
      tpu.wait_indirect_dma semaphore(%arg10 : memref<!tpu.dma_semaphore, #tpu.memory_space<semaphore_mem>>) src(%dma_wait3A_95 : memref<10000x160xf32, #tpu.memory_space<hbm>>) dst(%arg7 : memref<88x160xf32, #tpu.memory_space<vmem>>)
      %run_scoped3A_96 = arith.constant 1 : i32
      "tpu.region"() ({
        %run_scoped3A_140 = tpu.sem_alloc : memref<!tpu.dma_semaphore, #tpu.memory_space<semaphore_mem>>
        %dma_start3A_141 = arith.constant 0 : i32
        %dma_start3A_142 = tpu.memref_slice %arg5[%run_scoped3A_96, %dma_start3A_141] : memref<2x88xi32, #tpu.memory_space<vmem>> -> memref<1x88xi32, #tpu.memory_space<vmem>>
        %dma_start3A_143 = tpu.memref_squeeze %dma_start3A_142 : memref<1x88xi32, #tpu.memory_space<vmem>> -> memref<88xi32, #tpu.memory_space<vmem>>
        %dma_start3A_144 = arith.constant 0 : i32
        %dma_start3A_145 = arith.constant 0 : i32
        %dma_start3A_146 = tpu.memref_slice %arg9[%dma_start3A_144, %dma_start3A_145] : memref<10240x160xf32, #tpu.memory_space<vmem_shared>> -> memref<10240x160xf32, #tpu.memory_space<vmem_shared>>
        tpu.enqueue_indirect_dma source(%arg7 : memref<88x160xf32, #tpu.memory_space<vmem>>) target(%dma_start3A_146 : memref<10240x160xf32, #tpu.memory_space<vmem_shared>>) offsets(%dma_start3A_143 : memref<88xi32, #tpu.memory_space<vmem>>) semaphore(%run_scoped3A_140 : memref<!tpu.dma_semaphore, #tpu.memory_space<semaphore_mem>>) {add = true}
        %dma_wait3A_147 = arith.constant 0 : i32
        %dma_wait3A_148 = tpu.memref_slice %arg5[%run_scoped3A_96, %dma_wait3A_147] : memref<2x88xi32, #tpu.memory_space<vmem>> -> memref<1x88xi32, #tpu.memory_space<vmem>>
        %dma_wait3A_149 = tpu.memref_squeeze %dma_wait3A_148 : memref<1x88xi32, #tpu.memory_space<vmem>> -> memref<88xi32, #tpu.memory_space<vmem>>
        %dma_wait3A_150 = arith.constant 0 : i32
        %dma_wait3A_151 = arith.constant 0 : i32
        %dma_wait3A_152 = tpu.memref_slice %arg9[%dma_wait3A_150, %dma_wait3A_151] : memref<10240x160xf32, #tpu.memory_space<vmem_shared>> -> memref<10240x160xf32, #tpu.memory_space<vmem_shared>>
        tpu.wait_indirect_dma semaphore(%run_scoped3A_140 : memref<!tpu.dma_semaphore, #tpu.memory_space<semaphore_mem>>) src(%arg7 : memref<88x160xf32, #tpu.memory_space<vmem>>) dst(%dma_wait3A_152 : memref<10240x160xf32, #tpu.memory_space<vmem_shared>>)
        tpu.yield
      }) : () -> ()
      %add3A_97 = arith.constant 2 : i32
      %add3A_98 = arith.addi %add3A_65, %add3A_97 : i32
      %dma_start3A_99 = arith.constant 0 : i32
      %dma_start3A_100 = arith.constant 0 : i32
      %dma_start3A_101 = tpu.memref_slice %arg3[%add3A_98, %dma_start3A_99, %dma_start3A_100] : memref<3680x2x88xi32, #tpu.memory_space<hbm>> -> memref<1x2x88xi32, #tpu.memory_space<hbm>>
      %dma_start3A_102 = tpu.memref_squeeze %dma_start3A_101 : memref<1x2x88xi32, #tpu.memory_space<hbm>> -> memref<2x88xi32, #tpu.memory_space<hbm>>
      %dma_start3A_103 = arith.constant 0 : i32
      %dma_start3A_104 = arith.constant 0 : i32
      %dma_start3A_105 = tpu.memref_slice %arg3[%add3A_98, %dma_start3A_103, %dma_start3A_104] : memref<3680x2x88xi32, #tpu.memory_space<hbm>> -> memref<1x2x88xi32, #tpu.memory_space<hbm>>
      %dma_start3A_106 = tpu.memref_squeeze %dma_start3A_105 : memref<1x2x88xi32, #tpu.memory_space<hbm>> -> memref<2x88xi32, #tpu.memory_space<hbm>>
      tpu.enqueue_dma source(%dma_start3A_106 : memref<2x88xi32, #tpu.memory_space<hbm>>) target(%arg5 : memref<2x88xi32, #tpu.memory_space<vmem>>) target_semaphore(%arg12 : memref<!tpu.dma_semaphore, #tpu.memory_space<semaphore_mem>>)
      %add3A_107 = arith.constant 2 : i32
      %add3A_108 = arith.addi %add3A_65, %add3A_107 : i32
      %dma_wait3A_109 = arith.constant 0 : i32
      %dma_wait3A_110 = arith.constant 0 : i32
      %dma_wait3A_111 = tpu.memref_slice %arg3[%add3A_108, %dma_wait3A_109, %dma_wait3A_110] : memref<3680x2x88xi32, #tpu.memory_space<hbm>> -> memref<1x2x88xi32, #tpu.memory_space<hbm>>
      %dma_wait3A_112 = tpu.memref_squeeze %dma_wait3A_111 : memref<1x2x88xi32, #tpu.memory_space<hbm>> -> memref<2x88xi32, #tpu.memory_space<hbm>>
      %dma_wait3A_113 = arith.constant 0 : i32
      %dma_wait3A_114 = arith.constant 0 : i32
      %dma_wait3A_115 = tpu.memref_slice %arg3[%add3A_108, %dma_wait3A_113, %dma_wait3A_114] : memref<3680x2x88xi32, #tpu.memory_space<hbm>> -> memref<1x2x88xi32, #tpu.memory_space<hbm>>
      %dma_wait3A_116 = tpu.memref_squeeze %dma_wait3A_115 : memref<1x2x88xi32, #tpu.memory_space<hbm>> -> memref<2x88xi32, #tpu.memory_space<hbm>>
      tpu.wait_dma2 semaphore(%arg12 : memref<!tpu.dma_semaphore, #tpu.memory_space<semaphore_mem>>) src(%dma_wait3A_116 : memref<2x88xi32, #tpu.memory_space<hbm>>) dst(%arg5 : memref<2x88xi32, #tpu.memory_space<vmem>>)
      %dma_start3A_117 = arith.constant 0 : i32
      %dma_start3A_118 = arith.constant 0 : i32
      %dma_start3A_119 = tpu.memref_slice %arg5[%dma_start3A_117, %dma_start3A_118] : memref<2x88xi32, #tpu.memory_space<vmem>> -> memref<1x88xi32, #tpu.memory_space<vmem>>
      %dma_start3A_120 = tpu.memref_squeeze %dma_start3A_119 : memref<1x88xi32, #tpu.memory_space<vmem>> -> memref<88xi32, #tpu.memory_space<vmem>>
      %dma_start3A_121 = arith.constant 0 : i32
      %dma_start3A_122 = arith.constant 0 : i32
      %dma_start3A_123 = tpu.memref_slice %arg2[%dma_start3A_121, %dma_start3A_122] : memref<10000x160xf32, #tpu.memory_space<hbm>> -> memref<10000x160xf32, #tpu.memory_space<hbm>>
      tpu.enqueue_indirect_dma source(%dma_start3A_123 : memref<10000x160xf32, #tpu.memory_space<hbm>>) target(%arg7 : memref<88x160xf32, #tpu.memory_space<vmem>>) offsets(%dma_start3A_120 : memref<88xi32, #tpu.memory_space<vmem>>) semaphore(%arg10 : memref<!tpu.dma_semaphore, #tpu.memory_space<semaphore_mem>>)
      %dma_wait3A_124 = arith.constant 0 : i32
      %dma_wait3A_125 = arith.constant 0 : i32
      %dma_wait3A_126 = tpu.memref_slice %arg6[%dma_wait3A_124, %dma_wait3A_125] : memref<2x88xi32, #tpu.memory_space<vmem>> -> memref<1x88xi32, #tpu.memory_space<vmem>>
      %dma_wait3A_127 = tpu.memref_squeeze %dma_wait3A_126 : memref<1x88xi32, #tpu.memory_space<vmem>> -> memref<88xi32, #tpu.memory_space<vmem>>
      %dma_wait3A_128 = arith.constant 0 : i32
      %dma_wait3A_129 = arith.constant 0 : i32
      %dma_wait3A_130 = tpu.memref_slice %arg2[%dma_wait3A_128, %dma_wait3A_129] : memref<10000x160xf32, #tpu.memory_space<hbm>> -> memref<10000x160xf32, #tpu.memory_space<hbm>>
      tpu.wait_indirect_dma semaphore(%arg11 : memref<!tpu.dma_semaphore, #tpu.memory_space<semaphore_mem>>) src(%dma_wait3A_130 : memref<10000x160xf32, #tpu.memory_space<hbm>>) dst(%arg8 : memref<88x160xf32, #tpu.memory_space<vmem>>)
      %run_scoped3A_131 = arith.constant 1 : i32
      "tpu.region"() ({
        %run_scoped3A_140 = tpu.sem_alloc : memref<!tpu.dma_semaphore, #tpu.memory_space<semaphore_mem>>
        %dma_start3A_141 = arith.constant 0 : i32
        %dma_start3A_142 = tpu.memref_slice %arg6[%run_scoped3A_131, %dma_start3A_141] : memref<2x88xi32, #tpu.memory_space<vmem>> -> memref<1x88xi32, #tpu.memory_space<vmem>>
        %dma_start3A_143 = tpu.memref_squeeze %dma_start3A_142 : memref<1x88xi32, #tpu.memory_space<vmem>> -> memref<88xi32, #tpu.memory_space<vmem>>
        %dma_start3A_144 = arith.constant 0 : i32
        %dma_start3A_145 = arith.constant 0 : i32
        %dma_start3A_146 = tpu.memref_slice %arg9[%dma_start3A_144, %dma_start3A_145] : memref<10240x160xf32, #tpu.memory_space<vmem_shared>> -> memref<10240x160xf32, #tpu.memory_space<vmem_shared>>
        tpu.enqueue_indirect_dma source(%arg8 : memref<88x160xf32, #tpu.memory_space<vmem>>) target(%dma_start3A_146 : memref<10240x160xf32, #tpu.memory_space<vmem_shared>>) offsets(%dma_start3A_143 : memref<88xi32, #tpu.memory_space<vmem>>) semaphore(%run_scoped3A_140 : memref<!tpu.dma_semaphore, #tpu.memory_space<semaphore_mem>>) {add = true}
        %dma_wait3A_147 = arith.constant 0 : i32
        %dma_wait3A_148 = tpu.memref_slice %arg6[%run_scoped3A_131, %dma_wait3A_147] : memref<2x88xi32, #tpu.memory_space<vmem>> -> memref<1x88xi32, #tpu.memory_space<vmem>>
        %dma_wait3A_149 = tpu.memref_squeeze %dma_wait3A_148 : memref<1x88xi32, #tpu.memory_space<vmem>> -> memref<88xi32, #tpu.memory_space<vmem>>
        %dma_wait3A_150 = arith.constant 0 : i32
        %dma_wait3A_151 = arith.constant 0 : i32
        %dma_wait3A_152 = tpu.memref_slice %arg9[%dma_wait3A_150, %dma_wait3A_151] : memref<10240x160xf32, #tpu.memory_space<vmem_shared>> -> memref<10240x160xf32, #tpu.memory_space<vmem_shared>>
        tpu.wait_indirect_dma semaphore(%run_scoped3A_140 : memref<!tpu.dma_semaphore, #tpu.memory_space<semaphore_mem>>) src(%arg8 : memref<88x160xf32, #tpu.memory_space<vmem>>) dst(%dma_wait3A_152 : memref<10240x160xf32, #tpu.memory_space<vmem_shared>>)
        tpu.yield
      }) : () -> ()
      %dma_start3A_132 = arith.constant 0 : i32
      %dma_start3A_133 = arith.constant 0 : i32
      %dma_start3A_134 = tpu.memref_slice %arg3[%min3A, %dma_start3A_132, %dma_start3A_133] : memref<3680x2x88xi32, #tpu.memory_space<hbm>> -> memref<1x2x88xi32, #tpu.memory_space<hbm>>
      %dma_start3A_135 = tpu.memref_squeeze %dma_start3A_134 : memref<1x2x88xi32, #tpu.memory_space<hbm>> -> memref<2x88xi32, #tpu.memory_space<hbm>>
      %dma_start3A_136 = arith.constant 0 : i32
      %dma_start3A_137 = arith.constant 0 : i32
      %dma_start3A_138 = tpu.memref_slice %arg3[%min3A, %dma_start3A_136, %dma_start3A_137] : memref<3680x2x88xi32, #tpu.memory_space<hbm>> -> memref<1x2x88xi32, #tpu.memory_space<hbm>>
      %dma_start3A_139 = tpu.memref_squeeze %dma_start3A_138 : memref<1x2x88xi32, #tpu.memory_space<hbm>> -> memref<2x88xi32, #tpu.memory_space<hbm>>
      tpu.enqueue_dma source(%dma_start3A_139 : memref<2x88xi32, #tpu.memory_space<hbm>>) target(%arg6 : memref<2x88xi32, #tpu.memory_space<vmem>>) target_semaphore(%arg13 : memref<!tpu.dma_semaphore, #tpu.memory_space<semaphore_mem>>)
    }
    %scan3A_37 = arith.constant 57 : i32
    %dma_wait3A = arith.constant 0 : i32
    %dma_wait3A_38 = arith.constant 0 : i32
    %dma_wait3A_39 = tpu.memref_slice %arg5[%dma_wait3A, %dma_wait3A_38] : memref<2x88xi32, #tpu.memory_space<vmem>> -> memref<1x88xi32, #tpu.memory_space<vmem>>
    %dma_wait3A_40 = tpu.memref_squeeze %dma_wait3A_39 : memref<1x88xi32, #tpu.memory_space<vmem>> -> memref<88xi32, #tpu.memory_space<vmem>>
    %dma_wait3A_41 = arith.constant 0 : i32
    %dma_wait3A_42 = arith.constant 0 : i32
    %dma_wait3A_43 = tpu.memref_slice %arg2[%dma_wait3A_41, %dma_wait3A_42] : memref<10000x160xf32, #tpu.memory_space<hbm>> -> memref<10000x160xf32, #tpu.memory_space<hbm>>
    tpu.wait_indirect_dma semaphore(%arg10 : memref<!tpu.dma_semaphore, #tpu.memory_space<semaphore_mem>>) src(%dma_wait3A_43 : memref<10000x160xf32, #tpu.memory_space<hbm>>) dst(%arg7 : memref<88x160xf32, #tpu.memory_space<vmem>>)
    %run_scoped3A = arith.constant 1 : i32
    "tpu.region"() ({
      %run_scoped3A_62 = tpu.sem_alloc : memref<!tpu.dma_semaphore, #tpu.memory_space<semaphore_mem>>
      %dma_start3A_63 = arith.constant 0 : i32
      %dma_start3A_64 = tpu.memref_slice %arg5[%run_scoped3A, %dma_start3A_63] : memref<2x88xi32, #tpu.memory_space<vmem>> -> memref<1x88xi32, #tpu.memory_space<vmem>>
      %dma_start3A_65 = tpu.memref_squeeze %dma_start3A_64 : memref<1x88xi32, #tpu.memory_space<vmem>> -> memref<88xi32, #tpu.memory_space<vmem>>
      %dma_start3A_66 = arith.constant 0 : i32
      %dma_start3A_67 = arith.constant 0 : i32
      %dma_start3A_68 = tpu.memref_slice %arg9[%dma_start3A_66, %dma_start3A_67] : memref<10240x160xf32, #tpu.memory_space<vmem_shared>> -> memref<10240x160xf32, #tpu.memory_space<vmem_shared>>
      tpu.enqueue_indirect_dma source(%arg7 : memref<88x160xf32, #tpu.memory_space<vmem>>) target(%dma_start3A_68 : memref<10240x160xf32, #tpu.memory_space<vmem_shared>>) offsets(%dma_start3A_65 : memref<88xi32, #tpu.memory_space<vmem>>) semaphore(%run_scoped3A_62 : memref<!tpu.dma_semaphore, #tpu.memory_space<semaphore_mem>>) {add = true}
      %dma_wait3A_69 = arith.constant 0 : i32
      %dma_wait3A_70 = tpu.memref_slice %arg5[%run_scoped3A, %dma_wait3A_69] : memref<2x88xi32, #tpu.memory_space<vmem>> -> memref<1x88xi32, #tpu.memory_space<vmem>>
      %dma_wait3A_71 = tpu.memref_squeeze %dma_wait3A_70 : memref<1x88xi32, #tpu.memory_space<vmem>> -> memref<88xi32, #tpu.memory_space<vmem>>
      %dma_wait3A_72 = arith.constant 0 : i32
      %dma_wait3A_73 = arith.constant 0 : i32
      %dma_wait3A_74 = tpu.memref_slice %arg9[%dma_wait3A_72, %dma_wait3A_73] : memref<10240x160xf32, #tpu.memory_space<vmem_shared>> -> memref<10240x160xf32, #tpu.memory_space<vmem_shared>>
      tpu.wait_indirect_dma semaphore(%run_scoped3A_62 : memref<!tpu.dma_semaphore, #tpu.memory_space<semaphore_mem>>) src(%arg7 : memref<88x160xf32, #tpu.memory_space<vmem>>) dst(%dma_wait3A_74 : memref<10240x160xf32, #tpu.memory_space<vmem_shared>>)
      tpu.yield
    }) : () -> ()
    %add3A_44 = arith.constant 115 : i32
    %add3A_45 = arith.addi %mul3A_4, %add3A_44 : i32
    %sub3A = arith.constant 1 : i32
    %sub3A_46 = arith.subi %add3A_45, %sub3A : i32
    %dma_wait3A_47 = arith.constant 0 : i32
    %dma_wait3A_48 = arith.constant 0 : i32
    %dma_wait3A_49 = tpu.memref_slice %arg3[%sub3A_46, %dma_wait3A_47, %dma_wait3A_48] : memref<3680x2x88xi32, #tpu.memory_space<hbm>> -> memref<1x2x88xi32, #tpu.memory_space<hbm>>
    %dma_wait3A_50 = tpu.memref_squeeze %dma_wait3A_49 : memref<1x2x88xi32, #tpu.memory_space<hbm>> -> memref<2x88xi32, #tpu.memory_space<hbm>>
    %dma_wait3A_51 = arith.constant 0 : i32
    %dma_wait3A_52 = arith.constant 0 : i32
    %dma_wait3A_53 = tpu.memref_slice %arg3[%sub3A_46, %dma_wait3A_51, %dma_wait3A_52] : memref<3680x2x88xi32, #tpu.memory_space<hbm>> -> memref<1x2x88xi32, #tpu.memory_space<hbm>>
    %dma_wait3A_54 = tpu.memref_squeeze %dma_wait3A_53 : memref<1x2x88xi32, #tpu.memory_space<hbm>> -> memref<2x88xi32, #tpu.memory_space<hbm>>
    tpu.wait_dma2 semaphore(%arg13 : memref<!tpu.dma_semaphore, #tpu.memory_space<semaphore_mem>>) src(%dma_wait3A_54 : memref<2x88xi32, #tpu.memory_space<hbm>>) dst(%arg6 : memref<2x88xi32, #tpu.memory_space<vmem>>)
    %barrier3A_55 = arith.constant 0 : index
    tpu.barrier barrier_id(%barrier3A_55)
    %scan3A_56 = arith.constant 0 : i32
    %scan3A_57 = arith.constant 0 : i32
    %scan3A_58 = arith.constant 4 : i32
    %scan3A_59 = arith.addi %scan3A_57, %scan3A_58 : i32
    %scan3A_60 = arith.constant 1 : i32
    scf.for %scan3A_62 = %scan3A_57 to %scan3A_59 step %scan3A_60  : i32 {
      %mul3A_63 = arith.constant 2 : i32
      %mul3A_64 = arith.muli %mul3A_63, %scan3A_62 : i32
      %mul3A_65 = arith.constant 80 : i32
      %mul3A_66 = arith.muli %mul3A_64, %mul3A_65 : i32
      %add3A_67 = arith.addi %mul3A_0, %mul3A_66 : i32
      %add3A_68 = arith.constant 80 : i32
      %add3A_69 = arith.addi %add3A_67, %add3A_68 : i32
      "tpu.region"() ({
        %run_scoped3A_118 = tpu.sem_alloc : memref<!tpu.dma_semaphore, #tpu.memory_space<semaphore_mem>>
        %dma_start3A_119 = arith.constant 0 : i32
        %dma_start3A_120 = arith.constant 0 : i32
        %dma_start3A_121 = tpu.memref_slice %arg7[%dma_start3A_119, %dma_start3A_120] : memref<88x160xf32, #tpu.memory_space<vmem>> -> memref<80x160xf32, #tpu.memory_space<vmem>>
        %dma_start3A_122 = arith.constant 0 : i32
        %dma_start3A_123 = tpu.memref_slice %arg9[%add3A_67, %dma_start3A_122] : memref<10240x160xf32, #tpu.memory_space<vmem_shared>> -> memref<80x160xf32, #tpu.memory_space<vmem_shared>>
        %dma_start3A_124 = arith.constant 0 : i32
        %dma_start3A_125 = arith.constant 0 : i32
        %dma_start3A_126 = tpu.memref_slice %arg7[%dma_start3A_124, %dma_start3A_125] : memref<88x160xf32, #tpu.memory_space<vmem>> -> memref<80x160xf32, #tpu.memory_space<vmem>>
        %dma_start3A_127 = arith.constant 0 : i32
        %dma_start3A_128 = tpu.memref_slice %arg9[%add3A_67, %dma_start3A_127] : memref<10240x160xf32, #tpu.memory_space<vmem_shared>> -> memref<80x160xf32, #tpu.memory_space<vmem_shared>>
        tpu.enqueue_dma source(%dma_start3A_128 : memref<80x160xf32, #tpu.memory_space<vmem_shared>>) target(%dma_start3A_126 : memref<80x160xf32, #tpu.memory_space<vmem>>) target_semaphore(%run_scoped3A_118 : memref<!tpu.dma_semaphore, #tpu.memory_space<semaphore_mem>>)
        %dma_wait3A_129 = arith.constant 0 : i32
        %dma_wait3A_130 = arith.constant 0 : i32
        %dma_wait3A_131 = tpu.memref_slice %arg7[%dma_wait3A_129, %dma_wait3A_130] : memref<88x160xf32, #tpu.memory_space<vmem>> -> memref<80x160xf32, #tpu.memory_space<vmem>>
        %dma_wait3A_132 = arith.constant 0 : i32
        %dma_wait3A_133 = tpu.memref_slice %arg9[%add3A_67, %dma_wait3A_132] : memref<10240x160xf32, #tpu.memory_space<vmem_shared>> -> memref<80x160xf32, #tpu.memory_space<vmem_shared>>
        %dma_wait3A_134 = arith.constant 0 : i32
        %dma_wait3A_135 = arith.constant 0 : i32
        %dma_wait3A_136 = tpu.memref_slice %arg7[%dma_wait3A_134, %dma_wait3A_135] : memref<88x160xf32, #tpu.memory_space<vmem>> -> memref<80x160xf32, #tpu.memory_space<vmem>>
        %dma_wait3A_137 = arith.constant 0 : i32
        %dma_wait3A_138 = tpu.memref_slice %arg9[%add3A_67, %dma_wait3A_137] : memref<10240x160xf32, #tpu.memory_space<vmem_shared>> -> memref<80x160xf32, #tpu.memory_space<vmem_shared>>
        tpu.wait_dma2 semaphore(%run_scoped3A_118 : memref<!tpu.dma_semaphore, #tpu.memory_space<semaphore_mem>>) src(%dma_wait3A_138 : memref<80x160xf32, #tpu.memory_space<vmem_shared>>) dst(%dma_wait3A_136 : memref<80x160xf32, #tpu.memory_space<vmem>>)
        tpu.yield
      }) : () -> ()
      %dma_start3A_70 = arith.constant 0 : i32
      %dma_start3A_71 = arith.constant 0 : i32
      %dma_start3A_72 = tpu.memref_slice %arg7[%dma_start3A_70, %dma_start3A_71] : memref<88x160xf32, #tpu.memory_space<vmem>> -> memref<80x160xf32, #tpu.memory_space<vmem>>
      %dma_start3A_73 = arith.constant 0 : i32
      %dma_start3A_74 = tpu.memref_slice %arg4[%arg0, %add3A_67, %dma_start3A_73] : memref<2x10240x160xf32, #tpu.memory_space<hbm>> -> memref<1x80x160xf32, #tpu.memory_space<hbm>>
      %dma_start3A_75 = tpu.memref_squeeze %dma_start3A_74 : memref<1x80x160xf32, #tpu.memory_space<hbm>> -> memref<80x160xf32, #tpu.memory_space<hbm>>
      %dma_start3A_76 = arith.constant 0 : i32
      %dma_start3A_77 = tpu.memref_slice %arg4[%arg0, %add3A_67, %dma_start3A_76] : memref<2x10240x160xf32, #tpu.memory_space<hbm>> -> memref<1x80x160xf32, #tpu.memory_space<hbm>>
      %dma_start3A_78 = tpu.memref_squeeze %dma_start3A_77 : memref<1x80x160xf32, #tpu.memory_space<hbm>> -> memref<80x160xf32, #tpu.memory_space<hbm>>
      %dma_start3A_79 = arith.constant 0 : i32
      %dma_start3A_80 = arith.constant 0 : i32
      %dma_start3A_81 = tpu.memref_slice %arg7[%dma_start3A_79, %dma_start3A_80] : memref<88x160xf32, #tpu.memory_space<vmem>> -> memref<80x160xf32, #tpu.memory_space<vmem>>
      tpu.enqueue_dma source(%dma_start3A_81 : memref<80x160xf32, #tpu.memory_space<vmem>>) target(%dma_start3A_78 : memref<80x160xf32, #tpu.memory_space<hbm>>) target_semaphore(%arg10 : memref<!tpu.dma_semaphore, #tpu.memory_space<semaphore_mem>>)
      "tpu.region"() ({
        %run_scoped3A_118 = tpu.sem_alloc : memref<!tpu.dma_semaphore, #tpu.memory_space<semaphore_mem>>
        %dma_start3A_119 = arith.constant 0 : i32
        %dma_start3A_120 = arith.constant 0 : i32
        %dma_start3A_121 = tpu.memref_slice %arg8[%dma_start3A_119, %dma_start3A_120] : memref<88x160xf32, #tpu.memory_space<vmem>> -> memref<80x160xf32, #tpu.memory_space<vmem>>
        %dma_start3A_122 = arith.constant 0 : i32
        %dma_start3A_123 = tpu.memref_slice %arg9[%add3A_69, %dma_start3A_122] : memref<10240x160xf32, #tpu.memory_space<vmem_shared>> -> memref<80x160xf32, #tpu.memory_space<vmem_shared>>
        %dma_start3A_124 = arith.constant 0 : i32
        %dma_start3A_125 = arith.constant 0 : i32
        %dma_start3A_126 = tpu.memref_slice %arg8[%dma_start3A_124, %dma_start3A_125] : memref<88x160xf32, #tpu.memory_space<vmem>> -> memref<80x160xf32, #tpu.memory_space<vmem>>
        %dma_start3A_127 = arith.constant 0 : i32
        %dma_start3A_128 = tpu.memref_slice %arg9[%add3A_69, %dma_start3A_127] : memref<10240x160xf32, #tpu.memory_space<vmem_shared>> -> memref<80x160xf32, #tpu.memory_space<vmem_shared>>
        tpu.enqueue_dma source(%dma_start3A_128 : memref<80x160xf32, #tpu.memory_space<vmem_shared>>) target(%dma_start3A_126 : memref<80x160xf32, #tpu.memory_space<vmem>>) target_semaphore(%run_scoped3A_118 : memref<!tpu.dma_semaphore, #tpu.memory_space<semaphore_mem>>)
        %dma_wait3A_129 = arith.constant 0 : i32
        %dma_wait3A_130 = arith.constant 0 : i32
        %dma_wait3A_131 = tpu.memref_slice %arg8[%dma_wait3A_129, %dma_wait3A_130] : memref<88x160xf32, #tpu.memory_space<vmem>> -> memref<80x160xf32, #tpu.memory_space<vmem>>
        %dma_wait3A_132 = arith.constant 0 : i32
        %dma_wait3A_133 = tpu.memref_slice %arg9[%add3A_69, %dma_wait3A_132] : memref<10240x160xf32, #tpu.memory_space<vmem_shared>> -> memref<80x160xf32, #tpu.memory_space<vmem_shared>>
        %dma_wait3A_134 = arith.constant 0 : i32
        %dma_wait3A_135 = arith.constant 0 : i32
        %dma_wait3A_136 = tpu.memref_slice %arg8[%dma_wait3A_134, %dma_wait3A_135] : memref<88x160xf32, #tpu.memory_space<vmem>> -> memref<80x160xf32, #tpu.memory_space<vmem>>
        %dma_wait3A_137 = arith.constant 0 : i32
        %dma_wait3A_138 = tpu.memref_slice %arg9[%add3A_69, %dma_wait3A_137] : memref<10240x160xf32, #tpu.memory_space<vmem_shared>> -> memref<80x160xf32, #tpu.memory_space<vmem_shared>>
        tpu.wait_dma2 semaphore(%run_scoped3A_118 : memref<!tpu.dma_semaphore, #tpu.memory_space<semaphore_mem>>) src(%dma_wait3A_138 : memref<80x160xf32, #tpu.memory_space<vmem_shared>>) dst(%dma_wait3A_136 : memref<80x160xf32, #tpu.memory_space<vmem>>)
        tpu.yield
      }) : () -> ()
      %dma_start3A_82 = arith.constant 0 : i32
      %dma_start3A_83 = arith.constant 0 : i32
      %dma_start3A_84 = tpu.memref_slice %arg8[%dma_start3A_82, %dma_start3A_83] : memref<88x160xf32, #tpu.memory_space<vmem>> -> memref<80x160xf32, #tpu.memory_space<vmem>>
      %dma_start3A_85 = arith.constant 0 : i32
      %dma_start3A_86 = tpu.memref_slice %arg4[%arg0, %add3A_69, %dma_start3A_85] : memref<2x10240x160xf32, #tpu.memory_space<hbm>> -> memref<1x80x160xf32, #tpu.memory_space<hbm>>
      %dma_start3A_87 = tpu.memref_squeeze %dma_start3A_86 : memref<1x80x160xf32, #tpu.memory_space<hbm>> -> memref<80x160xf32, #tpu.memory_space<hbm>>
      %dma_start3A_88 = arith.constant 0 : i32
      %dma_start3A_89 = tpu.memref_slice %arg4[%arg0, %add3A_69, %dma_start3A_88] : memref<2x10240x160xf32, #tpu.memory_space<hbm>> -> memref<1x80x160xf32, #tpu.memory_space<hbm>>
      %dma_start3A_90 = tpu.memref_squeeze %dma_start3A_89 : memref<1x80x160xf32, #tpu.memory_space<hbm>> -> memref<80x160xf32, #tpu.memory_space<hbm>>
      %dma_start3A_91 = arith.constant 0 : i32
      %dma_start3A_92 = arith.constant 0 : i32
      %dma_start3A_93 = tpu.memref_slice %arg8[%dma_start3A_91, %dma_start3A_92] : memref<88x160xf32, #tpu.memory_space<vmem>> -> memref<80x160xf32, #tpu.memory_space<vmem>>
      tpu.enqueue_dma source(%dma_start3A_93 : memref<80x160xf32, #tpu.memory_space<vmem>>) target(%dma_start3A_90 : memref<80x160xf32, #tpu.memory_space<hbm>>) target_semaphore(%arg11 : memref<!tpu.dma_semaphore, #tpu.memory_space<semaphore_mem>>)
      %dma_wait3A_94 = arith.constant 0 : i32
      %dma_wait3A_95 = arith.constant 0 : i32
      %dma_wait3A_96 = tpu.memref_slice %arg7[%dma_wait3A_94, %dma_wait3A_95] : memref<88x160xf32, #tpu.memory_space<vmem>> -> memref<80x160xf32, #tpu.memory_space<vmem>>
      %dma_wait3A_97 = arith.constant 0 : i32
      %dma_wait3A_98 = tpu.memref_slice %arg4[%arg0, %add3A_67, %dma_wait3A_97] : memref<2x10240x160xf32, #tpu.memory_space<hbm>> -> memref<1x80x160xf32, #tpu.memory_space<hbm>>
      %dma_wait3A_99 = tpu.memref_squeeze %dma_wait3A_98 : memref<1x80x160xf32, #tpu.memory_space<hbm>> -> memref<80x160xf32, #tpu.memory_space<hbm>>
      %dma_wait3A_100 = arith.constant 0 : i32
      %dma_wait3A_101 = tpu.memref_slice %arg4[%arg0, %add3A_67, %dma_wait3A_100] : memref<2x10240x160xf32, #tpu.memory_space<hbm>> -> memref<1x80x160xf32, #tpu.memory_space<hbm>>
      %dma_wait3A_102 = tpu.memref_squeeze %dma_wait3A_101 : memref<1x80x160xf32, #tpu.memory_space<hbm>> -> memref<80x160xf32, #tpu.memory_space<hbm>>
      %dma_wait3A_103 = arith.constant 0 : i32
      %dma_wait3A_104 = arith.constant 0 : i32
      %dma_wait3A_105 = tpu.memref_slice %arg7[%dma_wait3A_103, %dma_wait3A_104] : memref<88x160xf32, #tpu.memory_space<vmem>> -> memref<80x160xf32, #tpu.memory_space<vmem>>
      tpu.wait_dma2 semaphore(%arg10 : memref<!tpu.dma_semaphore, #tpu.memory_space<semaphore_mem>>) src(%dma_wait3A_105 : memref<80x160xf32, #tpu.memory_space<vmem>>) dst(%dma_wait3A_102 : memref<80x160xf32, #tpu.memory_space<hbm>>)
      %dma_wait3A_106 = arith.constant 0 : i32
      %dma_wait3A_107 = arith.constant 0 : i32
      %dma_wait3A_108 = tpu.memref_slice %arg8[%dma_wait3A_106, %dma_wait3A_107] : memref<88x160xf32, #tpu.memory_space<vmem>> -> memref<80x160xf32, #tpu.memory_space<vmem>>
      %dma_wait3A_109 = arith.constant 0 : i32
      %dma_wait3A_110 = tpu.memref_slice %arg4[%arg0, %add3A_69, %dma_wait3A_109] : memref<2x10240x160xf32, #tpu.memory_space<hbm>> -> memref<1x80x160xf32, #tpu.memory_space<hbm>>
      %dma_wait3A_111 = tpu.memref_squeeze %dma_wait3A_110 : memref<1x80x160xf32, #tpu.memory_space<hbm>> -> memref<80x160xf32, #tpu.memory_space<hbm>>
      %dma_wait3A_112 = arith.constant 0 : i32
      %dma_wait3A_113 = tpu.memref_slice %arg4[%arg0, %add3A_69, %dma_wait3A_112] : memref<2x10240x160xf32, #tpu.memory_space<hbm>> -> memref<1x80x160xf32, #tpu.memory_space<hbm>>
      %dma_wait3A_114 = tpu.memref_squeeze %dma_wait3A_113 : memref<1x80x160xf32, #tpu.memory_space<hbm>> -> memref<80x160xf32, #tpu.memory_space<hbm>>
      %dma_wait3A_115 = arith.constant 0 : i32
      %dma_wait3A_116 = arith.constant 0 : i32
      %dma_wait3A_117 = tpu.memref_slice %arg8[%dma_wait3A_115, %dma_wait3A_116] : memref<88x160xf32, #tpu.memory_space<vmem>> -> memref<80x160xf32, #tpu.memory_space<vmem>>
      tpu.wait_dma2 semaphore(%arg11 : memref<!tpu.dma_semaphore, #tpu.memory_space<semaphore_mem>>) src(%dma_wait3A_117 : memref<80x160xf32, #tpu.memory_space<vmem>>) dst(%dma_wait3A_114 : memref<80x160xf32, #tpu.memory_space<hbm>>)
    }
    %scan3A_61 = arith.constant 4 : i32
    return
  }
}

#map = affine_map<(d0, d1) -> (0, 0)>
#map1 = affine_map<(d0, d1) -> (0, 0, 0)>
module attributes {stable_mosaic.version = 14 : i64} {
  func.func @agg_kernel(%arg0: i32, %arg1: i32, %arg2: memref<10000x128xf32, #tpu.memory_space<hbm>>, %arg3: memref<3680x2x88xi32, #tpu.memory_space<hbm>>, %arg4: memref<2x10240x128xf32, #tpu.memory_space<hbm>>, %arg5: memref<2x88xi32, #tpu.memory_space<vmem>>, %arg6: memref<2x88xi32, #tpu.memory_space<vmem>>, %arg7: memref<88x128xf32, #tpu.memory_space<vmem>>, %arg8: memref<88x128xf32, #tpu.memory_space<vmem>>, %arg9: memref<10240x128xf32, #tpu.memory_space<vmem_shared>>, %arg10: memref<!tpu.dma_semaphore, #tpu.memory_space<semaphore_mem>>, %arg11: memref<!tpu.dma_semaphore, #tpu.memory_space<semaphore_mem>>, %arg12: memref<!tpu.dma_semaphore, #tpu.memory_space<semaphore_mem>>, %arg13: memref<!tpu.dma_semaphore, #tpu.memory_space<semaphore_mem>>) attributes {dimension_semantics = [#tpu.dimension_semantics<core_parallel>, #tpu.dimension_semantics<subcore_parallel>], iteration_bounds = array<i64: 2, 16>, scalar_prefetch = 0 : i64, scratch_operands = 9 : i64, tpu.core_type = #tpu.core_type<sc_vector_subcore>, window_params = [{transform_indices = #map}, {transform_indices = #map1}, {transform_indices = #map1}]} {
    %mul3A = arith.constant 640 : i32
    %mul3A_0 = arith.muli %arg1, %mul3A : i32
    %mul3A_1 = arith.constant 2 : i32
    %mul3A_2 = arith.muli %arg1, %mul3A_1 : i32
    %add3A = arith.addi %mul3A_2, %arg0 : i32
    %mul3A_3 = arith.constant 115 : i32
    %mul3A_4 = arith.muli %add3A, %mul3A_3 : i32
    %scan3A = arith.constant 0 : i32
    %scan3A_5 = arith.constant 0 : i32
    %scan3A_6 = arith.constant 80 : i32
    %scan3A_7 = arith.addi %scan3A_5, %scan3A_6 : i32
    %scan3A_8 = arith.constant 1 : i32
    scf.for %scan3A_62 = %scan3A_5 to %scan3A_7 step %scan3A_8  : i32 {
      %broadcast_in_dim3A = arith.constant 0.000000e+00 : f32
      %broadcast_in_dim3A_63 = vector.broadcast %broadcast_in_dim3A : f32 to vector<16xf32>
      %swap3A = arith.index_cast %scan3A_62 : i32 to index
      %swap3A_64 = arith.constant 0 : index
      %swap3A_65 = tpu.vector_load %arg7[%swap3A, %swap3A_64] {strides = array<i32>} : memref<88x128xf32, #tpu.memory_space<vmem>>, vector<1x16xf32>,
      %swap3A_66 = vector.shape_cast %swap3A_65 : vector<1x16xf32> to vector<16xf32>
      %swap3A_67 = vector.shape_cast %broadcast_in_dim3A_63 : vector<16xf32> to vector<1x16xf32>
      tpu.vector_store %arg7[%swap3A, %swap3A_64], %swap3A_67 {strides = array<i32>} : memref<88x128xf32, #tpu.memory_space<vmem>>, vector<1x16xf32>,
      %broadcast_in_dim3A_68 = arith.constant 0.000000e+00 : f32
      %broadcast_in_dim3A_69 = vector.broadcast %broadcast_in_dim3A_68 : f32 to vector<16xf32>
      %swap3A_70 = arith.index_cast %scan3A_62 : i32 to index
      %swap3A_71 = arith.constant 16 : index
      %swap3A_72 = tpu.vector_load %arg7[%swap3A_70, %swap3A_71] {strides = array<i32>} : memref<88x128xf32, #tpu.memory_space<vmem>>, vector<1x16xf32>,
      %swap3A_73 = vector.shape_cast %swap3A_72 : vector<1x16xf32> to vector<16xf32>
      %swap3A_74 = vector.shape_cast %broadcast_in_dim3A_69 : vector<16xf32> to vector<1x16xf32>
      tpu.vector_store %arg7[%swap3A_70, %swap3A_71], %swap3A_74 {strides = array<i32>} : memref<88x128xf32, #tpu.memory_space<vmem>>, vector<1x16xf32>,
      %broadcast_in_dim3A_75 = arith.constant 0.000000e+00 : f32
      %broadcast_in_dim3A_76 = vector.broadcast %broadcast_in_dim3A_75 : f32 to vector<16xf32>
      %swap3A_77 = arith.index_cast %scan3A_62 : i32 to index
      %swap3A_78 = arith.constant 32 : index
      %swap3A_79 = tpu.vector_load %arg7[%swap3A_77, %swap3A_78] {strides = array<i32>} : memref<88x128xf32, #tpu.memory_space<vmem>>, vector<1x16xf32>,
      %swap3A_80 = vector.shape_cast %swap3A_79 : vector<1x16xf32> to vector<16xf32>
      %swap3A_81 = vector.shape_cast %broadcast_in_dim3A_76 : vector<16xf32> to vector<1x16xf32>
      tpu.vector_store %arg7[%swap3A_77, %swap3A_78], %swap3A_81 {strides = array<i32>} : memref<88x128xf32, #tpu.memory_space<vmem>>, vector<1x16xf32>,
      %broadcast_in_dim3A_82 = arith.constant 0.000000e+00 : f32
      %broadcast_in_dim3A_83 = vector.broadcast %broadcast_in_dim3A_82 : f32 to vector<16xf32>
      %swap3A_84 = arith.index_cast %scan3A_62 : i32 to index
      %swap3A_85 = arith.constant 48 : index
      %swap3A_86 = tpu.vector_load %arg7[%swap3A_84, %swap3A_85] {strides = array<i32>} : memref<88x128xf32, #tpu.memory_space<vmem>>, vector<1x16xf32>,
      %swap3A_87 = vector.shape_cast %swap3A_86 : vector<1x16xf32> to vector<16xf32>
      %swap3A_88 = vector.shape_cast %broadcast_in_dim3A_83 : vector<16xf32> to vector<1x16xf32>
      tpu.vector_store %arg7[%swap3A_84, %swap3A_85], %swap3A_88 {strides = array<i32>} : memref<88x128xf32, #tpu.memory_space<vmem>>, vector<1x16xf32>,
      %broadcast_in_dim3A_89 = arith.constant 0.000000e+00 : f32
      %broadcast_in_dim3A_90 = vector.broadcast %broadcast_in_dim3A_89 : f32 to vector<16xf32>
      %swap3A_91 = arith.index_cast %scan3A_62 : i32 to index
      %swap3A_92 = arith.constant 64 : index
      %swap3A_93 = tpu.vector_load %arg7[%swap3A_91, %swap3A_92] {strides = array<i32>} : memref<88x128xf32, #tpu.memory_space<vmem>>, vector<1x16xf32>,
      %swap3A_94 = vector.shape_cast %swap3A_93 : vector<1x16xf32> to vector<16xf32>
      %swap3A_95 = vector.shape_cast %broadcast_in_dim3A_90 : vector<16xf32> to vector<1x16xf32>
      tpu.vector_store %arg7[%swap3A_91, %swap3A_92], %swap3A_95 {strides = array<i32>} : memref<88x128xf32, #tpu.memory_space<vmem>>, vector<1x16xf32>,
      %broadcast_in_dim3A_96 = arith.constant 0.000000e+00 : f32
      %broadcast_in_dim3A_97 = vector.broadcast %broadcast_in_dim3A_96 : f32 to vector<16xf32>
      %swap3A_98 = arith.index_cast %scan3A_62 : i32 to index
      %swap3A_99 = arith.constant 80 : index
      %swap3A_100 = tpu.vector_load %arg7[%swap3A_98, %swap3A_99] {strides = array<i32>} : memref<88x128xf32, #tpu.memory_space<vmem>>, vector<1x16xf32>,
      %swap3A_101 = vector.shape_cast %swap3A_100 : vector<1x16xf32> to vector<16xf32>
      %swap3A_102 = vector.shape_cast %broadcast_in_dim3A_97 : vector<16xf32> to vector<1x16xf32>
      tpu.vector_store %arg7[%swap3A_98, %swap3A_99], %swap3A_102 {strides = array<i32>} : memref<88x128xf32, #tpu.memory_space<vmem>>, vector<1x16xf32>,
      %broadcast_in_dim3A_103 = arith.constant 0.000000e+00 : f32
      %broadcast_in_dim3A_104 = vector.broadcast %broadcast_in_dim3A_103 : f32 to vector<16xf32>
      %swap3A_105 = arith.index_cast %scan3A_62 : i32 to index
      %swap3A_106 = arith.constant 96 : index
      %swap3A_107 = tpu.vector_load %arg7[%swap3A_105, %swap3A_106] {strides = array<i32>} : memref<88x128xf32, #tpu.memory_space<vmem>>, vector<1x16xf32>,
      %swap3A_108 = vector.shape_cast %swap3A_107 : vector<1x16xf32> to vector<16xf32>
      %swap3A_109 = vector.shape_cast %broadcast_in_dim3A_104 : vector<16xf32> to vector<1x16xf32>
      tpu.vector_store %arg7[%swap3A_105, %swap3A_106], %swap3A_109 {strides = array<i32>} : memref<88x128xf32, #tpu.memory_space<vmem>>, vector<1x16xf32>,
      %broadcast_in_dim3A_110 = arith.constant 0.000000e+00 : f32
      %broadcast_in_dim3A_111 = vector.broadcast %broadcast_in_dim3A_110 : f32 to vector<16xf32>
      %swap3A_112 = arith.index_cast %scan3A_62 : i32 to index
      %swap3A_113 = arith.constant 112 : index
      %swap3A_114 = tpu.vector_load %arg7[%swap3A_112, %swap3A_113] {strides = array<i32>} : memref<88x128xf32, #tpu.memory_space<vmem>>, vector<1x16xf32>,
      %swap3A_115 = vector.shape_cast %swap3A_114 : vector<1x16xf32> to vector<16xf32>
      %swap3A_116 = vector.shape_cast %broadcast_in_dim3A_111 : vector<16xf32> to vector<1x16xf32>
      tpu.vector_store %arg7[%swap3A_112, %swap3A_113], %swap3A_116 {strides = array<i32>} : memref<88x128xf32, #tpu.memory_space<vmem>>, vector<1x16xf32>,
    }
    %scan3A_9 = arith.constant 80 : i32
    %scan3A_10 = arith.constant 0 : i32
    %scan3A_11 = arith.constant 0 : i32
    %scan3A_12 = arith.constant 8 : i32
    %scan3A_13 = arith.addi %scan3A_11, %scan3A_12 : i32
    %scan3A_14 = arith.constant 1 : i32
    scf.for %scan3A_62 = %scan3A_11 to %scan3A_13 step %scan3A_14  : i32 {
      %mul3A_63 = arith.constant 80 : i32
      %mul3A_64 = arith.muli %scan3A_62, %mul3A_63 : i32
      %add3A_65 = arith.addi %mul3A_0, %mul3A_64 : i32
      "tpu.region"() ({
        %run_scoped3A_66 = tpu.sem_alloc : memref<!tpu.dma_semaphore, #tpu.memory_space<semaphore_mem>>
        %dma_start3A_67 = arith.constant 0 : i32
        %dma_start3A_68 = arith.constant 0 : i32
        %dma_start3A_69 = tpu.memref_slice %arg7[%dma_start3A_67, %dma_start3A_68] : memref<88x128xf32, #tpu.memory_space<vmem>> -> memref<80x128xf32, #tpu.memory_space<vmem>>
        %dma_start3A_70 = arith.constant 0 : i32
        %dma_start3A_71 = tpu.memref_slice %arg9[%add3A_65, %dma_start3A_70] : memref<10240x128xf32, #tpu.memory_space<vmem_shared>> -> memref<80x128xf32, #tpu.memory_space<vmem_shared>>
        %dma_start3A_72 = arith.constant 0 : i32
        %dma_start3A_73 = tpu.memref_slice %arg9[%add3A_65, %dma_start3A_72] : memref<10240x128xf32, #tpu.memory_space<vmem_shared>> -> memref<80x128xf32, #tpu.memory_space<vmem_shared>>
        %dma_start3A_74 = arith.constant 0 : i32
        %dma_start3A_75 = arith.constant 0 : i32
        %dma_start3A_76 = tpu.memref_slice %arg7[%dma_start3A_74, %dma_start3A_75] : memref<88x128xf32, #tpu.memory_space<vmem>> -> memref<80x128xf32, #tpu.memory_space<vmem>>
        tpu.enqueue_dma source(%dma_start3A_76 : memref<80x128xf32, #tpu.memory_space<vmem>>) target(%dma_start3A_73 : memref<80x128xf32, #tpu.memory_space<vmem_shared>>) target_semaphore(%run_scoped3A_66 : memref<!tpu.dma_semaphore, #tpu.memory_space<semaphore_mem>>)
        %dma_wait3A_77 = arith.constant 0 : i32
        %dma_wait3A_78 = arith.constant 0 : i32
        %dma_wait3A_79 = tpu.memref_slice %arg7[%dma_wait3A_77, %dma_wait3A_78] : memref<88x128xf32, #tpu.memory_space<vmem>> -> memref<80x128xf32, #tpu.memory_space<vmem>>
        %dma_wait3A_80 = arith.constant 0 : i32
        %dma_wait3A_81 = tpu.memref_slice %arg9[%add3A_65, %dma_wait3A_80] : memref<10240x128xf32, #tpu.memory_space<vmem_shared>> -> memref<80x128xf32, #tpu.memory_space<vmem_shared>>
        %dma_wait3A_82 = arith.constant 0 : i32
        %dma_wait3A_83 = tpu.memref_slice %arg9[%add3A_65, %dma_wait3A_82] : memref<10240x128xf32, #tpu.memory_space<vmem_shared>> -> memref<80x128xf32, #tpu.memory_space<vmem_shared>>
        %dma_wait3A_84 = arith.constant 0 : i32
        %dma_wait3A_85 = arith.constant 0 : i32
        %dma_wait3A_86 = tpu.memref_slice %arg7[%dma_wait3A_84, %dma_wait3A_85] : memref<88x128xf32, #tpu.memory_space<vmem>> -> memref<80x128xf32, #tpu.memory_space<vmem>>
        tpu.wait_dma2 semaphore(%run_scoped3A_66 : memref<!tpu.dma_semaphore, #tpu.memory_space<semaphore_mem>>) src(%dma_wait3A_86 : memref<80x128xf32, #tpu.memory_space<vmem>>) dst(%dma_wait3A_83 : memref<80x128xf32, #tpu.memory_space<vmem_shared>>)
        tpu.yield
      }) : () -> ()
    }
    %scan3A_15 = arith.constant 8 : i32
    %barrier3A = arith.constant 0 : index
    tpu.barrier barrier_id(%barrier3A)
    "tpu.region"() ({
      %run_scoped3A_62 = tpu.sem_alloc : memref<!tpu.dma_semaphore, #tpu.memory_space<semaphore_mem>>
      %dma_start3A_63 = arith.constant 0 : i32
      %dma_start3A_64 = arith.constant 0 : i32
      %dma_start3A_65 = tpu.memref_slice %arg3[%mul3A_4, %dma_start3A_63, %dma_start3A_64] : memref<3680x2x88xi32, #tpu.memory_space<hbm>> -> memref<1x2x88xi32, #tpu.memory_space<hbm>>
      %dma_start3A_66 = tpu.memref_squeeze %dma_start3A_65 : memref<1x2x88xi32, #tpu.memory_space<hbm>> -> memref<2x88xi32, #tpu.memory_space<hbm>>
      %dma_start3A_67 = arith.constant 0 : i32
      %dma_start3A_68 = arith.constant 0 : i32
      %dma_start3A_69 = tpu.memref_slice %arg3[%mul3A_4, %dma_start3A_67, %dma_start3A_68] : memref<3680x2x88xi32, #tpu.memory_space<hbm>> -> memref<1x2x88xi32, #tpu.memory_space<hbm>>
      %dma_start3A_70 = tpu.memref_squeeze %dma_start3A_69 : memref<1x2x88xi32, #tpu.memory_space<hbm>> -> memref<2x88xi32, #tpu.memory_space<hbm>>
      tpu.enqueue_dma source(%dma_start3A_70 : memref<2x88xi32, #tpu.memory_space<hbm>>) target(%arg5 : memref<2x88xi32, #tpu.memory_space<vmem>>) target_semaphore(%run_scoped3A_62 : memref<!tpu.dma_semaphore, #tpu.memory_space<semaphore_mem>>)
      %dma_wait3A_71 = arith.constant 0 : i32
      %dma_wait3A_72 = arith.constant 0 : i32
      %dma_wait3A_73 = tpu.memref_slice %arg3[%mul3A_4, %dma_wait3A_71, %dma_wait3A_72] : memref<3680x2x88xi32, #tpu.memory_space<hbm>> -> memref<1x2x88xi32, #tpu.memory_space<hbm>>
      %dma_wait3A_74 = tpu.memref_squeeze %dma_wait3A_73 : memref<1x2x88xi32, #tpu.memory_space<hbm>> -> memref<2x88xi32, #tpu.memory_space<hbm>>
      %dma_wait3A_75 = arith.constant 0 : i32
      %dma_wait3A_76 = arith.constant 0 : i32
      %dma_wait3A_77 = tpu.memref_slice %arg3[%mul3A_4, %dma_wait3A_75, %dma_wait3A_76] : memref<3680x2x88xi32, #tpu.memory_space<hbm>> -> memref<1x2x88xi32, #tpu.memory_space<hbm>>
      %dma_wait3A_78 = tpu.memref_squeeze %dma_wait3A_77 : memref<1x2x88xi32, #tpu.memory_space<hbm>> -> memref<2x88xi32, #tpu.memory_space<hbm>>
      tpu.wait_dma2 semaphore(%run_scoped3A_62 : memref<!tpu.dma_semaphore, #tpu.memory_space<semaphore_mem>>) src(%dma_wait3A_78 : memref<2x88xi32, #tpu.memory_space<hbm>>) dst(%arg5 : memref<2x88xi32, #tpu.memory_space<vmem>>)
      tpu.yield
    }) : () -> ()
    %dma_start3A = arith.constant 0 : i32
    %dma_start3A_16 = arith.constant 0 : i32
    %dma_start3A_17 = tpu.memref_slice %arg5[%dma_start3A, %dma_start3A_16] : memref<2x88xi32, #tpu.memory_space<vmem>> -> memref<1x88xi32, #tpu.memory_space<vmem>>
    %dma_start3A_18 = tpu.memref_squeeze %dma_start3A_17 : memref<1x88xi32, #tpu.memory_space<vmem>> -> memref<88xi32, #tpu.memory_space<vmem>>
    %dma_start3A_19 = arith.constant 0 : i32
    %dma_start3A_20 = arith.constant 0 : i32
    %dma_start3A_21 = tpu.memref_slice %arg2[%dma_start3A_19, %dma_start3A_20] : memref<10000x128xf32, #tpu.memory_space<hbm>> -> memref<10000x128xf32, #tpu.memory_space<hbm>>
    tpu.enqueue_indirect_dma source(%dma_start3A_21 : memref<10000x128xf32, #tpu.memory_space<hbm>>) target(%arg7 : memref<88x128xf32, #tpu.memory_space<vmem>>) offsets(%dma_start3A_18 : memref<88xi32, #tpu.memory_space<vmem>>) semaphore(%arg10 : memref<!tpu.dma_semaphore, #tpu.memory_space<semaphore_mem>>)
    %add3A_22 = arith.constant 1 : i32
    %add3A_23 = arith.addi %mul3A_4, %add3A_22 : i32
    %dma_start3A_24 = arith.constant 0 : i32
    %dma_start3A_25 = arith.constant 0 : i32
    %dma_start3A_26 = tpu.memref_slice %arg3[%add3A_23, %dma_start3A_24, %dma_start3A_25] : memref<3680x2x88xi32, #tpu.memory_space<hbm>> -> memref<1x2x88xi32, #tpu.memory_space<hbm>>
    %dma_start3A_27 = tpu.memref_squeeze %dma_start3A_26 : memref<1x2x88xi32, #tpu.memory_space<hbm>> -> memref<2x88xi32, #tpu.memory_space<hbm>>
    %dma_start3A_28 = arith.constant 0 : i32
    %dma_start3A_29 = arith.constant 0 : i32
    %dma_start3A_30 = tpu.memref_slice %arg3[%add3A_23, %dma_start3A_28, %dma_start3A_29] : memref<3680x2x88xi32, #tpu.memory_space<hbm>> -> memref<1x2x88xi32, #tpu.memory_space<hbm>>
    %dma_start3A_31 = tpu.memref_squeeze %dma_start3A_30 : memref<1x2x88xi32, #tpu.memory_space<hbm>> -> memref<2x88xi32, #tpu.memory_space<hbm>>
    tpu.enqueue_dma source(%dma_start3A_31 : memref<2x88xi32, #tpu.memory_space<hbm>>) target(%arg6 : memref<2x88xi32, #tpu.memory_space<vmem>>) target_semaphore(%arg13 : memref<!tpu.dma_semaphore, #tpu.memory_space<semaphore_mem>>)
    %scan3A_32 = arith.constant 0 : i32
    %scan3A_33 = arith.constant 0 : i32
    %scan3A_34 = arith.constant 57 : i32
    %scan3A_35 = arith.addi %scan3A_33, %scan3A_34 : i32
    %scan3A_36 = arith.constant 1 : i32
    scf.for %scan3A_62 = %scan3A_33 to %scan3A_35 step %scan3A_36  : i32 {
      %mul3A_63 = arith.constant 2 : i32
      %mul3A_64 = arith.muli %mul3A_63, %scan3A_62 : i32
      %add3A_65 = arith.addi %mul3A_4, %mul3A_64 : i32
      %add3A_66 = arith.constant 3 : i32
      %add3A_67 = arith.addi %add3A_65, %add3A_66 : i32
      %add3A_68 = arith.constant 115 : i32
      %add3A_69 = arith.addi %mul3A_4, %add3A_68 : i32
      %sub3A_70 = arith.constant 1 : i32
      %sub3A_71 = arith.subi %add3A_69, %sub3A_70 : i32
      %min3A = arith.minsi %add3A_67, %sub3A_71 : i32
      %add3A_72 = arith.constant 1 : i32
      %add3A_73 = arith.addi %add3A_65, %add3A_72 : i32
      %dma_wait3A_74 = arith.constant 0 : i32
      %dma_wait3A_75 = arith.constant 0 : i32
      %dma_wait3A_76 = tpu.memref_slice %arg3[%add3A_73, %dma_wait3A_74, %dma_wait3A_75] : memref<3680x2x88xi32, #tpu.memory_space<hbm>> -> memref<1x2x88xi32, #tpu.memory_space<hbm>>
      %dma_wait3A_77 = tpu.memref_squeeze %dma_wait3A_76 : memref<1x2x88xi32, #tpu.memory_space<hbm>> -> memref<2x88xi32, #tpu.memory_space<hbm>>
      %dma_wait3A_78 = arith.constant 0 : i32
      %dma_wait3A_79 = arith.constant 0 : i32
      %dma_wait3A_80 = tpu.memref_slice %arg3[%add3A_73, %dma_wait3A_78, %dma_wait3A_79] : memref<3680x2x88xi32, #tpu.memory_space<hbm>> -> memref<1x2x88xi32, #tpu.memory_space<hbm>>
      %dma_wait3A_81 = tpu.memref_squeeze %dma_wait3A_80 : memref<1x2x88xi32, #tpu.memory_space<hbm>> -> memref<2x88xi32, #tpu.memory_space<hbm>>
      tpu.wait_dma2 semaphore(%arg13 : memref<!tpu.dma_semaphore, #tpu.memory_space<semaphore_mem>>) src(%dma_wait3A_81 : memref<2x88xi32, #tpu.memory_space<hbm>>) dst(%arg6 : memref<2x88xi32, #tpu.memory_space<vmem>>)
      %dma_start3A_82 = arith.constant 0 : i32
      %dma_start3A_83 = arith.constant 0 : i32
      %dma_start3A_84 = tpu.memref_slice %arg6[%dma_start3A_82, %dma_start3A_83] : memref<2x88xi32, #tpu.memory_space<vmem>> -> memref<1x88xi32, #tpu.memory_space<vmem>>
      %dma_start3A_85 = tpu.memref_squeeze %dma_start3A_84 : memref<1x88xi32, #tpu.memory_space<vmem>> -> memref<88xi32, #tpu.memory_space<vmem>>
      %dma_start3A_86 = arith.constant 0 : i32
      %dma_start3A_87 = arith.constant 0 : i32
      %dma_start3A_88 = tpu.memref_slice %arg2[%dma_start3A_86, %dma_start3A_87] : memref<10000x128xf32, #tpu.memory_space<hbm>> -> memref<10000x128xf32, #tpu.memory_space<hbm>>
      tpu.enqueue_indirect_dma source(%dma_start3A_88 : memref<10000x128xf32, #tpu.memory_space<hbm>>) target(%arg8 : memref<88x128xf32, #tpu.memory_space<vmem>>) offsets(%dma_start3A_85 : memref<88xi32, #tpu.memory_space<vmem>>) semaphore(%arg11 : memref<!tpu.dma_semaphore, #tpu.memory_space<semaphore_mem>>)
      %dma_wait3A_89 = arith.constant 0 : i32
      %dma_wait3A_90 = arith.constant 0 : i32
      %dma_wait3A_91 = tpu.memref_slice %arg5[%dma_wait3A_89, %dma_wait3A_90] : memref<2x88xi32, #tpu.memory_space<vmem>> -> memref<1x88xi32, #tpu.memory_space<vmem>>
      %dma_wait3A_92 = tpu.memref_squeeze %dma_wait3A_91 : memref<1x88xi32, #tpu.memory_space<vmem>> -> memref<88xi32, #tpu.memory_space<vmem>>
      %dma_wait3A_93 = arith.constant 0 : i32
      %dma_wait3A_94 = arith.constant 0 : i32
      %dma_wait3A_95 = tpu.memref_slice %arg2[%dma_wait3A_93, %dma_wait3A_94] : memref<10000x128xf32, #tpu.memory_space<hbm>> -> memref<10000x128xf32, #tpu.memory_space<hbm>>
      tpu.wait_indirect_dma semaphore(%arg10 : memref<!tpu.dma_semaphore, #tpu.memory_space<semaphore_mem>>) src(%dma_wait3A_95 : memref<10000x128xf32, #tpu.memory_space<hbm>>) dst(%arg7 : memref<88x128xf32, #tpu.memory_space<vmem>>)
      %run_scoped3A_96 = arith.constant 1 : i32
      "tpu.region"() ({
        %run_scoped3A_140 = tpu.sem_alloc : memref<!tpu.dma_semaphore, #tpu.memory_space<semaphore_mem>>
        %dma_start3A_141 = arith.constant 0 : i32
        %dma_start3A_142 = tpu.memref_slice %arg5[%run_scoped3A_96, %dma_start3A_141] : memref<2x88xi32, #tpu.memory_space<vmem>> -> memref<1x88xi32, #tpu.memory_space<vmem>>
        %dma_start3A_143 = tpu.memref_squeeze %dma_start3A_142 : memref<1x88xi32, #tpu.memory_space<vmem>> -> memref<88xi32, #tpu.memory_space<vmem>>
        %dma_start3A_144 = arith.constant 0 : i32
        %dma_start3A_145 = arith.constant 0 : i32
        %dma_start3A_146 = tpu.memref_slice %arg9[%dma_start3A_144, %dma_start3A_145] : memref<10240x128xf32, #tpu.memory_space<vmem_shared>> -> memref<10240x128xf32, #tpu.memory_space<vmem_shared>>
        tpu.enqueue_indirect_dma source(%arg7 : memref<88x128xf32, #tpu.memory_space<vmem>>) target(%dma_start3A_146 : memref<10240x128xf32, #tpu.memory_space<vmem_shared>>) offsets(%dma_start3A_143 : memref<88xi32, #tpu.memory_space<vmem>>) semaphore(%run_scoped3A_140 : memref<!tpu.dma_semaphore, #tpu.memory_space<semaphore_mem>>) {add = true}
        %dma_wait3A_147 = arith.constant 0 : i32
        %dma_wait3A_148 = tpu.memref_slice %arg5[%run_scoped3A_96, %dma_wait3A_147] : memref<2x88xi32, #tpu.memory_space<vmem>> -> memref<1x88xi32, #tpu.memory_space<vmem>>
        %dma_wait3A_149 = tpu.memref_squeeze %dma_wait3A_148 : memref<1x88xi32, #tpu.memory_space<vmem>> -> memref<88xi32, #tpu.memory_space<vmem>>
        %dma_wait3A_150 = arith.constant 0 : i32
        %dma_wait3A_151 = arith.constant 0 : i32
        %dma_wait3A_152 = tpu.memref_slice %arg9[%dma_wait3A_150, %dma_wait3A_151] : memref<10240x128xf32, #tpu.memory_space<vmem_shared>> -> memref<10240x128xf32, #tpu.memory_space<vmem_shared>>
        tpu.wait_indirect_dma semaphore(%run_scoped3A_140 : memref<!tpu.dma_semaphore, #tpu.memory_space<semaphore_mem>>) src(%arg7 : memref<88x128xf32, #tpu.memory_space<vmem>>) dst(%dma_wait3A_152 : memref<10240x128xf32, #tpu.memory_space<vmem_shared>>)
        tpu.yield
      }) : () -> ()
      %add3A_97 = arith.constant 2 : i32
      %add3A_98 = arith.addi %add3A_65, %add3A_97 : i32
      %dma_start3A_99 = arith.constant 0 : i32
      %dma_start3A_100 = arith.constant 0 : i32
      %dma_start3A_101 = tpu.memref_slice %arg3[%add3A_98, %dma_start3A_99, %dma_start3A_100] : memref<3680x2x88xi32, #tpu.memory_space<hbm>> -> memref<1x2x88xi32, #tpu.memory_space<hbm>>
      %dma_start3A_102 = tpu.memref_squeeze %dma_start3A_101 : memref<1x2x88xi32, #tpu.memory_space<hbm>> -> memref<2x88xi32, #tpu.memory_space<hbm>>
      %dma_start3A_103 = arith.constant 0 : i32
      %dma_start3A_104 = arith.constant 0 : i32
      %dma_start3A_105 = tpu.memref_slice %arg3[%add3A_98, %dma_start3A_103, %dma_start3A_104] : memref<3680x2x88xi32, #tpu.memory_space<hbm>> -> memref<1x2x88xi32, #tpu.memory_space<hbm>>
      %dma_start3A_106 = tpu.memref_squeeze %dma_start3A_105 : memref<1x2x88xi32, #tpu.memory_space<hbm>> -> memref<2x88xi32, #tpu.memory_space<hbm>>
      tpu.enqueue_dma source(%dma_start3A_106 : memref<2x88xi32, #tpu.memory_space<hbm>>) target(%arg5 : memref<2x88xi32, #tpu.memory_space<vmem>>) target_semaphore(%arg12 : memref<!tpu.dma_semaphore, #tpu.memory_space<semaphore_mem>>)
      %add3A_107 = arith.constant 2 : i32
      %add3A_108 = arith.addi %add3A_65, %add3A_107 : i32
      %dma_wait3A_109 = arith.constant 0 : i32
      %dma_wait3A_110 = arith.constant 0 : i32
      %dma_wait3A_111 = tpu.memref_slice %arg3[%add3A_108, %dma_wait3A_109, %dma_wait3A_110] : memref<3680x2x88xi32, #tpu.memory_space<hbm>> -> memref<1x2x88xi32, #tpu.memory_space<hbm>>
      %dma_wait3A_112 = tpu.memref_squeeze %dma_wait3A_111 : memref<1x2x88xi32, #tpu.memory_space<hbm>> -> memref<2x88xi32, #tpu.memory_space<hbm>>
      %dma_wait3A_113 = arith.constant 0 : i32
      %dma_wait3A_114 = arith.constant 0 : i32
      %dma_wait3A_115 = tpu.memref_slice %arg3[%add3A_108, %dma_wait3A_113, %dma_wait3A_114] : memref<3680x2x88xi32, #tpu.memory_space<hbm>> -> memref<1x2x88xi32, #tpu.memory_space<hbm>>
      %dma_wait3A_116 = tpu.memref_squeeze %dma_wait3A_115 : memref<1x2x88xi32, #tpu.memory_space<hbm>> -> memref<2x88xi32, #tpu.memory_space<hbm>>
      tpu.wait_dma2 semaphore(%arg12 : memref<!tpu.dma_semaphore, #tpu.memory_space<semaphore_mem>>) src(%dma_wait3A_116 : memref<2x88xi32, #tpu.memory_space<hbm>>) dst(%arg5 : memref<2x88xi32, #tpu.memory_space<vmem>>)
      %dma_start3A_117 = arith.constant 0 : i32
      %dma_start3A_118 = arith.constant 0 : i32
      %dma_start3A_119 = tpu.memref_slice %arg5[%dma_start3A_117, %dma_start3A_118] : memref<2x88xi32, #tpu.memory_space<vmem>> -> memref<1x88xi32, #tpu.memory_space<vmem>>
      %dma_start3A_120 = tpu.memref_squeeze %dma_start3A_119 : memref<1x88xi32, #tpu.memory_space<vmem>> -> memref<88xi32, #tpu.memory_space<vmem>>
      %dma_start3A_121 = arith.constant 0 : i32
      %dma_start3A_122 = arith.constant 0 : i32
      %dma_start3A_123 = tpu.memref_slice %arg2[%dma_start3A_121, %dma_start3A_122] : memref<10000x128xf32, #tpu.memory_space<hbm>> -> memref<10000x128xf32, #tpu.memory_space<hbm>>
      tpu.enqueue_indirect_dma source(%dma_start3A_123 : memref<10000x128xf32, #tpu.memory_space<hbm>>) target(%arg7 : memref<88x128xf32, #tpu.memory_space<vmem>>) offsets(%dma_start3A_120 : memref<88xi32, #tpu.memory_space<vmem>>) semaphore(%arg10 : memref<!tpu.dma_semaphore, #tpu.memory_space<semaphore_mem>>)
      %dma_wait3A_124 = arith.constant 0 : i32
      %dma_wait3A_125 = arith.constant 0 : i32
      %dma_wait3A_126 = tpu.memref_slice %arg6[%dma_wait3A_124, %dma_wait3A_125] : memref<2x88xi32, #tpu.memory_space<vmem>> -> memref<1x88xi32, #tpu.memory_space<vmem>>
      %dma_wait3A_127 = tpu.memref_squeeze %dma_wait3A_126 : memref<1x88xi32, #tpu.memory_space<vmem>> -> memref<88xi32, #tpu.memory_space<vmem>>
      %dma_wait3A_128 = arith.constant 0 : i32
      %dma_wait3A_129 = arith.constant 0 : i32
      %dma_wait3A_130 = tpu.memref_slice %arg2[%dma_wait3A_128, %dma_wait3A_129] : memref<10000x128xf32, #tpu.memory_space<hbm>> -> memref<10000x128xf32, #tpu.memory_space<hbm>>
      tpu.wait_indirect_dma semaphore(%arg11 : memref<!tpu.dma_semaphore, #tpu.memory_space<semaphore_mem>>) src(%dma_wait3A_130 : memref<10000x128xf32, #tpu.memory_space<hbm>>) dst(%arg8 : memref<88x128xf32, #tpu.memory_space<vmem>>)
      %run_scoped3A_131 = arith.constant 1 : i32
      "tpu.region"() ({
        %run_scoped3A_140 = tpu.sem_alloc : memref<!tpu.dma_semaphore, #tpu.memory_space<semaphore_mem>>
        %dma_start3A_141 = arith.constant 0 : i32
        %dma_start3A_142 = tpu.memref_slice %arg6[%run_scoped3A_131, %dma_start3A_141] : memref<2x88xi32, #tpu.memory_space<vmem>> -> memref<1x88xi32, #tpu.memory_space<vmem>>
        %dma_start3A_143 = tpu.memref_squeeze %dma_start3A_142 : memref<1x88xi32, #tpu.memory_space<vmem>> -> memref<88xi32, #tpu.memory_space<vmem>>
        %dma_start3A_144 = arith.constant 0 : i32
        %dma_start3A_145 = arith.constant 0 : i32
        %dma_start3A_146 = tpu.memref_slice %arg9[%dma_start3A_144, %dma_start3A_145] : memref<10240x128xf32, #tpu.memory_space<vmem_shared>> -> memref<10240x128xf32, #tpu.memory_space<vmem_shared>>
        tpu.enqueue_indirect_dma source(%arg8 : memref<88x128xf32, #tpu.memory_space<vmem>>) target(%dma_start3A_146 : memref<10240x128xf32, #tpu.memory_space<vmem_shared>>) offsets(%dma_start3A_143 : memref<88xi32, #tpu.memory_space<vmem>>) semaphore(%run_scoped3A_140 : memref<!tpu.dma_semaphore, #tpu.memory_space<semaphore_mem>>) {add = true}
        %dma_wait3A_147 = arith.constant 0 : i32
        %dma_wait3A_148 = tpu.memref_slice %arg6[%run_scoped3A_131, %dma_wait3A_147] : memref<2x88xi32, #tpu.memory_space<vmem>> -> memref<1x88xi32, #tpu.memory_space<vmem>>
        %dma_wait3A_149 = tpu.memref_squeeze %dma_wait3A_148 : memref<1x88xi32, #tpu.memory_space<vmem>> -> memref<88xi32, #tpu.memory_space<vmem>>
        %dma_wait3A_150 = arith.constant 0 : i32
        %dma_wait3A_151 = arith.constant 0 : i32
        %dma_wait3A_152 = tpu.memref_slice %arg9[%dma_wait3A_150, %dma_wait3A_151] : memref<10240x128xf32, #tpu.memory_space<vmem_shared>> -> memref<10240x128xf32, #tpu.memory_space<vmem_shared>>
        tpu.wait_indirect_dma semaphore(%run_scoped3A_140 : memref<!tpu.dma_semaphore, #tpu.memory_space<semaphore_mem>>) src(%arg8 : memref<88x128xf32, #tpu.memory_space<vmem>>) dst(%dma_wait3A_152 : memref<10240x128xf32, #tpu.memory_space<vmem_shared>>)
        tpu.yield
      }) : () -> ()
      %dma_start3A_132 = arith.constant 0 : i32
      %dma_start3A_133 = arith.constant 0 : i32
      %dma_start3A_134 = tpu.memref_slice %arg3[%min3A, %dma_start3A_132, %dma_start3A_133] : memref<3680x2x88xi32, #tpu.memory_space<hbm>> -> memref<1x2x88xi32, #tpu.memory_space<hbm>>
      %dma_start3A_135 = tpu.memref_squeeze %dma_start3A_134 : memref<1x2x88xi32, #tpu.memory_space<hbm>> -> memref<2x88xi32, #tpu.memory_space<hbm>>
      %dma_start3A_136 = arith.constant 0 : i32
      %dma_start3A_137 = arith.constant 0 : i32
      %dma_start3A_138 = tpu.memref_slice %arg3[%min3A, %dma_start3A_136, %dma_start3A_137] : memref<3680x2x88xi32, #tpu.memory_space<hbm>> -> memref<1x2x88xi32, #tpu.memory_space<hbm>>
      %dma_start3A_139 = tpu.memref_squeeze %dma_start3A_138 : memref<1x2x88xi32, #tpu.memory_space<hbm>> -> memref<2x88xi32, #tpu.memory_space<hbm>>
      tpu.enqueue_dma source(%dma_start3A_139 : memref<2x88xi32, #tpu.memory_space<hbm>>) target(%arg6 : memref<2x88xi32, #tpu.memory_space<vmem>>) target_semaphore(%arg13 : memref<!tpu.dma_semaphore, #tpu.memory_space<semaphore_mem>>)
    }
    %scan3A_37 = arith.constant 57 : i32
    %dma_wait3A = arith.constant 0 : i32
    %dma_wait3A_38 = arith.constant 0 : i32
    %dma_wait3A_39 = tpu.memref_slice %arg5[%dma_wait3A, %dma_wait3A_38] : memref<2x88xi32, #tpu.memory_space<vmem>> -> memref<1x88xi32, #tpu.memory_space<vmem>>
    %dma_wait3A_40 = tpu.memref_squeeze %dma_wait3A_39 : memref<1x88xi32, #tpu.memory_space<vmem>> -> memref<88xi32, #tpu.memory_space<vmem>>
    %dma_wait3A_41 = arith.constant 0 : i32
    %dma_wait3A_42 = arith.constant 0 : i32
    %dma_wait3A_43 = tpu.memref_slice %arg2[%dma_wait3A_41, %dma_wait3A_42] : memref<10000x128xf32, #tpu.memory_space<hbm>> -> memref<10000x128xf32, #tpu.memory_space<hbm>>
    tpu.wait_indirect_dma semaphore(%arg10 : memref<!tpu.dma_semaphore, #tpu.memory_space<semaphore_mem>>) src(%dma_wait3A_43 : memref<10000x128xf32, #tpu.memory_space<hbm>>) dst(%arg7 : memref<88x128xf32, #tpu.memory_space<vmem>>)
    %run_scoped3A = arith.constant 1 : i32
    "tpu.region"() ({
      %run_scoped3A_62 = tpu.sem_alloc : memref<!tpu.dma_semaphore, #tpu.memory_space<semaphore_mem>>
      %dma_start3A_63 = arith.constant 0 : i32
      %dma_start3A_64 = tpu.memref_slice %arg5[%run_scoped3A, %dma_start3A_63] : memref<2x88xi32, #tpu.memory_space<vmem>> -> memref<1x88xi32, #tpu.memory_space<vmem>>
      %dma_start3A_65 = tpu.memref_squeeze %dma_start3A_64 : memref<1x88xi32, #tpu.memory_space<vmem>> -> memref<88xi32, #tpu.memory_space<vmem>>
      %dma_start3A_66 = arith.constant 0 : i32
      %dma_start3A_67 = arith.constant 0 : i32
      %dma_start3A_68 = tpu.memref_slice %arg9[%dma_start3A_66, %dma_start3A_67] : memref<10240x128xf32, #tpu.memory_space<vmem_shared>> -> memref<10240x128xf32, #tpu.memory_space<vmem_shared>>
      tpu.enqueue_indirect_dma source(%arg7 : memref<88x128xf32, #tpu.memory_space<vmem>>) target(%dma_start3A_68 : memref<10240x128xf32, #tpu.memory_space<vmem_shared>>) offsets(%dma_start3A_65 : memref<88xi32, #tpu.memory_space<vmem>>) semaphore(%run_scoped3A_62 : memref<!tpu.dma_semaphore, #tpu.memory_space<semaphore_mem>>) {add = true}
      %dma_wait3A_69 = arith.constant 0 : i32
      %dma_wait3A_70 = tpu.memref_slice %arg5[%run_scoped3A, %dma_wait3A_69] : memref<2x88xi32, #tpu.memory_space<vmem>> -> memref<1x88xi32, #tpu.memory_space<vmem>>
      %dma_wait3A_71 = tpu.memref_squeeze %dma_wait3A_70 : memref<1x88xi32, #tpu.memory_space<vmem>> -> memref<88xi32, #tpu.memory_space<vmem>>
      %dma_wait3A_72 = arith.constant 0 : i32
      %dma_wait3A_73 = arith.constant 0 : i32
      %dma_wait3A_74 = tpu.memref_slice %arg9[%dma_wait3A_72, %dma_wait3A_73] : memref<10240x128xf32, #tpu.memory_space<vmem_shared>> -> memref<10240x128xf32, #tpu.memory_space<vmem_shared>>
      tpu.wait_indirect_dma semaphore(%run_scoped3A_62 : memref<!tpu.dma_semaphore, #tpu.memory_space<semaphore_mem>>) src(%arg7 : memref<88x128xf32, #tpu.memory_space<vmem>>) dst(%dma_wait3A_74 : memref<10240x128xf32, #tpu.memory_space<vmem_shared>>)
      tpu.yield
    }) : () -> ()
    %add3A_44 = arith.constant 115 : i32
    %add3A_45 = arith.addi %mul3A_4, %add3A_44 : i32
    %sub3A = arith.constant 1 : i32
    %sub3A_46 = arith.subi %add3A_45, %sub3A : i32
    %dma_wait3A_47 = arith.constant 0 : i32
    %dma_wait3A_48 = arith.constant 0 : i32
    %dma_wait3A_49 = tpu.memref_slice %arg3[%sub3A_46, %dma_wait3A_47, %dma_wait3A_48] : memref<3680x2x88xi32, #tpu.memory_space<hbm>> -> memref<1x2x88xi32, #tpu.memory_space<hbm>>
    %dma_wait3A_50 = tpu.memref_squeeze %dma_wait3A_49 : memref<1x2x88xi32, #tpu.memory_space<hbm>> -> memref<2x88xi32, #tpu.memory_space<hbm>>
    %dma_wait3A_51 = arith.constant 0 : i32
    %dma_wait3A_52 = arith.constant 0 : i32
    %dma_wait3A_53 = tpu.memref_slice %arg3[%sub3A_46, %dma_wait3A_51, %dma_wait3A_52] : memref<3680x2x88xi32, #tpu.memory_space<hbm>> -> memref<1x2x88xi32, #tpu.memory_space<hbm>>
    %dma_wait3A_54 = tpu.memref_squeeze %dma_wait3A_53 : memref<1x2x88xi32, #tpu.memory_space<hbm>> -> memref<2x88xi32, #tpu.memory_space<hbm>>
    tpu.wait_dma2 semaphore(%arg13 : memref<!tpu.dma_semaphore, #tpu.memory_space<semaphore_mem>>) src(%dma_wait3A_54 : memref<2x88xi32, #tpu.memory_space<hbm>>) dst(%arg6 : memref<2x88xi32, #tpu.memory_space<vmem>>)
    %barrier3A_55 = arith.constant 0 : index
    tpu.barrier barrier_id(%barrier3A_55)
    %scan3A_56 = arith.constant 0 : i32
    %scan3A_57 = arith.constant 0 : i32
    %scan3A_58 = arith.constant 4 : i32
    %scan3A_59 = arith.addi %scan3A_57, %scan3A_58 : i32
    %scan3A_60 = arith.constant 1 : i32
    scf.for %scan3A_62 = %scan3A_57 to %scan3A_59 step %scan3A_60  : i32 {
      %mul3A_63 = arith.constant 2 : i32
      %mul3A_64 = arith.muli %mul3A_63, %scan3A_62 : i32
      %mul3A_65 = arith.constant 80 : i32
      %mul3A_66 = arith.muli %mul3A_64, %mul3A_65 : i32
      %add3A_67 = arith.addi %mul3A_0, %mul3A_66 : i32
      %add3A_68 = arith.constant 80 : i32
      %add3A_69 = arith.addi %add3A_67, %add3A_68 : i32
      "tpu.region"() ({
        %run_scoped3A_118 = tpu.sem_alloc : memref<!tpu.dma_semaphore, #tpu.memory_space<semaphore_mem>>
        %dma_start3A_119 = arith.constant 0 : i32
        %dma_start3A_120 = arith.constant 0 : i32
        %dma_start3A_121 = tpu.memref_slice %arg7[%dma_start3A_119, %dma_start3A_120] : memref<88x128xf32, #tpu.memory_space<vmem>> -> memref<80x128xf32, #tpu.memory_space<vmem>>
        %dma_start3A_122 = arith.constant 0 : i32
        %dma_start3A_123 = tpu.memref_slice %arg9[%add3A_67, %dma_start3A_122] : memref<10240x128xf32, #tpu.memory_space<vmem_shared>> -> memref<80x128xf32, #tpu.memory_space<vmem_shared>>
        %dma_start3A_124 = arith.constant 0 : i32
        %dma_start3A_125 = arith.constant 0 : i32
        %dma_start3A_126 = tpu.memref_slice %arg7[%dma_start3A_124, %dma_start3A_125] : memref<88x128xf32, #tpu.memory_space<vmem>> -> memref<80x128xf32, #tpu.memory_space<vmem>>
        %dma_start3A_127 = arith.constant 0 : i32
        %dma_start3A_128 = tpu.memref_slice %arg9[%add3A_67, %dma_start3A_127] : memref<10240x128xf32, #tpu.memory_space<vmem_shared>> -> memref<80x128xf32, #tpu.memory_space<vmem_shared>>
        tpu.enqueue_dma source(%dma_start3A_128 : memref<80x128xf32, #tpu.memory_space<vmem_shared>>) target(%dma_start3A_126 : memref<80x128xf32, #tpu.memory_space<vmem>>) target_semaphore(%run_scoped3A_118 : memref<!tpu.dma_semaphore, #tpu.memory_space<semaphore_mem>>)
        %dma_wait3A_129 = arith.constant 0 : i32
        %dma_wait3A_130 = arith.constant 0 : i32
        %dma_wait3A_131 = tpu.memref_slice %arg7[%dma_wait3A_129, %dma_wait3A_130] : memref<88x128xf32, #tpu.memory_space<vmem>> -> memref<80x128xf32, #tpu.memory_space<vmem>>
        %dma_wait3A_132 = arith.constant 0 : i32
        %dma_wait3A_133 = tpu.memref_slice %arg9[%add3A_67, %dma_wait3A_132] : memref<10240x128xf32, #tpu.memory_space<vmem_shared>> -> memref<80x128xf32, #tpu.memory_space<vmem_shared>>
        %dma_wait3A_134 = arith.constant 0 : i32
        %dma_wait3A_135 = arith.constant 0 : i32
        %dma_wait3A_136 = tpu.memref_slice %arg7[%dma_wait3A_134, %dma_wait3A_135] : memref<88x128xf32, #tpu.memory_space<vmem>> -> memref<80x128xf32, #tpu.memory_space<vmem>>
        %dma_wait3A_137 = arith.constant 0 : i32
        %dma_wait3A_138 = tpu.memref_slice %arg9[%add3A_67, %dma_wait3A_137] : memref<10240x128xf32, #tpu.memory_space<vmem_shared>> -> memref<80x128xf32, #tpu.memory_space<vmem_shared>>
        tpu.wait_dma2 semaphore(%run_scoped3A_118 : memref<!tpu.dma_semaphore, #tpu.memory_space<semaphore_mem>>) src(%dma_wait3A_138 : memref<80x128xf32, #tpu.memory_space<vmem_shared>>) dst(%dma_wait3A_136 : memref<80x128xf32, #tpu.memory_space<vmem>>)
        tpu.yield
      }) : () -> ()
      %dma_start3A_70 = arith.constant 0 : i32
      %dma_start3A_71 = arith.constant 0 : i32
      %dma_start3A_72 = tpu.memref_slice %arg7[%dma_start3A_70, %dma_start3A_71] : memref<88x128xf32, #tpu.memory_space<vmem>> -> memref<80x128xf32, #tpu.memory_space<vmem>>
      %dma_start3A_73 = arith.constant 0 : i32
      %dma_start3A_74 = tpu.memref_slice %arg4[%arg0, %add3A_67, %dma_start3A_73] : memref<2x10240x128xf32, #tpu.memory_space<hbm>> -> memref<1x80x128xf32, #tpu.memory_space<hbm>>
      %dma_start3A_75 = tpu.memref_squeeze %dma_start3A_74 : memref<1x80x128xf32, #tpu.memory_space<hbm>> -> memref<80x128xf32, #tpu.memory_space<hbm>>
      %dma_start3A_76 = arith.constant 0 : i32
      %dma_start3A_77 = tpu.memref_slice %arg4[%arg0, %add3A_67, %dma_start3A_76] : memref<2x10240x128xf32, #tpu.memory_space<hbm>> -> memref<1x80x128xf32, #tpu.memory_space<hbm>>
      %dma_start3A_78 = tpu.memref_squeeze %dma_start3A_77 : memref<1x80x128xf32, #tpu.memory_space<hbm>> -> memref<80x128xf32, #tpu.memory_space<hbm>>
      %dma_start3A_79 = arith.constant 0 : i32
      %dma_start3A_80 = arith.constant 0 : i32
      %dma_start3A_81 = tpu.memref_slice %arg7[%dma_start3A_79, %dma_start3A_80] : memref<88x128xf32, #tpu.memory_space<vmem>> -> memref<80x128xf32, #tpu.memory_space<vmem>>
      tpu.enqueue_dma source(%dma_start3A_81 : memref<80x128xf32, #tpu.memory_space<vmem>>) target(%dma_start3A_78 : memref<80x128xf32, #tpu.memory_space<hbm>>) target_semaphore(%arg10 : memref<!tpu.dma_semaphore, #tpu.memory_space<semaphore_mem>>)
      "tpu.region"() ({
        %run_scoped3A_118 = tpu.sem_alloc : memref<!tpu.dma_semaphore, #tpu.memory_space<semaphore_mem>>
        %dma_start3A_119 = arith.constant 0 : i32
        %dma_start3A_120 = arith.constant 0 : i32
        %dma_start3A_121 = tpu.memref_slice %arg8[%dma_start3A_119, %dma_start3A_120] : memref<88x128xf32, #tpu.memory_space<vmem>> -> memref<80x128xf32, #tpu.memory_space<vmem>>
        %dma_start3A_122 = arith.constant 0 : i32
        %dma_start3A_123 = tpu.memref_slice %arg9[%add3A_69, %dma_start3A_122] : memref<10240x128xf32, #tpu.memory_space<vmem_shared>> -> memref<80x128xf32, #tpu.memory_space<vmem_shared>>
        %dma_start3A_124 = arith.constant 0 : i32
        %dma_start3A_125 = arith.constant 0 : i32
        %dma_start3A_126 = tpu.memref_slice %arg8[%dma_start3A_124, %dma_start3A_125] : memref<88x128xf32, #tpu.memory_space<vmem>> -> memref<80x128xf32, #tpu.memory_space<vmem>>
        %dma_start3A_127 = arith.constant 0 : i32
        %dma_start3A_128 = tpu.memref_slice %arg9[%add3A_69, %dma_start3A_127] : memref<10240x128xf32, #tpu.memory_space<vmem_shared>> -> memref<80x128xf32, #tpu.memory_space<vmem_shared>>
        tpu.enqueue_dma source(%dma_start3A_128 : memref<80x128xf32, #tpu.memory_space<vmem_shared>>) target(%dma_start3A_126 : memref<80x128xf32, #tpu.memory_space<vmem>>) target_semaphore(%run_scoped3A_118 : memref<!tpu.dma_semaphore, #tpu.memory_space<semaphore_mem>>)
        %dma_wait3A_129 = arith.constant 0 : i32
        %dma_wait3A_130 = arith.constant 0 : i32
        %dma_wait3A_131 = tpu.memref_slice %arg8[%dma_wait3A_129, %dma_wait3A_130] : memref<88x128xf32, #tpu.memory_space<vmem>> -> memref<80x128xf32, #tpu.memory_space<vmem>>
        %dma_wait3A_132 = arith.constant 0 : i32
        %dma_wait3A_133 = tpu.memref_slice %arg9[%add3A_69, %dma_wait3A_132] : memref<10240x128xf32, #tpu.memory_space<vmem_shared>> -> memref<80x128xf32, #tpu.memory_space<vmem_shared>>
        %dma_wait3A_134 = arith.constant 0 : i32
        %dma_wait3A_135 = arith.constant 0 : i32
        %dma_wait3A_136 = tpu.memref_slice %arg8[%dma_wait3A_134, %dma_wait3A_135] : memref<88x128xf32, #tpu.memory_space<vmem>> -> memref<80x128xf32, #tpu.memory_space<vmem>>
        %dma_wait3A_137 = arith.constant 0 : i32
        %dma_wait3A_138 = tpu.memref_slice %arg9[%add3A_69, %dma_wait3A_137] : memref<10240x128xf32, #tpu.memory_space<vmem_shared>> -> memref<80x128xf32, #tpu.memory_space<vmem_shared>>
        tpu.wait_dma2 semaphore(%run_scoped3A_118 : memref<!tpu.dma_semaphore, #tpu.memory_space<semaphore_mem>>) src(%dma_wait3A_138 : memref<80x128xf32, #tpu.memory_space<vmem_shared>>) dst(%dma_wait3A_136 : memref<80x128xf32, #tpu.memory_space<vmem>>)
        tpu.yield
      }) : () -> ()
      %dma_start3A_82 = arith.constant 0 : i32
      %dma_start3A_83 = arith.constant 0 : i32
      %dma_start3A_84 = tpu.memref_slice %arg8[%dma_start3A_82, %dma_start3A_83] : memref<88x128xf32, #tpu.memory_space<vmem>> -> memref<80x128xf32, #tpu.memory_space<vmem>>
      %dma_start3A_85 = arith.constant 0 : i32
      %dma_start3A_86 = tpu.memref_slice %arg4[%arg0, %add3A_69, %dma_start3A_85] : memref<2x10240x128xf32, #tpu.memory_space<hbm>> -> memref<1x80x128xf32, #tpu.memory_space<hbm>>
      %dma_start3A_87 = tpu.memref_squeeze %dma_start3A_86 : memref<1x80x128xf32, #tpu.memory_space<hbm>> -> memref<80x128xf32, #tpu.memory_space<hbm>>
      %dma_start3A_88 = arith.constant 0 : i32
      %dma_start3A_89 = tpu.memref_slice %arg4[%arg0, %add3A_69, %dma_start3A_88] : memref<2x10240x128xf32, #tpu.memory_space<hbm>> -> memref<1x80x128xf32, #tpu.memory_space<hbm>>
      %dma_start3A_90 = tpu.memref_squeeze %dma_start3A_89 : memref<1x80x128xf32, #tpu.memory_space<hbm>> -> memref<80x128xf32, #tpu.memory_space<hbm>>
      %dma_start3A_91 = arith.constant 0 : i32
      %dma_start3A_92 = arith.constant 0 : i32
      %dma_start3A_93 = tpu.memref_slice %arg8[%dma_start3A_91, %dma_start3A_92] : memref<88x128xf32, #tpu.memory_space<vmem>> -> memref<80x128xf32, #tpu.memory_space<vmem>>
      tpu.enqueue_dma source(%dma_start3A_93 : memref<80x128xf32, #tpu.memory_space<vmem>>) target(%dma_start3A_90 : memref<80x128xf32, #tpu.memory_space<hbm>>) target_semaphore(%arg11 : memref<!tpu.dma_semaphore, #tpu.memory_space<semaphore_mem>>)
      %dma_wait3A_94 = arith.constant 0 : i32
      %dma_wait3A_95 = arith.constant 0 : i32
      %dma_wait3A_96 = tpu.memref_slice %arg7[%dma_wait3A_94, %dma_wait3A_95] : memref<88x128xf32, #tpu.memory_space<vmem>> -> memref<80x128xf32, #tpu.memory_space<vmem>>
      %dma_wait3A_97 = arith.constant 0 : i32
      %dma_wait3A_98 = tpu.memref_slice %arg4[%arg0, %add3A_67, %dma_wait3A_97] : memref<2x10240x128xf32, #tpu.memory_space<hbm>> -> memref<1x80x128xf32, #tpu.memory_space<hbm>>
      %dma_wait3A_99 = tpu.memref_squeeze %dma_wait3A_98 : memref<1x80x128xf32, #tpu.memory_space<hbm>> -> memref<80x128xf32, #tpu.memory_space<hbm>>
      %dma_wait3A_100 = arith.constant 0 : i32
      %dma_wait3A_101 = tpu.memref_slice %arg4[%arg0, %add3A_67, %dma_wait3A_100] : memref<2x10240x128xf32, #tpu.memory_space<hbm>> -> memref<1x80x128xf32, #tpu.memory_space<hbm>>
      %dma_wait3A_102 = tpu.memref_squeeze %dma_wait3A_101 : memref<1x80x128xf32, #tpu.memory_space<hbm>> -> memref<80x128xf32, #tpu.memory_space<hbm>>
      %dma_wait3A_103 = arith.constant 0 : i32
      %dma_wait3A_104 = arith.constant 0 : i32
      %dma_wait3A_105 = tpu.memref_slice %arg7[%dma_wait3A_103, %dma_wait3A_104] : memref<88x128xf32, #tpu.memory_space<vmem>> -> memref<80x128xf32, #tpu.memory_space<vmem>>
      tpu.wait_dma2 semaphore(%arg10 : memref<!tpu.dma_semaphore, #tpu.memory_space<semaphore_mem>>) src(%dma_wait3A_105 : memref<80x128xf32, #tpu.memory_space<vmem>>) dst(%dma_wait3A_102 : memref<80x128xf32, #tpu.memory_space<hbm>>)
      %dma_wait3A_106 = arith.constant 0 : i32
      %dma_wait3A_107 = arith.constant 0 : i32
      %dma_wait3A_108 = tpu.memref_slice %arg8[%dma_wait3A_106, %dma_wait3A_107] : memref<88x128xf32, #tpu.memory_space<vmem>> -> memref<80x128xf32, #tpu.memory_space<vmem>>
      %dma_wait3A_109 = arith.constant 0 : i32
      %dma_wait3A_110 = tpu.memref_slice %arg4[%arg0, %add3A_69, %dma_wait3A_109] : memref<2x10240x128xf32, #tpu.memory_space<hbm>> -> memref<1x80x128xf32, #tpu.memory_space<hbm>>
      %dma_wait3A_111 = tpu.memref_squeeze %dma_wait3A_110 : memref<1x80x128xf32, #tpu.memory_space<hbm>> -> memref<80x128xf32, #tpu.memory_space<hbm>>
      %dma_wait3A_112 = arith.constant 0 : i32
      %dma_wait3A_113 = tpu.memref_slice %arg4[%arg0, %add3A_69, %dma_wait3A_112] : memref<2x10240x128xf32, #tpu.memory_space<hbm>> -> memref<1x80x128xf32, #tpu.memory_space<hbm>>
      %dma_wait3A_114 = tpu.memref_squeeze %dma_wait3A_113 : memref<1x80x128xf32, #tpu.memory_space<hbm>> -> memref<80x128xf32, #tpu.memory_space<hbm>>
      %dma_wait3A_115 = arith.constant 0 : i32
      %dma_wait3A_116 = arith.constant 0 : i32
      %dma_wait3A_117 = tpu.memref_slice %arg8[%dma_wait3A_115, %dma_wait3A_116] : memref<88x128xf32, #tpu.memory_space<vmem>> -> memref<80x128xf32, #tpu.memory_space<vmem>>
      tpu.wait_dma2 semaphore(%arg11 : memref<!tpu.dma_semaphore, #tpu.memory_space<semaphore_mem>>) src(%dma_wait3A_117 : memref<80x128xf32, #tpu.memory_space<vmem>>) dst(%dma_wait3A_114 : memref<80x128xf32, #tpu.memory_space<hbm>>)
    }
    %scan3A_61 = arith.constant 4 : i32
    return
  }
}

#map = affine_map<(d0, d1) -> (0, 0, 0)>
#map1 = affine_map<(d0, d1) -> (0)>
module attributes {stable_mosaic.version = 14 : i64} {
  func.func @_deg_kernel(%arg0: i32, %arg1: i32, %arg2: memref<4000x2x80xi32, #tpu.memory_space<hbm>>, %arg3: memref<40960xf32, #tpu.memory_space<hbm>>, %arg4: memref<125x2x80xi32, #tpu.memory_space<vmem>>, %arg5: memref<80xf32, #tpu.memory_space<vmem>>, %arg6: memref<640xf32, #tpu.memory_space<vmem>>, %arg7: memref<10240xf32, #tpu.memory_space<vmem_shared>>, %arg8: memref<10240xf32, #tpu.memory_space<vmem_shared>>, %arg9: memref<!tpu.dma_semaphore, #tpu.memory_space<semaphore_mem>>, %arg10: memref<!tpu.dma_semaphore, #tpu.memory_space<semaphore_mem>>) attributes {dimension_semantics = [#tpu.dimension_semantics<core_parallel>, #tpu.dimension_semantics<subcore_parallel>], iteration_bounds = array<i64: 2, 16>, scalar_prefetch = 0 : i64, scratch_operands = 7 : i64, tpu.core_type = #tpu.core_type<sc_vector_subcore>, window_params = [{transform_indices = #map}, {transform_indices = #map1}]} {
    %mul3A = arith.constant 2 : i32
    %mul3A_0 = arith.muli %arg1, %mul3A : i32
    %add3A = arith.addi %mul3A_0, %arg0 : i32
    %mul3A_1 = arith.constant 125 : i32
    %mul3A_2 = arith.muli %add3A, %mul3A_1 : i32
    "tpu.region"() ({
      %run_scoped3A = tpu.sem_alloc : memref<!tpu.dma_semaphore, #tpu.memory_space<semaphore_mem>>
      %dma_start3A = arith.constant 0 : i32
      %dma_start3A_57 = arith.constant 0 : i32
      %dma_start3A_58 = tpu.memref_slice %arg2[%mul3A_2, %dma_start3A, %dma_start3A_57] : memref<4000x2x80xi32, #tpu.memory_space<hbm>> -> memref<125x2x80xi32, #tpu.memory_space<hbm>>
      %dma_start3A_59 = arith.constant 0 : i32
      %dma_start3A_60 = arith.constant 0 : i32
      %dma_start3A_61 = tpu.memref_slice %arg2[%mul3A_2, %dma_start3A_59, %dma_start3A_60] : memref<4000x2x80xi32, #tpu.memory_space<hbm>> -> memref<125x2x80xi32, #tpu.memory_space<hbm>>
      tpu.enqueue_dma source(%dma_start3A_61 : memref<125x2x80xi32, #tpu.memory_space<hbm>>) target(%arg4 : memref<125x2x80xi32, #tpu.memory_space<vmem>>) target_semaphore(%run_scoped3A : memref<!tpu.dma_semaphore, #tpu.memory_space<semaphore_mem>>)
      %dma_wait3A = arith.constant 0 : i32
      %dma_wait3A_62 = arith.constant 0 : i32
      %dma_wait3A_63 = tpu.memref_slice %arg2[%mul3A_2, %dma_wait3A, %dma_wait3A_62] : memref<4000x2x80xi32, #tpu.memory_space<hbm>> -> memref<125x2x80xi32, #tpu.memory_space<hbm>>
      %dma_wait3A_64 = arith.constant 0 : i32
      %dma_wait3A_65 = arith.constant 0 : i32
      %dma_wait3A_66 = tpu.memref_slice %arg2[%mul3A_2, %dma_wait3A_64, %dma_wait3A_65] : memref<4000x2x80xi32, #tpu.memory_space<hbm>> -> memref<125x2x80xi32, #tpu.memory_space<hbm>>
      tpu.wait_dma2 semaphore(%run_scoped3A : memref<!tpu.dma_semaphore, #tpu.memory_space<semaphore_mem>>) src(%dma_wait3A_66 : memref<125x2x80xi32, #tpu.memory_space<hbm>>) dst(%arg4 : memref<125x2x80xi32, #tpu.memory_space<vmem>>)
      tpu.yield
    }) : () -> ()
    %broadcast_in_dim3A = arith.constant 1.000000e+00 : f32
    %broadcast_in_dim3A_3 = vector.broadcast %broadcast_in_dim3A : f32 to vector<16xf32>
    %swap3A = arith.constant 0 : index
    %swap3A_4 = tpu.vector_load %arg5[%swap3A] {strides = array<i32>} : memref<80xf32, #tpu.memory_space<vmem>>, vector<16xf32>,
    %swap3A_5 = vector.shape_cast %swap3A_4 : vector<16xf32> to vector<16xf32>
    %swap3A_6 = vector.shape_cast %broadcast_in_dim3A_3 : vector<16xf32> to vector<16xf32>
    tpu.vector_store %arg5[%swap3A], %swap3A_6 {strides = array<i32>} : memref<80xf32, #tpu.memory_space<vmem>>, vector<16xf32>,
    %broadcast_in_dim3A_7 = arith.constant 1.000000e+00 : f32
    %broadcast_in_dim3A_8 = vector.broadcast %broadcast_in_dim3A_7 : f32 to vector<16xf32>
    %swap3A_9 = arith.constant 16 : index
    %swap3A_10 = tpu.vector_load %arg5[%swap3A_9] {strides = array<i32>} : memref<80xf32, #tpu.memory_space<vmem>>, vector<16xf32>,
    %swap3A_11 = vector.shape_cast %swap3A_10 : vector<16xf32> to vector<16xf32>
    %swap3A_12 = vector.shape_cast %broadcast_in_dim3A_8 : vector<16xf32> to vector<16xf32>
    tpu.vector_store %arg5[%swap3A_9], %swap3A_12 {strides = array<i32>} : memref<80xf32, #tpu.memory_space<vmem>>, vector<16xf32>,
    %broadcast_in_dim3A_13 = arith.constant 1.000000e+00 : f32
    %broadcast_in_dim3A_14 = vector.broadcast %broadcast_in_dim3A_13 : f32 to vector<16xf32>
    %swap3A_15 = arith.constant 32 : index
    %swap3A_16 = tpu.vector_load %arg5[%swap3A_15] {strides = array<i32>} : memref<80xf32, #tpu.memory_space<vmem>>, vector<16xf32>,
    %swap3A_17 = vector.shape_cast %swap3A_16 : vector<16xf32> to vector<16xf32>
    %swap3A_18 = vector.shape_cast %broadcast_in_dim3A_14 : vector<16xf32> to vector<16xf32>
    tpu.vector_store %arg5[%swap3A_15], %swap3A_18 {strides = array<i32>} : memref<80xf32, #tpu.memory_space<vmem>>, vector<16xf32>,
    %broadcast_in_dim3A_19 = arith.constant 1.000000e+00 : f32
    %broadcast_in_dim3A_20 = vector.broadcast %broadcast_in_dim3A_19 : f32 to vector<16xf32>
    %swap3A_21 = arith.constant 48 : index
    %swap3A_22 = tpu.vector_load %arg5[%swap3A_21] {strides = array<i32>} : memref<80xf32, #tpu.memory_space<vmem>>, vector<16xf32>,
    %swap3A_23 = vector.shape_cast %swap3A_22 : vector<16xf32> to vector<16xf32>
    %swap3A_24 = vector.shape_cast %broadcast_in_dim3A_20 : vector<16xf32> to vector<16xf32>
    tpu.vector_store %arg5[%swap3A_21], %swap3A_24 {strides = array<i32>} : memref<80xf32, #tpu.memory_space<vmem>>, vector<16xf32>,
    %broadcast_in_dim3A_25 = arith.constant 1.000000e+00 : f32
    %broadcast_in_dim3A_26 = vector.broadcast %broadcast_in_dim3A_25 : f32 to vector<16xf32>
    %swap3A_27 = arith.constant 64 : index
    %swap3A_28 = tpu.vector_load %arg5[%swap3A_27] {strides = array<i32>} : memref<80xf32, #tpu.memory_space<vmem>>, vector<16xf32>,
    %swap3A_29 = vector.shape_cast %swap3A_28 : vector<16xf32> to vector<16xf32>
    %swap3A_30 = vector.shape_cast %broadcast_in_dim3A_26 : vector<16xf32> to vector<16xf32>
    tpu.vector_store %arg5[%swap3A_27], %swap3A_30 {strides = array<i32>} : memref<80xf32, #tpu.memory_space<vmem>>, vector<16xf32>,
    %scan3A = arith.constant 0 : i32
    %scan3A_31 = arith.constant 0 : i32
    %scan3A_32 = arith.constant 40 : i32
    %scan3A_33 = arith.addi %scan3A_31, %scan3A_32 : i32
    %scan3A_34 = arith.constant 1 : i32
    scf.for %scan3A_57 = %scan3A_31 to %scan3A_33 step %scan3A_34  : i32 {
      %broadcast_in_dim3A_58 = arith.constant 0.000000e+00 : f32
      %broadcast_in_dim3A_59 = vector.broadcast %broadcast_in_dim3A_58 : f32 to vector<16xf32>
      %mul3A_60 = arith.constant 16 : i32
      %mul3A_61 = arith.muli %scan3A_57, %mul3A_60 : i32
      %swap3A_62 = arith.index_cast %mul3A_61 : i32 to index
      %swap3A_63 = tpu.vector_load %arg6[%swap3A_62] {strides = array<i32>} : memref<640xf32, #tpu.memory_space<vmem>>, vector<16xf32>,
      %swap3A_64 = vector.shape_cast %swap3A_63 : vector<16xf32> to vector<16xf32>
      %swap3A_65 = vector.shape_cast %broadcast_in_dim3A_59 : vector<16xf32> to vector<16xf32>
      tpu.vector_store %arg6[%swap3A_62], %swap3A_65 {strides = array<i32>} : memref<640xf32, #tpu.memory_space<vmem>>, vector<16xf32>,
    }
    %scan3A_35 = arith.constant 40 : i32
    %mul3A_36 = arith.constant 640 : i32
    %mul3A_37 = arith.muli %arg1, %mul3A_36 : i32
    "tpu.region"() ({
      %run_scoped3A = tpu.sem_alloc : memref<!tpu.dma_semaphore, #tpu.memory_space<semaphore_mem>>
      %dma_start3A = tpu.memref_slice %arg7[%mul3A_37] : memref<10240xf32, #tpu.memory_space<vmem_shared>> -> memref<640xf32, #tpu.memory_space<vmem_shared>>
      %dma_start3A_57 = tpu.memref_slice %arg7[%mul3A_37] : memref<10240xf32, #tpu.memory_space<vmem_shared>> -> memref<640xf32, #tpu.memory_space<vmem_shared>>
      tpu.enqueue_dma source(%arg6 : memref<640xf32, #tpu.memory_space<vmem>>) target(%dma_start3A_57 : memref<640xf32, #tpu.memory_space<vmem_shared>>) target_semaphore(%run_scoped3A : memref<!tpu.dma_semaphore, #tpu.memory_space<semaphore_mem>>)
      %dma_wait3A = tpu.memref_slice %arg7[%mul3A_37] : memref<10240xf32, #tpu.memory_space<vmem_shared>> -> memref<640xf32, #tpu.memory_space<vmem_shared>>
      %dma_wait3A_58 = tpu.memref_slice %arg7[%mul3A_37] : memref<10240xf32, #tpu.memory_space<vmem_shared>> -> memref<640xf32, #tpu.memory_space<vmem_shared>>
      tpu.wait_dma2 semaphore(%run_scoped3A : memref<!tpu.dma_semaphore, #tpu.memory_space<semaphore_mem>>) src(%arg6 : memref<640xf32, #tpu.memory_space<vmem>>) dst(%dma_wait3A_58 : memref<640xf32, #tpu.memory_space<vmem_shared>>)
      tpu.yield
    }) : () -> ()
    "tpu.region"() ({
      %run_scoped3A = tpu.sem_alloc : memref<!tpu.dma_semaphore, #tpu.memory_space<semaphore_mem>>
      %dma_start3A = tpu.memref_slice %arg8[%mul3A_37] : memref<10240xf32, #tpu.memory_space<vmem_shared>> -> memref<640xf32, #tpu.memory_space<vmem_shared>>
      %dma_start3A_57 = tpu.memref_slice %arg8[%mul3A_37] : memref<10240xf32, #tpu.memory_space<vmem_shared>> -> memref<640xf32, #tpu.memory_space<vmem_shared>>
      tpu.enqueue_dma source(%arg6 : memref<640xf32, #tpu.memory_space<vmem>>) target(%dma_start3A_57 : memref<640xf32, #tpu.memory_space<vmem_shared>>) target_semaphore(%run_scoped3A : memref<!tpu.dma_semaphore, #tpu.memory_space<semaphore_mem>>)
      %dma_wait3A = tpu.memref_slice %arg8[%mul3A_37] : memref<10240xf32, #tpu.memory_space<vmem_shared>> -> memref<640xf32, #tpu.memory_space<vmem_shared>>
      %dma_wait3A_58 = tpu.memref_slice %arg8[%mul3A_37] : memref<10240xf32, #tpu.memory_space<vmem_shared>> -> memref<640xf32, #tpu.memory_space<vmem_shared>>
      tpu.wait_dma2 semaphore(%run_scoped3A : memref<!tpu.dma_semaphore, #tpu.memory_space<semaphore_mem>>) src(%arg6 : memref<640xf32, #tpu.memory_space<vmem>>) dst(%dma_wait3A_58 : memref<640xf32, #tpu.memory_space<vmem_shared>>)
      tpu.yield
    }) : () -> ()
    %barrier3A = arith.constant 0 : index
    tpu.barrier barrier_id(%barrier3A)
    %scan3A_38 = arith.constant 0 : i32
    %scan3A_39 = arith.constant 0 : i32
    %scan3A_40 = arith.constant 25 : i32
    %scan3A_41 = arith.addi %scan3A_39, %scan3A_40 : i32
    %scan3A_42 = arith.constant 1 : i32
    scf.for %scan3A_57 = %scan3A_39 to %scan3A_41 step %scan3A_42  : i32 {
      %mul3A_58 = arith.constant 5 : i32
      %mul3A_59 = arith.muli %scan3A_57, %mul3A_58 : i32
      %add3A_60 = arith.constant 0 : i32
      %add3A_61 = arith.addi %mul3A_59, %add3A_60 : i32
      %dma_start3A = arith.constant 0 : i32
      %dma_start3A_62 = arith.constant 0 : i32
      %dma_start3A_63 = tpu.memref_slice %arg4[%add3A_61, %dma_start3A, %dma_start3A_62] : memref<125x2x80xi32, #tpu.memory_space<vmem>> -> memref<1x1x80xi32, #tpu.memory_space<vmem>>
      %dma_start3A_64 = tpu.memref_squeeze %dma_start3A_63 : memref<1x1x80xi32, #tpu.memory_space<vmem>> -> memref<80xi32, #tpu.memory_space<vmem>>
      %dma_start3A_65 = arith.constant 0 : i32
      %dma_start3A_66 = tpu.memref_slice %arg7[%dma_start3A_65] : memref<10240xf32, #tpu.memory_space<vmem_shared>> -> memref<10240xf32, #tpu.memory_space<vmem_shared>>
      tpu.enqueue_indirect_dma source(%arg5 : memref<80xf32, #tpu.memory_space<vmem>>) target(%dma_start3A_66 : memref<10240xf32, #tpu.memory_space<vmem_shared>>) offsets(%dma_start3A_64 : memref<80xi32, #tpu.memory_space<vmem>>) semaphore(%arg9 : memref<!tpu.dma_semaphore, #tpu.memory_space<semaphore_mem>>) {add = true}
      %dma_start3A_67 = arith.constant 1 : i32
      %dma_start3A_68 = arith.constant 0 : i32
      %dma_start3A_69 = tpu.memref_slice %arg4[%add3A_61, %dma_start3A_67, %dma_start3A_68] : memref<125x2x80xi32, #tpu.memory_space<vmem>> -> memref<1x1x80xi32, #tpu.memory_space<vmem>>
      %dma_start3A_70 = tpu.memref_squeeze %dma_start3A_69 : memref<1x1x80xi32, #tpu.memory_space<vmem>> -> memref<80xi32, #tpu.memory_space<vmem>>
      %dma_start3A_71 = arith.constant 0 : i32
      %dma_start3A_72 = tpu.memref_slice %arg8[%dma_start3A_71] : memref<10240xf32, #tpu.memory_space<vmem_shared>> -> memref<10240xf32, #tpu.memory_space<vmem_shared>>
      tpu.enqueue_indirect_dma source(%arg5 : memref<80xf32, #tpu.memory_space<vmem>>) target(%dma_start3A_72 : memref<10240xf32, #tpu.memory_space<vmem_shared>>) offsets(%dma_start3A_70 : memref<80xi32, #tpu.memory_space<vmem>>) semaphore(%arg10 : memref<!tpu.dma_semaphore, #tpu.memory_space<semaphore_mem>>) {add = true}
      %mul3A_73 = arith.constant 5 : i32
      %mul3A_74 = arith.muli %scan3A_57, %mul3A_73 : i32
      %add3A_75 = arith.constant 1 : i32
      %add3A_76 = arith.addi %mul3A_74, %add3A_75 : i32
      %dma_start3A_77 = arith.constant 0 : i32
      %dma_start3A_78 = arith.constant 0 : i32
      %dma_start3A_79 = tpu.memref_slice %arg4[%add3A_76, %dma_start3A_77, %dma_start3A_78] : memref<125x2x80xi32, #tpu.memory_space<vmem>> -> memref<1x1x80xi32, #tpu.memory_space<vmem>>
      %dma_start3A_80 = tpu.memref_squeeze %dma_start3A_79 : memref<1x1x80xi32, #tpu.memory_space<vmem>> -> memref<80xi32, #tpu.memory_space<vmem>>
      %dma_start3A_81 = arith.constant 0 : i32
      %dma_start3A_82 = tpu.memref_slice %arg7[%dma_start3A_81] : memref<10240xf32, #tpu.memory_space<vmem_shared>> -> memref<10240xf32, #tpu.memory_space<vmem_shared>>
      tpu.enqueue_indirect_dma source(%arg5 : memref<80xf32, #tpu.memory_space<vmem>>) target(%dma_start3A_82 : memref<10240xf32, #tpu.memory_space<vmem_shared>>) offsets(%dma_start3A_80 : memref<80xi32, #tpu.memory_space<vmem>>) semaphore(%arg9 : memref<!tpu.dma_semaphore, #tpu.memory_space<semaphore_mem>>) {add = true}
      %dma_start3A_83 = arith.constant 1 : i32
      %dma_start3A_84 = arith.constant 0 : i32
      %dma_start3A_85 = tpu.memref_slice %arg4[%add3A_76, %dma_start3A_83, %dma_start3A_84] : memref<125x2x80xi32, #tpu.memory_space<vmem>> -> memref<1x1x80xi32, #tpu.memory_space<vmem>>
      %dma_start3A_86 = tpu.memref_squeeze %dma_start3A_85 : memref<1x1x80xi32, #tpu.memory_space<vmem>> -> memref<80xi32, #tpu.memory_space<vmem>>
      %dma_start3A_87 = arith.constant 0 : i32
      %dma_start3A_88 = tpu.memref_slice %arg8[%dma_start3A_87] : memref<10240xf32, #tpu.memory_space<vmem_shared>> -> memref<10240xf32, #tpu.memory_space<vmem_shared>>
      tpu.enqueue_indirect_dma source(%arg5 : memref<80xf32, #tpu.memory_space<vmem>>) target(%dma_start3A_88 : memref<10240xf32, #tpu.memory_space<vmem_shared>>) offsets(%dma_start3A_86 : memref<80xi32, #tpu.memory_space<vmem>>) semaphore(%arg10 : memref<!tpu.dma_semaphore, #tpu.memory_space<semaphore_mem>>) {add = true}
      %mul3A_89 = arith.constant 5 : i32
      %mul3A_90 = arith.muli %scan3A_57, %mul3A_89 : i32
      %add3A_91 = arith.constant 2 : i32
      %add3A_92 = arith.addi %mul3A_90, %add3A_91 : i32
      %dma_start3A_93 = arith.constant 0 : i32
      %dma_start3A_94 = arith.constant 0 : i32
      %dma_start3A_95 = tpu.memref_slice %arg4[%add3A_92, %dma_start3A_93, %dma_start3A_94] : memref<125x2x80xi32, #tpu.memory_space<vmem>> -> memref<1x1x80xi32, #tpu.memory_space<vmem>>
      %dma_start3A_96 = tpu.memref_squeeze %dma_start3A_95 : memref<1x1x80xi32, #tpu.memory_space<vmem>> -> memref<80xi32, #tpu.memory_space<vmem>>
      %dma_start3A_97 = arith.constant 0 : i32
      %dma_start3A_98 = tpu.memref_slice %arg7[%dma_start3A_97] : memref<10240xf32, #tpu.memory_space<vmem_shared>> -> memref<10240xf32, #tpu.memory_space<vmem_shared>>
      tpu.enqueue_indirect_dma source(%arg5 : memref<80xf32, #tpu.memory_space<vmem>>) target(%dma_start3A_98 : memref<10240xf32, #tpu.memory_space<vmem_shared>>) offsets(%dma_start3A_96 : memref<80xi32, #tpu.memory_space<vmem>>) semaphore(%arg9 : memref<!tpu.dma_semaphore, #tpu.memory_space<semaphore_mem>>) {add = true}
      %dma_start3A_99 = arith.constant 1 : i32
      %dma_start3A_100 = arith.constant 0 : i32
      %dma_start3A_101 = tpu.memref_slice %arg4[%add3A_92, %dma_start3A_99, %dma_start3A_100] : memref<125x2x80xi32, #tpu.memory_space<vmem>> -> memref<1x1x80xi32, #tpu.memory_space<vmem>>
      %dma_start3A_102 = tpu.memref_squeeze %dma_start3A_101 : memref<1x1x80xi32, #tpu.memory_space<vmem>> -> memref<80xi32, #tpu.memory_space<vmem>>
      %dma_start3A_103 = arith.constant 0 : i32
      %dma_start3A_104 = tpu.memref_slice %arg8[%dma_start3A_103] : memref<10240xf32, #tpu.memory_space<vmem_shared>> -> memref<10240xf32, #tpu.memory_space<vmem_shared>>
      tpu.enqueue_indirect_dma source(%arg5 : memref<80xf32, #tpu.memory_space<vmem>>) target(%dma_start3A_104 : memref<10240xf32, #tpu.memory_space<vmem_shared>>) offsets(%dma_start3A_102 : memref<80xi32, #tpu.memory_space<vmem>>) semaphore(%arg10 : memref<!tpu.dma_semaphore, #tpu.memory_space<semaphore_mem>>) {add = true}
      %mul3A_105 = arith.constant 5 : i32
      %mul3A_106 = arith.muli %scan3A_57, %mul3A_105 : i32
      %add3A_107 = arith.constant 3 : i32
      %add3A_108 = arith.addi %mul3A_106, %add3A_107 : i32
      %dma_start3A_109 = arith.constant 0 : i32
      %dma_start3A_110 = arith.constant 0 : i32
      %dma_start3A_111 = tpu.memref_slice %arg4[%add3A_108, %dma_start3A_109, %dma_start3A_110] : memref<125x2x80xi32, #tpu.memory_space<vmem>> -> memref<1x1x80xi32, #tpu.memory_space<vmem>>
      %dma_start3A_112 = tpu.memref_squeeze %dma_start3A_111 : memref<1x1x80xi32, #tpu.memory_space<vmem>> -> memref<80xi32, #tpu.memory_space<vmem>>
      %dma_start3A_113 = arith.constant 0 : i32
      %dma_start3A_114 = tpu.memref_slice %arg7[%dma_start3A_113] : memref<10240xf32, #tpu.memory_space<vmem_shared>> -> memref<10240xf32, #tpu.memory_space<vmem_shared>>
      tpu.enqueue_indirect_dma source(%arg5 : memref<80xf32, #tpu.memory_space<vmem>>) target(%dma_start3A_114 : memref<10240xf32, #tpu.memory_space<vmem_shared>>) offsets(%dma_start3A_112 : memref<80xi32, #tpu.memory_space<vmem>>) semaphore(%arg9 : memref<!tpu.dma_semaphore, #tpu.memory_space<semaphore_mem>>) {add = true}
      %dma_start3A_115 = arith.constant 1 : i32
      %dma_start3A_116 = arith.constant 0 : i32
      %dma_start3A_117 = tpu.memref_slice %arg4[%add3A_108, %dma_start3A_115, %dma_start3A_116] : memref<125x2x80xi32, #tpu.memory_space<vmem>> -> memref<1x1x80xi32, #tpu.memory_space<vmem>>
      %dma_start3A_118 = tpu.memref_squeeze %dma_start3A_117 : memref<1x1x80xi32, #tpu.memory_space<vmem>> -> memref<80xi32, #tpu.memory_space<vmem>>
      %dma_start3A_119 = arith.constant 0 : i32
      %dma_start3A_120 = tpu.memref_slice %arg8[%dma_start3A_119] : memref<10240xf32, #tpu.memory_space<vmem_shared>> -> memref<10240xf32, #tpu.memory_space<vmem_shared>>
      tpu.enqueue_indirect_dma source(%arg5 : memref<80xf32, #tpu.memory_space<vmem>>) target(%dma_start3A_120 : memref<10240xf32, #tpu.memory_space<vmem_shared>>) offsets(%dma_start3A_118 : memref<80xi32, #tpu.memory_space<vmem>>) semaphore(%arg10 : memref<!tpu.dma_semaphore, #tpu.memory_space<semaphore_mem>>) {add = true}
      %mul3A_121 = arith.constant 5 : i32
      %mul3A_122 = arith.muli %scan3A_57, %mul3A_121 : i32
      %add3A_123 = arith.constant 4 : i32
      %add3A_124 = arith.addi %mul3A_122, %add3A_123 : i32
      %dma_start3A_125 = arith.constant 0 : i32
      %dma_start3A_126 = arith.constant 0 : i32
      %dma_start3A_127 = tpu.memref_slice %arg4[%add3A_124, %dma_start3A_125, %dma_start3A_126] : memref<125x2x80xi32, #tpu.memory_space<vmem>> -> memref<1x1x80xi32, #tpu.memory_space<vmem>>
      %dma_start3A_128 = tpu.memref_squeeze %dma_start3A_127 : memref<1x1x80xi32, #tpu.memory_space<vmem>> -> memref<80xi32, #tpu.memory_space<vmem>>
      %dma_start3A_129 = arith.constant 0 : i32
      %dma_start3A_130 = tpu.memref_slice %arg7[%dma_start3A_129] : memref<10240xf32, #tpu.memory_space<vmem_shared>> -> memref<10240xf32, #tpu.memory_space<vmem_shared>>
      tpu.enqueue_indirect_dma source(%arg5 : memref<80xf32, #tpu.memory_space<vmem>>) target(%dma_start3A_130 : memref<10240xf32, #tpu.memory_space<vmem_shared>>) offsets(%dma_start3A_128 : memref<80xi32, #tpu.memory_space<vmem>>) semaphore(%arg9 : memref<!tpu.dma_semaphore, #tpu.memory_space<semaphore_mem>>) {add = true}
      %dma_start3A_131 = arith.constant 1 : i32
      %dma_start3A_132 = arith.constant 0 : i32
      %dma_start3A_133 = tpu.memref_slice %arg4[%add3A_124, %dma_start3A_131, %dma_start3A_132] : memref<125x2x80xi32, #tpu.memory_space<vmem>> -> memref<1x1x80xi32, #tpu.memory_space<vmem>>
      %dma_start3A_134 = tpu.memref_squeeze %dma_start3A_133 : memref<1x1x80xi32, #tpu.memory_space<vmem>> -> memref<80xi32, #tpu.memory_space<vmem>>
      %dma_start3A_135 = arith.constant 0 : i32
      %dma_start3A_136 = tpu.memref_slice %arg8[%dma_start3A_135] : memref<10240xf32, #tpu.memory_space<vmem_shared>> -> memref<10240xf32, #tpu.memory_space<vmem_shared>>
      tpu.enqueue_indirect_dma source(%arg5 : memref<80xf32, #tpu.memory_space<vmem>>) target(%dma_start3A_136 : memref<10240xf32, #tpu.memory_space<vmem_shared>>) offsets(%dma_start3A_134 : memref<80xi32, #tpu.memory_space<vmem>>) semaphore(%arg10 : memref<!tpu.dma_semaphore, #tpu.memory_space<semaphore_mem>>) {add = true}
      %mul3A_137 = arith.constant 5 : i32
      %mul3A_138 = arith.muli %scan3A_57, %mul3A_137 : i32
      %add3A_139 = arith.constant 0 : i32
      %add3A_140 = arith.addi %mul3A_138, %add3A_139 : i32
      %dma_wait3A = arith.constant 0 : i32
      %dma_wait3A_141 = arith.constant 0 : i32
      %dma_wait3A_142 = tpu.memref_slice %arg4[%add3A_140, %dma_wait3A, %dma_wait3A_141] : memref<125x2x80xi32, #tpu.memory_space<vmem>> -> memref<1x1x80xi32, #tpu.memory_space<vmem>>
      %dma_wait3A_143 = tpu.memref_squeeze %dma_wait3A_142 : memref<1x1x80xi32, #tpu.memory_space<vmem>> -> memref<80xi32, #tpu.memory_space<vmem>>
      %dma_wait3A_144 = arith.constant 0 : i32
      %dma_wait3A_145 = tpu.memref_slice %arg7[%dma_wait3A_144] : memref<10240xf32, #tpu.memory_space<vmem_shared>> -> memref<10240xf32, #tpu.memory_space<vmem_shared>>
      tpu.wait_indirect_dma semaphore(%arg9 : memref<!tpu.dma_semaphore, #tpu.memory_space<semaphore_mem>>) src(%arg5 : memref<80xf32, #tpu.memory_space<vmem>>) dst(%dma_wait3A_145 : memref<10240xf32, #tpu.memory_space<vmem_shared>>)
      %dma_wait3A_146 = arith.constant 1 : i32
      %dma_wait3A_147 = arith.constant 0 : i32
      %dma_wait3A_148 = tpu.memref_slice %arg4[%add3A_140, %dma_wait3A_146, %dma_wait3A_147] : memref<125x2x80xi32, #tpu.memory_space<vmem>> -> memref<1x1x80xi32, #tpu.memory_space<vmem>>
      %dma_wait3A_149 = tpu.memref_squeeze %dma_wait3A_148 : memref<1x1x80xi32, #tpu.memory_space<vmem>> -> memref<80xi32, #tpu.memory_space<vmem>>
      %dma_wait3A_150 = arith.constant 0 : i32
      %dma_wait3A_151 = tpu.memref_slice %arg8[%dma_wait3A_150] : memref<10240xf32, #tpu.memory_space<vmem_shared>> -> memref<10240xf32, #tpu.memory_space<vmem_shared>>
      tpu.wait_indirect_dma semaphore(%arg10 : memref<!tpu.dma_semaphore, #tpu.memory_space<semaphore_mem>>) src(%arg5 : memref<80xf32, #tpu.memory_space<vmem>>) dst(%dma_wait3A_151 : memref<10240xf32, #tpu.memory_space<vmem_shared>>)
      %mul3A_152 = arith.constant 5 : i32
      %mul3A_153 = arith.muli %scan3A_57, %mul3A_152 : i32
      %add3A_154 = arith.constant 1 : i32
      %add3A_155 = arith.addi %mul3A_153, %add3A_154 : i32
      %dma_wait3A_156 = arith.constant 0 : i32
      %dma_wait3A_157 = arith.constant 0 : i32
      %dma_wait3A_158 = tpu.memref_slice %arg4[%add3A_155, %dma_wait3A_156, %dma_wait3A_157] : memref<125x2x80xi32, #tpu.memory_space<vmem>> -> memref<1x1x80xi32, #tpu.memory_space<vmem>>
      %dma_wait3A_159 = tpu.memref_squeeze %dma_wait3A_158 : memref<1x1x80xi32, #tpu.memory_space<vmem>> -> memref<80xi32, #tpu.memory_space<vmem>>
      %dma_wait3A_160 = arith.constant 0 : i32
      %dma_wait3A_161 = tpu.memref_slice %arg7[%dma_wait3A_160] : memref<10240xf32, #tpu.memory_space<vmem_shared>> -> memref<10240xf32, #tpu.memory_space<vmem_shared>>
      tpu.wait_indirect_dma semaphore(%arg9 : memref<!tpu.dma_semaphore, #tpu.memory_space<semaphore_mem>>) src(%arg5 : memref<80xf32, #tpu.memory_space<vmem>>) dst(%dma_wait3A_161 : memref<10240xf32, #tpu.memory_space<vmem_shared>>)
      %dma_wait3A_162 = arith.constant 1 : i32
      %dma_wait3A_163 = arith.constant 0 : i32
      %dma_wait3A_164 = tpu.memref_slice %arg4[%add3A_155, %dma_wait3A_162, %dma_wait3A_163] : memref<125x2x80xi32, #tpu.memory_space<vmem>> -> memref<1x1x80xi32, #tpu.memory_space<vmem>>
      %dma_wait3A_165 = tpu.memref_squeeze %dma_wait3A_164 : memref<1x1x80xi32, #tpu.memory_space<vmem>> -> memref<80xi32, #tpu.memory_space<vmem>>
      %dma_wait3A_166 = arith.constant 0 : i32
      %dma_wait3A_167 = tpu.memref_slice %arg8[%dma_wait3A_166] : memref<10240xf32, #tpu.memory_space<vmem_shared>> -> memref<10240xf32, #tpu.memory_space<vmem_shared>>
      tpu.wait_indirect_dma semaphore(%arg10 : memref<!tpu.dma_semaphore, #tpu.memory_space<semaphore_mem>>) src(%arg5 : memref<80xf32, #tpu.memory_space<vmem>>) dst(%dma_wait3A_167 : memref<10240xf32, #tpu.memory_space<vmem_shared>>)
      %mul3A_168 = arith.constant 5 : i32
      %mul3A_169 = arith.muli %scan3A_57, %mul3A_168 : i32
      %add3A_170 = arith.constant 2 : i32
      %add3A_171 = arith.addi %mul3A_169, %add3A_170 : i32
      %dma_wait3A_172 = arith.constant 0 : i32
      %dma_wait3A_173 = arith.constant 0 : i32
      %dma_wait3A_174 = tpu.memref_slice %arg4[%add3A_171, %dma_wait3A_172, %dma_wait3A_173] : memref<125x2x80xi32, #tpu.memory_space<vmem>> -> memref<1x1x80xi32, #tpu.memory_space<vmem>>
      %dma_wait3A_175 = tpu.memref_squeeze %dma_wait3A_174 : memref<1x1x80xi32, #tpu.memory_space<vmem>> -> memref<80xi32, #tpu.memory_space<vmem>>
      %dma_wait3A_176 = arith.constant 0 : i32
      %dma_wait3A_177 = tpu.memref_slice %arg7[%dma_wait3A_176] : memref<10240xf32, #tpu.memory_space<vmem_shared>> -> memref<10240xf32, #tpu.memory_space<vmem_shared>>
      tpu.wait_indirect_dma semaphore(%arg9 : memref<!tpu.dma_semaphore, #tpu.memory_space<semaphore_mem>>) src(%arg5 : memref<80xf32, #tpu.memory_space<vmem>>) dst(%dma_wait3A_177 : memref<10240xf32, #tpu.memory_space<vmem_shared>>)
      %dma_wait3A_178 = arith.constant 1 : i32
      %dma_wait3A_179 = arith.constant 0 : i32
      %dma_wait3A_180 = tpu.memref_slice %arg4[%add3A_171, %dma_wait3A_178, %dma_wait3A_179] : memref<125x2x80xi32, #tpu.memory_space<vmem>> -> memref<1x1x80xi32, #tpu.memory_space<vmem>>
      %dma_wait3A_181 = tpu.memref_squeeze %dma_wait3A_180 : memref<1x1x80xi32, #tpu.memory_space<vmem>> -> memref<80xi32, #tpu.memory_space<vmem>>
      %dma_wait3A_182 = arith.constant 0 : i32
      %dma_wait3A_183 = tpu.memref_slice %arg8[%dma_wait3A_182] : memref<10240xf32, #tpu.memory_space<vmem_shared>> -> memref<10240xf32, #tpu.memory_space<vmem_shared>>
      tpu.wait_indirect_dma semaphore(%arg10 : memref<!tpu.dma_semaphore, #tpu.memory_space<semaphore_mem>>) src(%arg5 : memref<80xf32, #tpu.memory_space<vmem>>) dst(%dma_wait3A_183 : memref<10240xf32, #tpu.memory_space<vmem_shared>>)
      %mul3A_184 = arith.constant 5 : i32
      %mul3A_185 = arith.muli %scan3A_57, %mul3A_184 : i32
      %add3A_186 = arith.constant 3 : i32
      %add3A_187 = arith.addi %mul3A_185, %add3A_186 : i32
      %dma_wait3A_188 = arith.constant 0 : i32
      %dma_wait3A_189 = arith.constant 0 : i32
      %dma_wait3A_190 = tpu.memref_slice %arg4[%add3A_187, %dma_wait3A_188, %dma_wait3A_189] : memref<125x2x80xi32, #tpu.memory_space<vmem>> -> memref<1x1x80xi32, #tpu.memory_space<vmem>>
      %dma_wait3A_191 = tpu.memref_squeeze %dma_wait3A_190 : memref<1x1x80xi32, #tpu.memory_space<vmem>> -> memref<80xi32, #tpu.memory_space<vmem>>
      %dma_wait3A_192 = arith.constant 0 : i32
      %dma_wait3A_193 = tpu.memref_slice %arg7[%dma_wait3A_192] : memref<10240xf32, #tpu.memory_space<vmem_shared>> -> memref<10240xf32, #tpu.memory_space<vmem_shared>>
      tpu.wait_indirect_dma semaphore(%arg9 : memref<!tpu.dma_semaphore, #tpu.memory_space<semaphore_mem>>) src(%arg5 : memref<80xf32, #tpu.memory_space<vmem>>) dst(%dma_wait3A_193 : memref<10240xf32, #tpu.memory_space<vmem_shared>>)
      %dma_wait3A_194 = arith.constant 1 : i32
      %dma_wait3A_195 = arith.constant 0 : i32
      %dma_wait3A_196 = tpu.memref_slice %arg4[%add3A_187, %dma_wait3A_194, %dma_wait3A_195] : memref<125x2x80xi32, #tpu.memory_space<vmem>> -> memref<1x1x80xi32, #tpu.memory_space<vmem>>
      %dma_wait3A_197 = tpu.memref_squeeze %dma_wait3A_196 : memref<1x1x80xi32, #tpu.memory_space<vmem>> -> memref<80xi32, #tpu.memory_space<vmem>>
      %dma_wait3A_198 = arith.constant 0 : i32
      %dma_wait3A_199 = tpu.memref_slice %arg8[%dma_wait3A_198] : memref<10240xf32, #tpu.memory_space<vmem_shared>> -> memref<10240xf32, #tpu.memory_space<vmem_shared>>
      tpu.wait_indirect_dma semaphore(%arg10 : memref<!tpu.dma_semaphore, #tpu.memory_space<semaphore_mem>>) src(%arg5 : memref<80xf32, #tpu.memory_space<vmem>>) dst(%dma_wait3A_199 : memref<10240xf32, #tpu.memory_space<vmem_shared>>)
      %mul3A_200 = arith.constant 5 : i32
      %mul3A_201 = arith.muli %scan3A_57, %mul3A_200 : i32
      %add3A_202 = arith.constant 4 : i32
      %add3A_203 = arith.addi %mul3A_201, %add3A_202 : i32
      %dma_wait3A_204 = arith.constant 0 : i32
      %dma_wait3A_205 = arith.constant 0 : i32
      %dma_wait3A_206 = tpu.memref_slice %arg4[%add3A_203, %dma_wait3A_204, %dma_wait3A_205] : memref<125x2x80xi32, #tpu.memory_space<vmem>> -> memref<1x1x80xi32, #tpu.memory_space<vmem>>
      %dma_wait3A_207 = tpu.memref_squeeze %dma_wait3A_206 : memref<1x1x80xi32, #tpu.memory_space<vmem>> -> memref<80xi32, #tpu.memory_space<vmem>>
      %dma_wait3A_208 = arith.constant 0 : i32
      %dma_wait3A_209 = tpu.memref_slice %arg7[%dma_wait3A_208] : memref<10240xf32, #tpu.memory_space<vmem_shared>> -> memref<10240xf32, #tpu.memory_space<vmem_shared>>
      tpu.wait_indirect_dma semaphore(%arg9 : memref<!tpu.dma_semaphore, #tpu.memory_space<semaphore_mem>>) src(%arg5 : memref<80xf32, #tpu.memory_space<vmem>>) dst(%dma_wait3A_209 : memref<10240xf32, #tpu.memory_space<vmem_shared>>)
      %dma_wait3A_210 = arith.constant 1 : i32
      %dma_wait3A_211 = arith.constant 0 : i32
      %dma_wait3A_212 = tpu.memref_slice %arg4[%add3A_203, %dma_wait3A_210, %dma_wait3A_211] : memref<125x2x80xi32, #tpu.memory_space<vmem>> -> memref<1x1x80xi32, #tpu.memory_space<vmem>>
      %dma_wait3A_213 = tpu.memref_squeeze %dma_wait3A_212 : memref<1x1x80xi32, #tpu.memory_space<vmem>> -> memref<80xi32, #tpu.memory_space<vmem>>
      %dma_wait3A_214 = arith.constant 0 : i32
      %dma_wait3A_215 = tpu.memref_slice %arg8[%dma_wait3A_214] : memref<10240xf32, #tpu.memory_space<vmem_shared>> -> memref<10240xf32, #tpu.memory_space<vmem_shared>>
      tpu.wait_indirect_dma semaphore(%arg10 : memref<!tpu.dma_semaphore, #tpu.memory_space<semaphore_mem>>) src(%arg5 : memref<80xf32, #tpu.memory_space<vmem>>) dst(%dma_wait3A_215 : memref<10240xf32, #tpu.memory_space<vmem_shared>>)
    }
    %scan3A_43 = arith.constant 25 : i32
    %barrier3A_44 = arith.constant 0 : index
    tpu.barrier barrier_id(%barrier3A_44)
    "tpu.region"() ({
      %run_scoped3A = tpu.sem_alloc : memref<!tpu.dma_semaphore, #tpu.memory_space<semaphore_mem>>
      %dma_start3A = tpu.memref_slice %arg7[%mul3A_37] : memref<10240xf32, #tpu.memory_space<vmem_shared>> -> memref<640xf32, #tpu.memory_space<vmem_shared>>
      %dma_start3A_57 = tpu.memref_slice %arg7[%mul3A_37] : memref<10240xf32, #tpu.memory_space<vmem_shared>> -> memref<640xf32, #tpu.memory_space<vmem_shared>>
      tpu.enqueue_dma source(%dma_start3A_57 : memref<640xf32, #tpu.memory_space<vmem_shared>>) target(%arg6 : memref<640xf32, #tpu.memory_space<vmem>>) target_semaphore(%run_scoped3A : memref<!tpu.dma_semaphore, #tpu.memory_space<semaphore_mem>>)
      %dma_wait3A = tpu.memref_slice %arg7[%mul3A_37] : memref<10240xf32, #tpu.memory_space<vmem_shared>> -> memref<640xf32, #tpu.memory_space<vmem_shared>>
      %dma_wait3A_58 = tpu.memref_slice %arg7[%mul3A_37] : memref<10240xf32, #tpu.memory_space<vmem_shared>> -> memref<640xf32, #tpu.memory_space<vmem_shared>>
      tpu.wait_dma2 semaphore(%run_scoped3A : memref<!tpu.dma_semaphore, #tpu.memory_space<semaphore_mem>>) src(%dma_wait3A_58 : memref<640xf32, #tpu.memory_space<vmem_shared>>) dst(%arg6 : memref<640xf32, #tpu.memory_space<vmem>>)
      tpu.yield
    }) : () -> ()
    %mul3A_45 = arith.constant 2 : i32
    %mul3A_46 = arith.muli %arg0, %mul3A_45 : i32
    %mul3A_47 = arith.constant 10240 : i32
    %mul3A_48 = arith.muli %mul3A_46, %mul3A_47 : i32
    %add3A_49 = arith.addi %mul3A_48, %mul3A_37 : i32
    "tpu.region"() ({
      %run_scoped3A = tpu.sem_alloc : memref<!tpu.dma_semaphore, #tpu.memory_space<semaphore_mem>>
      %dma_start3A = tpu.memref_slice %arg3[%add3A_49] : memref<40960xf32, #tpu.memory_space<hbm>> -> memref<640xf32, #tpu.memory_space<hbm>>
      %dma_start3A_57 = tpu.memref_slice %arg3[%add3A_49] : memref<40960xf32, #tpu.memory_space<hbm>> -> memref<640xf32, #tpu.memory_space<hbm>>
      tpu.enqueue_dma source(%arg6 : memref<640xf32, #tpu.memory_space<vmem>>) target(%dma_start3A_57 : memref<640xf32, #tpu.memory_space<hbm>>) target_semaphore(%run_scoped3A : memref<!tpu.dma_semaphore, #tpu.memory_space<semaphore_mem>>)
      %dma_wait3A = tpu.memref_slice %arg3[%add3A_49] : memref<40960xf32, #tpu.memory_space<hbm>> -> memref<640xf32, #tpu.memory_space<hbm>>
      %dma_wait3A_58 = tpu.memref_slice %arg3[%add3A_49] : memref<40960xf32, #tpu.memory_space<hbm>> -> memref<640xf32, #tpu.memory_space<hbm>>
      tpu.wait_dma2 semaphore(%run_scoped3A : memref<!tpu.dma_semaphore, #tpu.memory_space<semaphore_mem>>) src(%arg6 : memref<640xf32, #tpu.memory_space<vmem>>) dst(%dma_wait3A_58 : memref<640xf32, #tpu.memory_space<hbm>>)
      tpu.yield
    }) : () -> ()
    "tpu.region"() ({
      %run_scoped3A = tpu.sem_alloc : memref<!tpu.dma_semaphore, #tpu.memory_space<semaphore_mem>>
      %dma_start3A = tpu.memref_slice %arg8[%mul3A_37] : memref<10240xf32, #tpu.memory_space<vmem_shared>> -> memref<640xf32, #tpu.memory_space<vmem_shared>>
      %dma_start3A_57 = tpu.memref_slice %arg8[%mul3A_37] : memref<10240xf32, #tpu.memory_space<vmem_shared>> -> memref<640xf32, #tpu.memory_space<vmem_shared>>
      tpu.enqueue_dma source(%dma_start3A_57 : memref<640xf32, #tpu.memory_space<vmem_shared>>) target(%arg6 : memref<640xf32, #tpu.memory_space<vmem>>) target_semaphore(%run_scoped3A : memref<!tpu.dma_semaphore, #tpu.memory_space<semaphore_mem>>)
      %dma_wait3A = tpu.memref_slice %arg8[%mul3A_37] : memref<10240xf32, #tpu.memory_space<vmem_shared>> -> memref<640xf32, #tpu.memory_space<vmem_shared>>
      %dma_wait3A_58 = tpu.memref_slice %arg8[%mul3A_37] : memref<10240xf32, #tpu.memory_space<vmem_shared>> -> memref<640xf32, #tpu.memory_space<vmem_shared>>
      tpu.wait_dma2 semaphore(%run_scoped3A : memref<!tpu.dma_semaphore, #tpu.memory_space<semaphore_mem>>) src(%dma_wait3A_58 : memref<640xf32, #tpu.memory_space<vmem_shared>>) dst(%arg6 : memref<640xf32, #tpu.memory_space<vmem>>)
      tpu.yield
    }) : () -> ()
    %mul3A_50 = arith.constant 2 : i32
    %mul3A_51 = arith.muli %arg0, %mul3A_50 : i32
    %add3A_52 = arith.constant 1 : i32
    %add3A_53 = arith.addi %mul3A_51, %add3A_52 : i32
    %mul3A_54 = arith.constant 10240 : i32
    %mul3A_55 = arith.muli %add3A_53, %mul3A_54 : i32
    %add3A_56 = arith.addi %mul3A_55, %mul3A_37 : i32
    "tpu.region"() ({
      %run_scoped3A = tpu.sem_alloc : memref<!tpu.dma_semaphore, #tpu.memory_space<semaphore_mem>>
      %dma_start3A = tpu.memref_slice %arg3[%add3A_56] : memref<40960xf32, #tpu.memory_space<hbm>> -> memref<640xf32, #tpu.memory_space<hbm>>
      %dma_start3A_57 = tpu.memref_slice %arg3[%add3A_56] : memref<40960xf32, #tpu.memory_space<hbm>> -> memref<640xf32, #tpu.memory_space<hbm>>
      tpu.enqueue_dma source(%arg6 : memref<640xf32, #tpu.memory_space<vmem>>) target(%dma_start3A_57 : memref<640xf32, #tpu.memory_space<hbm>>) target_semaphore(%run_scoped3A : memref<!tpu.dma_semaphore, #tpu.memory_space<semaphore_mem>>)
      %dma_wait3A = tpu.memref_slice %arg3[%add3A_56] : memref<40960xf32, #tpu.memory_space<hbm>> -> memref<640xf32, #tpu.memory_space<hbm>>
      %dma_wait3A_58 = tpu.memref_slice %arg3[%add3A_56] : memref<40960xf32, #tpu.memory_space<hbm>> -> memref<640xf32, #tpu.memory_space<hbm>>
      tpu.wait_dma2 semaphore(%run_scoped3A : memref<!tpu.dma_semaphore, #tpu.memory_space<semaphore_mem>>) src(%arg6 : memref<640xf32, #tpu.memory_space<vmem>>) dst(%dma_wait3A_58 : memref<640xf32, #tpu.memory_space<hbm>>)
      tpu.yield
    }) : () -> ()
    return
  }
}

module attributes {stable_mosaic.version = 14 : i64} {
  func.func @_prep_body(%arg0: i32, %arg1: memref<1000x4xf32, #tpu.memory_space<vmem>>, %arg2: memref<1000x128xf32, #tpu.memory_space<vmem>>, %arg3: memref<1000x128xf32, #tpu.memory_space<vmem>>, %arg4: memref<1000x2xf32, #tpu.memory_space<vmem>>) attributes {dimension_semantics = [#tpu.dimension_semantics<arbitrary>], iteration_bounds = array<i64: 10>, scalar_prefetch = 0 : i64, scratch_operands = 0 : i64, tpu.core_type = #tpu.core_type<tc>, window_params = [{transform_indices = @transform_0, window_bounds = array<i64: 1000, 4>}, {transform_indices = @transform_1, window_bounds = array<i64: 1000, 128>}, {transform_indices = @transform_2, window_bounds = array<i64: 1000, 128>}, {transform_indices = @transform_3, window_bounds = array<i64: 1000, 2>}]} {
    %get3A = arith.constant 0 : index
    %get3A_0 = arith.constant 0 : index
    %get3A_1 = vector.load %arg1[%get3A, %get3A_0] : memref<1000x4xf32, #tpu.memory_space<vmem>>, vector<1000x4xf32>
    %slice3A = vector.extract_strided_slice %get3A_1 {offsets = [0, 0], sizes = [1000, 1], strides = [1, 1]} : vector<1000x4xf32> to vector<1000x1xf32>
    %slice3A_2 = vector.extract_strided_slice %get3A_1 {offsets = [0, 2], sizes = [1000, 1], strides = [1, 1]} : vector<1000x4xf32> to vector<1000x1xf32>
    %add3A = arith.addf %slice3A, %slice3A_2 : vector<1000x1xf32>
    %max3A = arith.constant 1.000000e+00 : f32
    %max3A_3 = vector.broadcast %max3A : f32 to vector<1000x1xf32>
    %max3A_4 = arith.maximumf %add3A, %max3A_3 : vector<1000x1xf32>
    %rsqrt3A = math.rsqrt %max3A_4 : vector<1000x1xf32>
    %slice3A_5 = vector.extract_strided_slice %get3A_1 {offsets = [0, 1], sizes = [1000, 1], strides = [1, 1]} : vector<1000x4xf32> to vector<1000x1xf32>
    %slice3A_6 = vector.extract_strided_slice %get3A_1 {offsets = [0, 3], sizes = [1000, 1], strides = [1, 1]} : vector<1000x4xf32> to vector<1000x1xf32>
    %add3A_7 = arith.addf %slice3A_5, %slice3A_6 : vector<1000x1xf32>
    %max3A_8 = arith.constant 1.000000e+00 : f32
    %max3A_9 = vector.broadcast %max3A_8 : f32 to vector<1000x1xf32>
    %max3A_10 = arith.maximumf %add3A_7, %max3A_9 : vector<1000x1xf32>
    %rsqrt3A_11 = math.rsqrt %max3A_10 : vector<1000x1xf32>
    %get3A_12 = arith.constant 0 : index
    %get3A_13 = arith.constant 0 : index
    %get3A_14 = vector.load %arg2[%get3A_12, %get3A_13] : memref<1000x128xf32, #tpu.memory_space<vmem>>, vector<1000x128xf32>
    %mul3A = vector.broadcast %rsqrt3A : vector<1000x1xf32> to vector<1000x128xf32>
    %mul3A_15 = arith.mulf %get3A_14, %mul3A : vector<1000x128xf32>
    %swap3A = arith.constant 0 : index
    %swap3A_16 = arith.constant 0 : index
    %swap3A_17 = vector.load %arg3[%swap3A, %swap3A_16] : memref<1000x128xf32, #tpu.memory_space<vmem>>, vector<1000x128xf32>
    tpu.vector_store %arg3[%swap3A, %swap3A_16], %mul3A_15 {strides = array<i32>} : memref<1000x128xf32, #tpu.memory_space<vmem>>, vector<1000x128xf32>,
    %concatenate3A = tpu.concatenate %rsqrt3A, %rsqrt3A_11 in 1 : vector<1000x1xf32>, vector<1000x1xf32> -> vector<1000x2xf32>
    %swap3A_18 = arith.constant 0 : index
    %swap3A_19 = arith.constant 0 : index
    %swap3A_20 = vector.load %arg4[%swap3A_18, %swap3A_19] : memref<1000x2xf32, #tpu.memory_space<vmem>>, vector<1000x2xf32>
    tpu.vector_store %arg4[%swap3A_18, %swap3A_19], %concatenate3A {strides = array<i32>} : memref<1000x2xf32, #tpu.memory_space<vmem>>, vector<1000x2xf32>,
    return
  }
  func.func @transform_0(%arg0: i32) -> (i32, i32) {
    %c0_i32 = arith.constant 0 : i32
    %c0_i32_0 = arith.constant 0 : i32
    return %arg0, %c0_i32 : i32, i32
  }
  func.func @transform_1(%arg0: i32) -> (i32, i32) {
    %c0_i32 = arith.constant 0 : i32
    %c0_i32_0 = arith.constant 0 : i32
    return %arg0, %c0_i32 : i32, i32
  }
  func.func @transform_2(%arg0: i32) -> (i32, i32) {
    %c0_i32 = arith.constant 0 : i32
    %c0_i32_0 = arith.constant 0 : i32
    return %arg0, %c0_i32 : i32, i32
  }
  func.func @transform_3(%arg0: i32) -> (i32, i32) {
    %c0_i32 = arith.constant 0 : i32
    %c0_i32_0 = arith.constant 0 : i32
    return %arg0, %c0_i32 : i32, i32
  }
}

module attributes {stable_mosaic.version = 14 : i64} {
  func.func @_dense1_body(%arg0: i32, %arg1: memref<1000x128xf32, #tpu.memory_space<vmem>>, %arg2: memref<1000x128xf32, #tpu.memory_space<vmem>>, %arg3: memref<1000x2xf32, #tpu.memory_space<vmem>>, %arg4: memref<128x160xf32, #tpu.memory_space<vmem>>, %arg5: memref<1x160xf32, #tpu.memory_space<vmem>>, %arg6: memref<1000x160xf32, #tpu.memory_space<vmem>>) attributes {dimension_semantics = [#tpu.dimension_semantics<arbitrary>], iteration_bounds = array<i64: 10>, scalar_prefetch = 0 : i64, scratch_operands = 0 : i64, tpu.core_type = #tpu.core_type<tc>, window_params = [{transform_indices = @transform_0, window_bounds = array<i64: 1000, 128>}, {transform_indices = @transform_1, window_bounds = array<i64: 1000, 128>}, {transform_indices = @transform_2, window_bounds = array<i64: 1000, 2>}, {pipeline_mode = #tpu.pipeline_mode<synchronous>, transform_indices = @transform_3, window_bounds = array<i64: 128, 160>}, {pipeline_mode = #tpu.pipeline_mode<synchronous>, transform_indices = @transform_4, window_bounds = array<i64: 1, 160>}, {transform_indices = @transform_5, window_bounds = array<i64: 1000, 160>}]} {
    %get3A = arith.constant 0 : index
    %get3A_0 = arith.constant 0 : index
    %get3A_1 = vector.load %arg3[%get3A, %get3A_0] : memref<1000x2xf32, #tpu.memory_space<vmem>>, vector<1000x2xf32>
    %get3A_2 = arith.constant 0 : index
    %get3A_3 = arith.constant 0 : index
    %get3A_4 = vector.load %arg1[%get3A_2, %get3A_3] : memref<1000x128xf32, #tpu.memory_space<vmem>>, vector<1000x128xf32>
    %get3A_5 = arith.constant 0 : index
    %get3A_6 = arith.constant 0 : index
    %get3A_7 = vector.load %arg2[%get3A_5, %get3A_6] : memref<1000x128xf32, #tpu.memory_space<vmem>>, vector<1000x128xf32>
    %add3A = arith.addf %get3A_4, %get3A_7 : vector<1000x128xf32>
    %slice3A = vector.extract_strided_slice %get3A_1 {offsets = [0, 1], sizes = [1000, 1], strides = [1, 1]} : vector<1000x2xf32> to vector<1000x1xf32>
    %mul3A = vector.broadcast %slice3A : vector<1000x1xf32> to vector<1000x128xf32>
    %mul3A_8 = arith.mulf %add3A, %mul3A : vector<1000x128xf32>
    %get3A_9 = arith.constant 0 : index
    %get3A_10 = arith.constant 0 : index
    %get3A_11 = vector.load %arg4[%get3A_9, %get3A_10] : memref<128x160xf32, #tpu.memory_space<vmem>>, vector<128x160xf32>
    %dot_general3A = arith.constant dense<0.000000e+00> : vector<1000x160xf32>
    %dot_general3A_12 = tpu.matmul %mul3A_8, %get3A_11, %dot_general3A {dimension_numbers = #tpu.dot_dimension_numbers<[1], [0], [0], [1], [0, 0, 1, 1], [], []>, transpose_lhs_hint = false} : vector<1000x128xf32>, vector<128x160xf32>, vector<1000x160xf32> -> vector<1000x160xf32>
    %get3A_13 = arith.constant 0 : index
    %get3A_14 = arith.constant 0 : index
    %get3A_15 = vector.load %arg5[%get3A_13, %get3A_14] : memref<1x160xf32, #tpu.memory_space<vmem>>, vector<1x160xf32>
    %add3A_16 = vector.broadcast %get3A_15 : vector<1x160xf32> to vector<1000x160xf32>
    %add3A_17 = arith.addf %dot_general3A_12, %add3A_16 : vector<1000x160xf32>
    %tanh3A = math.tanh %add3A_17 : vector<1000x160xf32>
    %slice3A_18 = vector.extract_strided_slice %get3A_1 {offsets = [0, 0], sizes = [1000, 1], strides = [1, 1]} : vector<1000x2xf32> to vector<1000x1xf32>
    %mul3A_19 = vector.broadcast %slice3A_18 : vector<1000x1xf32> to vector<1000x160xf32>
    %mul3A_20 = arith.mulf %tanh3A, %mul3A_19 : vector<1000x160xf32>
    %swap3A = arith.constant 0 : index
    %swap3A_21 = arith.constant 0 : index
    %swap3A_22 = vector.load %arg6[%swap3A, %swap3A_21] : memref<1000x160xf32, #tpu.memory_space<vmem>>, vector<1000x160xf32>
    tpu.vector_store %arg6[%swap3A, %swap3A_21], %mul3A_20 {strides = array<i32>} : memref<1000x160xf32, #tpu.memory_space<vmem>>, vector<1000x160xf32>,
    return
  }
  func.func @transform_0(%arg0: i32) -> (i32, i32) {
    %c0_i32 = arith.constant 0 : i32
    %c0_i32_0 = arith.constant 0 : i32
    return %arg0, %c0_i32 : i32, i32
  }
  func.func @transform_1(%arg0: i32) -> (i32, i32) {
    %c0_i32 = arith.constant 0 : i32
    %c0_i32_0 = arith.constant 0 : i32
    return %arg0, %c0_i32 : i32, i32
  }
  func.func @transform_2(%arg0: i32) -> (i32, i32) {
    %c0_i32 = arith.constant 0 : i32
    %c0_i32_0 = arith.constant 0 : i32
    return %arg0, %c0_i32 : i32, i32
  }
  func.func @transform_3(%arg0: i32) -> (i32, i32) {
    %c0_i32 = arith.constant 0 : i32
    %c0_i32_0 = arith.constant 0 : i32
    %c0_i32_1 = arith.constant 0 : i32
    return %c0_i32, %c0_i32_0 : i32, i32
  }
  func.func @transform_4(%arg0: i32) -> (i32, i32) {
    %c0_i32 = arith.constant 0 : i32
    %c0_i32_0 = arith.constant 0 : i32
    %c0_i32_1 = arith.constant 0 : i32
    return %c0_i32, %c0_i32_0 : i32, i32
  }
  func.func @transform_5(%arg0: i32) -> (i32, i32) {
    %c0_i32 = arith.constant 0 : i32
    %c0_i32_0 = arith.constant 0 : i32
    return %arg0, %c0_i32 : i32, i32
  }
}

module attributes {stable_mosaic.version = 14 : i64} {
  func.func @_dense2_body(%arg0: i32, %arg1: memref<1000x160xf32, #tpu.memory_space<vmem>>, %arg2: memref<1000x160xf32, #tpu.memory_space<vmem>>, %arg3: memref<1000x2xf32, #tpu.memory_space<vmem>>, %arg4: memref<1000x128xf32, #tpu.memory_space<vmem>>, %arg5: memref<160x150xf32, #tpu.memory_space<vmem>>, %arg6: memref<1x150xf32, #tpu.memory_space<vmem>>, %arg7: memref<150x150xf32, #tpu.memory_space<vmem>>, %arg8: memref<128x150xf32, #tpu.memory_space<vmem>>, %arg9: memref<1x150xf32, #tpu.memory_space<vmem>>, %arg10: memref<150x150xf32, #tpu.memory_space<vmem>>, %arg11: memref<1x150xf32, #tpu.memory_space<vmem>>, %arg12: memref<150x1xf32, #tpu.memory_space<vmem>>, %arg13: memref<1x1xf32, #tpu.memory_space<vmem>>, %arg14: memref<1000x1xf32, #tpu.memory_space<vmem>>) attributes {dimension_semantics = [#tpu.dimension_semantics<arbitrary>], iteration_bounds = array<i64: 10>, scalar_prefetch = 0 : i64, scratch_operands = 0 : i64, tpu.core_type = #tpu.core_type<tc>, window_params = [{transform_indices = @transform_0, window_bounds = array<i64: 1000, 160>}, {transform_indices = @transform_1, window_bounds = array<i64: 1000, 160>}, {transform_indices = @transform_2, window_bounds = array<i64: 1000, 2>}, {transform_indices = @transform_3, window_bounds = array<i64: 1000, 128>}, {pipeline_mode = #tpu.pipeline_mode<synchronous>, transform_indices = @transform_4, window_bounds = array<i64: 160, 150>}, {pipeline_mode = #tpu.pipeline_mode<synchronous>, transform_indices = @transform_5, window_bounds = array<i64: 1, 150>}, {pipeline_mode = #tpu.pipeline_mode<synchronous>, transform_indices = @transform_6, window_bounds = array<i64: 150, 150>}, {pipeline_mode = #tpu.pipeline_mode<synchronous>, transform_indices = @transform_7, window_bounds = array<i64: 128, 150>}, {pipeline_mode = #tpu.pipeline_mode<synchronous>, transform_indices = @transform_8, window_bounds = array<i64: 1, 150>}, {pipeline_mode = #tpu.pipeline_mode<synchronous>, transform_indices = @transform_9, window_bounds = array<i64: 150, 150>}, {pipeline_mode = #tpu.pipeline_mode<synchronous>, transform_indices = @transform_10, window_bounds = array<i64: 1, 150>}, {pipeline_mode = #tpu.pipeline_mode<synchronous>, transform_indices = @transform_11, window_bounds = array<i64: 150, 1>}, {pipeline_mode = #tpu.pipeline_mode<synchronous>, transform_indices = @transform_12, window_bounds = array<i64: 1, 1>}, {transform_indices = @transform_13, window_bounds = array<i64: 1000, 1>}]} {
    %get3A = arith.constant 0 : index
    %get3A_0 = arith.constant 0 : index
    %get3A_1 = vector.load %arg3[%get3A, %get3A_0] : memref<1000x2xf32, #tpu.memory_space<vmem>>, vector<1000x2xf32>
    %get3A_2 = arith.constant 0 : index
    %get3A_3 = arith.constant 0 : index
    %get3A_4 = vector.load %arg1[%get3A_2, %get3A_3] : memref<1000x160xf32, #tpu.memory_space<vmem>>, vector<1000x160xf32>
    %get3A_5 = arith.constant 0 : index
    %get3A_6 = arith.constant 0 : index
    %get3A_7 = vector.load %arg2[%get3A_5, %get3A_6] : memref<1000x160xf32, #tpu.memory_space<vmem>>, vector<1000x160xf32>
    %add3A = arith.addf %get3A_4, %get3A_7 : vector<1000x160xf32>
    %slice3A = vector.extract_strided_slice %get3A_1 {offsets = [0, 1], sizes = [1000, 1], strides = [1, 1]} : vector<1000x2xf32> to vector<1000x1xf32>
    %mul3A = vector.broadcast %slice3A : vector<1000x1xf32> to vector<1000x160xf32>
    %mul3A_8 = arith.mulf %add3A, %mul3A : vector<1000x160xf32>
    %get3A_9 = arith.constant 0 : index
    %get3A_10 = arith.constant 0 : index
    %get3A_11 = vector.load %arg5[%get3A_9, %get3A_10] : memref<160x150xf32, #tpu.memory_space<vmem>>, vector<160x150xf32>
    %dot_general3A = arith.constant dense<0.000000e+00> : vector<1000x150xf32>
    %dot_general3A_12 = tpu.matmul %mul3A_8, %get3A_11, %dot_general3A {dimension_numbers = #tpu.dot_dimension_numbers<[1], [0], [0], [1], [0, 0, 1, 1], [], []>, transpose_lhs_hint = false} : vector<1000x160xf32>, vector<160x150xf32>, vector<1000x150xf32> -> vector<1000x150xf32>
    %get3A_13 = arith.constant 0 : index
    %get3A_14 = arith.constant 0 : index
    %get3A_15 = vector.load %arg6[%get3A_13, %get3A_14] : memref<1x150xf32, #tpu.memory_space<vmem>>, vector<1x150xf32>
    %add3A_16 = vector.broadcast %get3A_15 : vector<1x150xf32> to vector<1000x150xf32>
    %add3A_17 = arith.addf %dot_general3A_12, %add3A_16 : vector<1000x150xf32>
    %tanh3A = math.tanh %add3A_17 : vector<1000x150xf32>
    %get3A_18 = arith.constant 0 : index
    %get3A_19 = arith.constant 0 : index
    %get3A_20 = vector.load %arg7[%get3A_18, %get3A_19] : memref<150x150xf32, #tpu.memory_space<vmem>>, vector<150x150xf32>
    %dot_general3A_21 = arith.constant dense<0.000000e+00> : vector<1000x150xf32>
    %dot_general3A_22 = tpu.matmul %tanh3A, %get3A_20, %dot_general3A_21 {dimension_numbers = #tpu.dot_dimension_numbers<[1], [0], [0], [1], [0, 0, 1, 1], [], []>, transpose_lhs_hint = false} : vector<1000x150xf32>, vector<150x150xf32>, vector<1000x150xf32> -> vector<1000x150xf32>
    %get3A_23 = arith.constant 0 : index
    %get3A_24 = arith.constant 0 : index
    %get3A_25 = vector.load %arg4[%get3A_23, %get3A_24] : memref<1000x128xf32, #tpu.memory_space<vmem>>, vector<1000x128xf32>
    %get3A_26 = arith.constant 0 : index
    %get3A_27 = arith.constant 0 : index
    %get3A_28 = vector.load %arg8[%get3A_26, %get3A_27] : memref<128x150xf32, #tpu.memory_space<vmem>>, vector<128x150xf32>
    %dot_general3A_29 = arith.constant dense<0.000000e+00> : vector<1000x150xf32>
    %dot_general3A_30 = tpu.matmul %get3A_25, %get3A_28, %dot_general3A_29 {dimension_numbers = #tpu.dot_dimension_numbers<[1], [0], [0], [1], [0, 0, 1, 1], [], []>, transpose_lhs_hint = false} : vector<1000x128xf32>, vector<128x150xf32>, vector<1000x150xf32> -> vector<1000x150xf32>
    %add3A_31 = arith.addf %dot_general3A_22, %dot_general3A_30 : vector<1000x150xf32>
    %get3A_32 = arith.constant 0 : index
    %get3A_33 = arith.constant 0 : index
    %get3A_34 = vector.load %arg9[%get3A_32, %get3A_33] : memref<1x150xf32, #tpu.memory_space<vmem>>, vector<1x150xf32>
    %add3A_35 = vector.broadcast %get3A_34 : vector<1x150xf32> to vector<1000x150xf32>
    %add3A_36 = arith.addf %add3A_31, %add3A_35 : vector<1000x150xf32>
    %tanh3A_37 = math.tanh %add3A_36 : vector<1000x150xf32>
    %get3A_38 = arith.constant 0 : index
    %get3A_39 = arith.constant 0 : index
    %get3A_40 = vector.load %arg10[%get3A_38, %get3A_39] : memref<150x150xf32, #tpu.memory_space<vmem>>, vector<150x150xf32>
    %dot_general3A_41 = arith.constant dense<0.000000e+00> : vector<1000x150xf32>
    %dot_general3A_42 = tpu.matmul %tanh3A_37, %get3A_40, %dot_general3A_41 {dimension_numbers = #tpu.dot_dimension_numbers<[1], [0], [0], [1], [0, 0, 1, 1], [], []>, transpose_lhs_hint = false} : vector<1000x150xf32>, vector<150x150xf32>, vector<1000x150xf32> -> vector<1000x150xf32>
    %get3A_43 = arith.constant 0 : index
    %get3A_44 = arith.constant 0 : index
    %get3A_45 = vector.load %arg11[%get3A_43, %get3A_44] : memref<1x150xf32, #tpu.memory_space<vmem>>, vector<1x150xf32>
    %add3A_46 = vector.broadcast %get3A_45 : vector<1x150xf32> to vector<1000x150xf32>
    %add3A_47 = arith.addf %dot_general3A_42, %add3A_46 : vector<1000x150xf32>
    %tanh3A_48 = math.tanh %add3A_47 : vector<1000x150xf32>
    %get3A_49 = arith.constant 0 : index
    %get3A_50 = arith.constant 0 : index
    %get3A_51 = vector.load %arg12[%get3A_49, %get3A_50] : memref<150x1xf32, #tpu.memory_space<vmem>>, vector<150x1xf32>
    %dot_general3A_52 = arith.constant dense<0.000000e+00> : vector<1000x1xf32>
    %dot_general3A_53 = tpu.matmul %tanh3A_48, %get3A_51, %dot_general3A_52 {dimension_numbers = #tpu.dot_dimension_numbers<[1], [0], [0], [1], [0, 0, 1, 1], [], []>, transpose_lhs_hint = false} : vector<1000x150xf32>, vector<150x1xf32>, vector<1000x1xf32> -> vector<1000x1xf32>
    %get3A_54 = arith.constant 0 : index
    %get3A_55 = arith.constant 0 : index
    %get3A_56 = vector.load %arg13[%get3A_54, %get3A_55] : memref<1x1xf32, #tpu.memory_space<vmem>>, vector<1x1xf32>
    %add3A_57 = vector.broadcast %get3A_56 : vector<1x1xf32> to vector<1000x1xf32>
    %add3A_58 = arith.addf %dot_general3A_53, %add3A_57 : vector<1000x1xf32>
    %tanh3A_59 = math.tanh %add3A_58 : vector<1000x1xf32>
    %swap3A = arith.constant 0 : index
    %swap3A_60 = arith.constant 0 : index
    %swap3A_61 = vector.load %arg14[%swap3A, %swap3A_60] : memref<1000x1xf32, #tpu.memory_space<vmem>>, vector<1000x1xf32>
    tpu.vector_store %arg14[%swap3A, %swap3A_60], %tanh3A_59 {strides = array<i32>} : memref<1000x1xf32, #tpu.memory_space<vmem>>, vector<1000x1xf32>,
    return
  }
  func.func @transform_0(%arg0: i32) -> (i32, i32) {
    %c0_i32 = arith.constant 0 : i32
    %c0_i32_0 = arith.constant 0 : i32
    return %arg0, %c0_i32 : i32, i32
  }
  func.func @transform_1(%arg0: i32) -> (i32, i32) {
    %c0_i32 = arith.constant 0 : i32
    %c0_i32_0 = arith.constant 0 : i32
    return %arg0, %c0_i32 : i32, i32
  }
  func.func @transform_2(%arg0: i32) -> (i32, i32) {
    %c0_i32 = arith.constant 0 : i32
    %c0_i32_0 = arith.constant 0 : i32
    return %arg0, %c0_i32 : i32, i32
  }
  func.func @transform_3(%arg0: i32) -> (i32, i32) {
    %c0_i32 = arith.constant 0 : i32
    %c0_i32_0 = arith.constant 0 : i32
    return %arg0, %c0_i32 : i32, i32
  }
  func.func @transform_4(%arg0: i32) -> (i32, i32) {
    %c0_i32 = arith.constant 0 : i32
    %c0_i32_0 = arith.constant 0 : i32
    %c0_i32_1 = arith.constant 0 : i32
    return %c0_i32, %c0_i32_0 : i32, i32
  }
  func.func @transform_5(%arg0: i32) -> (i32, i32) {
    %c0_i32 = arith.constant 0 : i32
    %c0_i32_0 = arith.constant 0 : i32
    %c0_i32_1 = arith.constant 0 : i32
    return %c0_i32, %c0_i32_0 : i32, i32
  }
  func.func @transform_6(%arg0: i32) -> (i32, i32) {
    %c0_i32 = arith.constant 0 : i32
    %c0_i32_0 = arith.constant 0 : i32
    %c0_i32_1 = arith.constant 0 : i32
    return %c0_i32, %c0_i32_0 : i32, i32
  }
  func.func @transform_7(%arg0: i32) -> (i32, i32) {
    %c0_i32 = arith.constant 0 : i32
    %c0_i32_0 = arith.constant 0 : i32
    %c0_i32_1 = arith.constant 0 : i32
    return %c0_i32, %c0_i32_0 : i32, i32
  }
  func.func @transform_8(%arg0: i32) -> (i32, i32) {
    %c0_i32 = arith.constant 0 : i32
    %c0_i32_0 = arith.constant 0 : i32
    %c0_i32_1 = arith.constant 0 : i32
    return %c0_i32, %c0_i32_0 : i32, i32
  }
  func.func @transform_9(%arg0: i32) -> (i32, i32) {
    %c0_i32 = arith.constant 0 : i32
    %c0_i32_0 = arith.constant 0 : i32
    %c0_i32_1 = arith.constant 0 : i32
    return %c0_i32, %c0_i32_0 : i32, i32
  }
  func.func @transform_10(%arg0: i32) -> (i32, i32) {
    %c0_i32 = arith.constant 0 : i32
    %c0_i32_0 = arith.constant 0 : i32
    %c0_i32_1 = arith.constant 0 : i32
    return %c0_i32, %c0_i32_0 : i32, i32
  }
  func.func @transform_11(%arg0: i32) -> (i32, i32) {
    %c0_i32 = arith.constant 0 : i32
    %c0_i32_0 = arith.constant 0 : i32
    %c0_i32_1 = arith.constant 0 : i32
    return %c0_i32, %c0_i32_0 : i32, i32
  }
  func.func @transform_12(%arg0: i32) -> (i32, i32) {
    %c0_i32 = arith.constant 0 : i32
    %c0_i32_0 = arith.constant 0 : i32
    %c0_i32_1 = arith.constant 0 : i32
    return %c0_i32, %c0_i32_0 : i32, i32
  }
  func.func @transform_13(%arg0: i32) -> (i32, i32) {
    %c0_i32 = arith.constant 0 : i32
    %c0_i32_0 = arith.constant 0 : i32
    return %arg0, %c0_i32 : i32, i32
  }
}

</mosaic_0001>

<sc_bundles>
// kernel: kernel.11.cloned.1.call-start
scs
__scs_entry_jumppad:
0x0: {  	(pc) =	sbr.rel $0x88, $3  }
0x1: {  	(tag) =	ssettag $0x0;
	lr =	simm.s32 $0x1  }
0x2: {  	[smem:$0x3F95] =	sst lr;
	_ =	strace $0xD0000000  }
0x3: {  	_ = 	snop  }
0x4: {  	_ = 	snop  }
0x5: {  	_ = 	snop  }
0x6: {  	_ = 	snop  }
0x7: {  	_ = 	snop  }
__scs_overlays_trampoline_lowered:
0x8: {  	[smem:$0x3FA4] =	sst s0  }
0x9: {  	[smem:$0x3FA5] =	sst s1  }
0xa: {  	[smem:$0x3FA6] =	sst s2  }
0xb: {  	[smem:$0x3FA7] =	sst s3  }
0xc: {  	[smem:$0x3FA8] =	sst s4  }
0xd: {  	[smem:$0x3FA9] =	sst s5  }
0xe: {  	[smem:$0x3FAA] =	sst s6  }
0xf: {  	[smem:$0x3FAB] =	sst s7  }
0x10: {  	[smem:$0x3FAC] =	sst s8  }
0x11: {  	[smem:$0x3FAD] =	sst s9;
	s0 =	simm.s32 @!p0 $0x0  }
0x12: {  	s1 =	sld [smem:$0x3F93];
	s0 =	simm.s32 @p0 $0x1  }
0x13: {  	[smem:$0x3FAE] =	sst s0;
	s0 =	simm.s32 @!p1 $0x0  }
0x14: {  	s2 =	sld [smem:$0x3F92];
	s0 =	simm.s32 @p1 $0x1  }
0x15: {  	[smem:$0x3FAF] =	sst s0;
	s0 =	simm.s32 @!p2 $0x0  }
0x16: {  	s3 =	sld [smem:$0x3FDB];
	s0 =	simm.s32 @p2 $0x1  }
0x17: {  	s4 =	simm.s32 $0x1BF5;
	[smem:$0x3FB1] =	sst s0  }
0x18: {  	s0 =	sld [smem:$0x3F94];
	_ =	swait.ge [sflag:s4], $0x0  }
0x19: {  	s7 =	sld [smem:$0x3F95]  }
0x1a: {  	s8 =	sadd.s32 $0xFFFFE003, lr  }
0x1b: {  	s9 =	sadd.s32 $0xFFFFFEF7, lr;
	s5 =	simm.s32 $0xFFFFFFFF;
	p2 =	slt.u32 s8, $0xFFFFF086  }
0x1c: {  	p1 =	slt.u32 s9, $0xF7A;
	s5 =	simm.s32 @!p2 $0x0  }
0x1d: {  	s5 =	simm.s32 @p1 $0x1;
	p0 =	seq.s32 s7, s2  }
0x1e: {  	s7 =	smul.u32 @!p0 $0xF7A, s2;
	p2 =	seq.s32 @!p0 s5, $0x0  }
0x1f: {  	s9 =	smul.u32 $0xF7A, s1;
	s8 =	simm.s32 @!p0 $0x1BF5;
	p2 =	por !p2, p0  }
0x20: {  	[sflag:s8] =	ssyncset.s32 @!p0 $0xFFFFF086;
	s6 =	sadd.s32 @!p0 s3, s7;
	s7 =	simm.s32 @!p0 $0x108  }
0x21: {  	s3 =	sadd.s32 s3, s9;
	s6 =	sadd.s32 @!p0 $0x88, s6;
	s7 =	simm.s32 @p2 $0x1082  }
0x22: {  	[simem:s7], [sflag:s8] =	dma.local @!p0 [hbm:s6], $0xF7A  }
0x23: {  	s9 =	sor.u32 $0xD0000000, s2;
	s6 =	simm.s32 $0x108;
	_ =	swait.ge @!p0 [sflag:s8], $0x0  }
0x24: {  	s3 =	sadd.s32 $0x88, s3;
	s6 =	simm.s32 @!p1 $0x1082;
	[sflag:s4] =	ssyncset.s32 $0xFFFFF086  }
0x25: {  	[simem:s6], [sflag:s4] =	dma.local [hbm:s3], $0xF7A  }
0x26: {  	[smem:$0x3F95] =	sst s1;
	(tag) =	ssettag s2;
	_ =	strace s9  }
0x27: {  	s1 =	sld [smem:$0x3FA5]  }
0x28: {  	s2 =	sld [smem:$0x3FA6]  }
0x29: {  	s4 =	sld [smem:$0x3FA8]  }
0x2a: {  	p0 =	seq.s32 s5, $0x0;
	s5 =	sld [smem:$0x3FA9]  }
0x2b: {  	s6 =	sld [smem:$0x3FAA]  }
0x2c: {  	s7 =	sld [smem:$0x3FAB]  }
0x2d: {  	s3 =	simm.s32 $0x108;
	s8 =	sld [smem:$0x3FAC]  }
0x2e: {  	s3 =	simm.s32 @!p0 $0x1082;
	s9 =	sld [smem:$0x3FAD]  }
0x2f: {  	lr =	sadd.s32 s0, s3;
	s0 =	sld [smem:$0x3FA4]  }
0x30: {  	s3 =	sld [smem:$0x3FA7]  }
0x31: {  	[smem:$0x3FB0] =	sst s10  }
0x32: {  	s10 =	sld [smem:$0x3FAE];
	_ =	sdelay $0x3  }
0x33: {  	p0 =	seq.s32 s10, $0x1;
	s10 =	sld [smem:$0x3FB0];
	_ =	sdelay $0x3  }
0x34: {  	[smem:$0x3FB0] =	sst s10  }
0x35: {  	s10 =	sld [smem:$0x3FAF];
	_ =	sdelay $0x3  }
0x36: {  	p1 =	seq.s32 s10, $0x1;
	s10 =	sld [smem:$0x3FB0];
	_ =	sdelay $0x3  }
0x37: {  	[smem:$0x3FB0] =	sst s10  }
0x38: {  	s10 =	sld [smem:$0x3FB1]  }
0x39: {  	_ = 	snop;
	(pc) =	sbr.ind lr, $3  }
0x3a: {  	_ = 	snop  }
0x3b: {  	_ = 	snop  }
0x3c: {  	p2 =	seq.s32 s10, $0x1;
	s10 =	sld [smem:$0x3FB0]  }
0x3d: {  	_ =	shalt  }
0x3e: {  	_ =	shalt  }
0x3f: {  	_ =	shalt  }
0x40: {  	_ =	shalt  }
0x41: {  	_ =	shalt  }
0x42: {  	_ =	shalt  }
0x43: {  	_ =	shalt  }
0x44: {  	_ =	shalt  }
0x45: {  	_ =	shalt  }
0x46: {  	_ =	shalt  }
0x47: {  	_ =	shalt  }
0x48: {  	_ =	shalt  }
0x49: {  	_ =	shalt  }
0x4a: {  	_ =	shalt  }
0x4b: {  	_ =	shalt  }
0x4c: {  	_ =	shalt  }
0x4d: {  	_ =	shalt  }
0x4e: {  	_ =	shalt  }
0x4f: {  	_ =	shalt  }
0x50: {  	_ =	shalt  }
0x51: {  	_ =	shalt  }
0x52: {  	_ =	shalt  }
0x53: {  	_ =	shalt  }
0x54: {  	_ =	shalt  }
0x55: {  	_ =	shalt  }
0x56: {  	_ =	shalt  }
0x57: {  	_ =	shalt  }
0x58: {  	_ =	shalt  }
0x59: {  	_ =	shalt  }
0x5a: {  	_ =	shalt  }
0x5b: {  	_ =	shalt  }
0x5c: {  	_ =	shalt  }
0x5d: {  	_ =	shalt  }
0x5e: {  	_ =	shalt  }
0x5f: {  	_ =	shalt  }
0x60: {  	_ =	shalt  }
0x61: {  	_ =	shalt  }
0x62: {  	_ =	shalt  }
0x63: {  	_ =	shalt  }
0x64: {  	_ =	shalt  }
0x65: {  	_ =	shalt  }
0x66: {  	_ =	shalt  }
0x67: {  	_ =	shalt  }
0x68: {  	_ =	shalt  }
0x69: {  	_ =	shalt  }
0x6a: {  	_ =	shalt  }
0x6b: {  	_ =	shalt  }
0x6c: {  	_ =	shalt  }
0x6d: {  	_ =	shalt  }
0x6e: {  	_ =	shalt  }
0x6f: {  	_ =	shalt  }
0x70: {  	_ =	shalt  }
0x71: {  	_ =	shalt  }
0x72: {  	_ =	shalt  }
0x73: {  	_ =	shalt  }
0x74: {  	_ =	shalt  }
0x75: {  	_ =	shalt  }
0x76: {  	_ =	shalt  }
0x77: {  	_ =	shalt  }
0x78: {  	_ =	shalt  }
0x79: {  	_ =	shalt  }
0x7a: {  	_ =	shalt  }
0x7b: {  	_ =	shalt  }
0x7c: {  	_ =	shalt  }
0x7d: {  	_ =	shalt  }
0x7e: {  	_ =	shalt  }
0x7f: {  	_ =	shalt  }
0x80: {  	_ =	shalt  }
0x81: {  	_ =	shalt  }
0x82: {  	_ =	shalt  }
0x83: {  	_ =	shalt  }
0x84: {  	_ =	shalt  }
0x85: {  	_ =	shalt  }
0x86: {  	_ =	shalt  }
0x87: {  	_ =	shalt  }
.Lfunc_end0:
.L_simem_size_0:
called_computation.1_lowered:
.L_overlay_start_0:
0x88: {  	s2 =	sld [smem:$0x3FD9]  }
0x89: {  	s3 =	sld [smem:$0x3FFE];
	_ =	sdelay $0x1  }
0x8a: {  	s1 =	srdreg.scid  }
0x8b: {  	s0 =	sand.u32 $0x1, s1  }
0x8c: {  	s16 =	sshll.u32 s0, $0xA;
	s2 =	sadd.s32 s3, s2  }
0x8d: {  	s2 =	sadd.s32 s2, s16  }
0x8e: {  	[smem:$0x3FBC] =	sst s2  }
0x8f: {  	_ = 	snop  }
0x90: {  	(tm) =	ssettm $0x1  }
0x91: {  	s17 =	sld [smem:$0x3FFB];
	_ =	sdelay $0x3  }
0x92: {  	_ =	strace s17  }
0x93: {  	s2 =	sld [smem:$0x3FFC];
	_ =	sdelay $0x3  }
0x94: {  	_ =	strace s2  }
0x95: {  	s2 =	sld [smem:$0x3FFD];
	_ =	sdelay $0x3  }
0x96: {  	_ =	strace s2  }
0x97: {  	_ =	strace $0x8FFFFFFF  }
0x98: {  	s18 =	sld [smem:$0x3FDB];
	_ =	sdelay $0x1  }
0x99: {  	s19 =	simm.s32 $_scs_section_size  }
0x9a: {  	s4 =	simm.s32 $_size__tile_overlayer_lowered;
	s5 =	simm.s32 $_tile_overlayer_lowered  }
0x9b: {  	s22 =	simm.s32 $0x1BFF;
	s21 =	sshll.u32 s5, $0x1;
	s2 =	sadd.s32 s19, s18  }
0x9c: {  	s6 =	simm.s32 $0x0;
	s20 =	sshll.u32 s4, $0x1;
	s4 =	sadd.s32 s21, s2  }
0x9d: {  	[timem:s6], [sflag:s22] =	dma.local [hbm:s4], s20  }
0x9e: {  	_ =	swait.ge [sflag:s22], s20  }
0x9f: {  	s3 =	ssub.s32 $0x0, s20;
	[sflag:s22] =	ssyncset.done $0x0  }
0xa0: {  	[sflag:s22] =	ssyncadd.s32 s3;
	_ =	sdelay $0x1  }
0xa1: {  	s23 =	simm.s32 $0x1B8B  }
0xa2: {  	_ =	swait.ge [sflag:s23], $0x1  }
0xa3: {  	[sflag:s23] =	ssyncset.done $0x0  }
0xa4: {  	s25 =	simm.s32 $0x1B8E;
	s24 =	sld [smem:$0x3FFE];
	[sflag:s23] =	ssyncadd.s32 $0xFFFFFFFF  }
0xa5: {  	s26 =	simm.s32 $execute0_lowered;
	[smem:$0x3FD2] =	sst s25  }
0xa6: {  	s4 =	sshll.u32 s26, $0x1;
	_ =	strace $0x80000049;
	[dreg:$0x1] =	wrdreg $0xFFFFFFFF  }
0xa7: {  	s28 =	simm.s32 $_size_execute0_lowered;
	s2 =	sadd.s32 s2, s4;
	[dreg:$0x0] =	wrdreg $0x0  }
0xa8: {  	s4 =	sshll.u32 s28, $0x1;
	[dreg:$0x2] =	wrdreg s2  }
0xa9: {  	[dreg:$0x3] =	wrdreg s4  }
0xaa: {  	[dreg:$0x4] =	wrdreg $0xC0  }
0xab: {  	_ =	task [dreg:s6], $0x5FFFF  }
0xac: {  	[dreg:$0x1] =	wrdreg $0xFFFFFFFF  }
0xad: {  	[dreg:$0x0] =	wrdreg $0x60  }
0xae: {  	[dreg:$0x2] =	wrdreg s24  }
0xaf: {  	[dreg:$0x3] =	wrdreg $0x59600  }
0xb0: {  	[dreg:$0x4] =	wrdreg $0x9  }
0xb1: {  	_ =	task.clear_ibuf [dreg:s6], $0x5FFFF;
	_ =	strace $0x90000049  }
0xb2: {  	s29 =	simm.s32 $0x9;
	_ =	strace $0x8000004B  }
0xb3: {  	_ =	swait.ge [sflag:s29], $0x1  }
0xb4: {  	[sflag:s29] =	ssyncadd.s32 $0xFFFFFFFF  }
0xb5: {  	_ =	strace $0x9000004B  }
0xb6: {  	_ =	sfence  }
0xb7: {  	s30 =	sld [smem:$0x0];
	_ =	sdelay $0x2  }
0xb8: {  	s31 =	sshll.u32 s1, $0xD;
	s1 =	sshrl.u32 s1, $0x2  }
0xb9: {  	s3 =	sand.u32 $0x4000, s31;
	s1 =	sadd.s32 s1, s30  }
0xba: {  	s0 =	sor.u32 s3, s0;
	s1 =	sshll.u32 s1, $0x11  }
0xbb: {  	s0 =	sor.u32 s1, s0  }
0xbc: {  	s0 =	sadd.s32 $0x8F2B, s0  }
0xbd: {  	[sflag:s0] =	ssyncadd.remote.s32 $0x1  }
0xbe: {  	_ =	sfence.sel $0xFFFF  }
0xbf: {  	[dreg:$0x0] =	wrdreg $0xFFFFFFFF;
	(pc) =	sbr.abs _section_cstart, $3  }
0xc0: {  	[dreg:$0x1] =	wrdreg $0xFFFFFFFF  }
0xc1: {  	_ =	task.clear_ibuf [dreg:s6], $0x2FFFF;
	_ =	strace $0x9FFFFFFF  }
0xc2: {  	(tm) =	ssettm $0x7FFFFFFF  }
0xc3: {  	_ =	shalt  }
tec
execute0_lowered:
.L_overlay_start_1:
0x0: {  	(tag) =	ssettag $0x1  }
0x1: {  	s0 =	rddreg [dreg:$0x0]  }
0x2: {  	s1 =	rddreg [dreg:$0x1]  }
0x3: {  	s2 =	srdreg.scid;
	s17 =	stileid.u32  }
0x4: {  	s2 =	sand.u32 $0x1, s2;
	s3 =	sadd.s32 $0x52200, s0;
	s7 =	smul.u32 $0x14000, s17  }
0x5: {  	s6 =	sshll.u32 s17, $0x1;
	s21 =	smul.u32 $0x9E20, s17;
	s4 =	ssub.s32 $0x2, s2  }
0x6: {  	s22 =	smul.u32 $0x140000, s2;
	s5 =	sshrl.u32 s4, $0x1;
	s8 =	sadd.s32 $0x5000, s7  }
0x7: {  	s9 =	sadd.s32 $0xA000, s7;
	s10 =	sor.u32 $0x2800, s7;
	s15 =	sadd.s32 $0xF000, s7  }
0x8: {  	s16 =	sadd.s32 $0x7800, s7;
	s18 =	sadd.s32 $0xC800, s7;
	s4 =	ssub.s32 s4, s5  }
0x9: {  	s5 =	sor.u32 s2, s6;
	s11 =	sadd.s32 s22, s7;
	s12 =	sadd.s32 s22, s10  }
0xa: {  	s13 =	sadd.s32 s22, s8;
	s25 =	sadd.s32 s22, s16;
	s26 =	sadd.s32 s22, s9  }
0xb: {  	s29 =	sadd.s32 s22, s18;
	s20 =	sadd.s32 s22, s15;
	s11 =	sshrl.u32 s11, $0x3  }
0xc: {  	s12 =	sshrl.u32 s12, $0x3;
	s24 =	sshrl.u32 s13, $0x3;
	s13 =	sshrl.u32 s29, $0x3  }
0xd: {  	s11 =	sadd.s32 s3, s11;
	s23 =	sadd.s32 s3, s12;
	s12 =	sshrl.u32 s26, $0x3  }
0xe: {  	s19 =	sadd.s32 s3, s13;
	s26 =	smul.u32 $0x9E2, s5;
	[dreg:$0x3] =	wrdreg s11  }
0xf: {  	[dreg:$0x4] =	wrdreg s23;
	s11 =	sadd.s32 s3, s24;
	s23 =	smul.u32 $0xE6, s17  }
0x10: {  	[dreg:$0x8] =	wrdreg s19;
	s19 =	sadd.s32 $0x11800, s7;
	s24 =	smul.u32 $0x4F10, s5  }
0x11: {  	s13 =	sadd.s32 $0x17200, s0;
	s6 =	sadd.s32 s22, s19;
	s22 =	smul.u32 $0x4F10, s2  }
0x12: {  	s14 =	sadd.s32 s3, s12;
	[dreg:$0x5] =	wrdreg s11;
	s2 =	smul.u32 $0x73, s2  }
0x13: {  	s11 =	sshrl.u32 s25, $0x3;
	[dreg:$0x7] =	wrdreg s14;
	s25 =	smul.u32 $0x73, s5  }
0x14: {  	s14 =	sadd.s32 $0x2B000, s0;
	s28 =	sadd.s32 s19, s1;
	s5 =	simm.s32 $0x58  }
0x15: {  	s11 =	sadd.s32 s3, s11;
	s6 =	sshrl.u32 s6, $0x3;
	s29 =	sshrl.u32 s24, $0x3  }
0x16: {  	[dreg:$0x6] =	wrdreg s11;
	s11 =	sshrl.u32 s20, $0x3;
	s12 =	sadd.s32 s2, s23  }
0x17: {  	s20 =	sadd.s32 s13, s29;
	s23 =	smax.u32 s4, $0x1;
	s29 =	sadd.s32 s18, s1  }
0x18: {  	s4 =	simm.s32 $0x5;
	s18 =	simm.s32 $0x0;
	s11 =	sadd.s32 s3, s11  }
0x19: {  	s3 =	sadd.s32 s3, s6;
	s6 =	sadd.s32 s22, s21;
	[dreg:$0x9] =	wrdreg s11  }
0x1a: {  	s21 =	smul.u32 $0x50000, s17;
	[dreg:$0xa] =	wrdreg s3;
	s11 =	simm.s32 $0x0  }
0x1b: {  	s0 =	sadd.s32 $0x16, s20;
	s3 =	sadd.s32 s13, s26;
	[smem:$0x7FF] =	sst s11  }
0x1c: {  	s17 =	sadd.s32 $0x72, s25;
	_ =	strace $0x8000004A;
	[dreg:$0xb] =	wrdreg s3  }
0x1d: {  	s22 =	sadd.s32 s7, s1;
	s25 =	sadd.s32 s10, s1;
	[dreg:$0xc] =	wrdreg s0  }
0x1e: {  	s7 =	simm.s32 $0x4;
	s10 =	simm.s32 $0x3;
	[dreg:$0xd] =	wrdreg s22  }
0x1f: {  	s26 =	sadd.s32 s16, s1;
	s16 =	simm.s32 $0x108;
	[dreg:$0xe] =	wrdreg s23  }
0x20: {  	s24 =	sshrl.u32 s21, $0x2;
	s21 =	sadd.s32 s8, s1;
	[dreg:$0xf] =	wrdreg s25  }
0x21: {  	s8 =	simm.s32 $0x2D60;
	s20 =	sadd.s32 s24, s1;
	[dreg:$0x10] =	wrdreg s26  }
0x22: {  	s22 =	sadd.s32 s9, s1;
	s23 =	sadd.s32 s15, s1;
	[dreg:$0x11] =	wrdreg s29  }
0x23: {  	s24 =	sadd.s32 $0x160, s6;
	s3 =	simm.s32 $0x160;
	s6 =	simm.s32 $0xB0  }
0x24: {  	s9 =	simm.s32 $0x1;
	s15 =	simm.s32 $0x2;
	s30 =	sadd.s32 $0x2800, s20  }
0x25: {  	v0 =	vimm.f32 $0.0e+00;
	s31 =	sadd.s32 $0x7800, s20;
	s0 =	sadd.s32 $0xC800, s20;
	s2 =	sadd.s32 $0x11800, s20  }
.LBB2_1:
0x26: {  	s19 =	simm.s32 $0x0;
	s29 =	simm.s32 $0x200  }
.LBB2_2:
0x27: {  	p0 =	sne.s32 s29, $0x9E00;
	[tilespmem:s19+$0x1D0] =	vst v0  }
0x28: {  	[tilespmem:s19+$0x160] =	vst v0  }
0x29: {  	[tilespmem:s19+$0x170] =	vst v0  }
.Ltmp0:
0x2a: {  	[tilespmem:s19+$0x180] =	vst v0;
	(pc) =	sbr.rel @p0 .LBB2_2-.Ltmp0, $4  }
0x2b: {  	[tilespmem:s19+$0x190] =	vst v0  }
0x2c: {  	[tilespmem:s19+$0x1A0] =	vst v0  }
0x2d: {  	[tilespmem:s19+$0x1B0] =	vst v0  }
0x2e: {  	[tilespmem:s19+$0x1C0] =	vst v0;
	s19 =	sshra.s32 s29, $0x2;
	s29 =	sadd.s32 $0x200, s29  }
0x2f: {  	[tilespmem:s19+$0x1D0] =	vst v0  }
0x30: {  	[tilespmem:s19+$0x160] =	vst v0  }
0x31: {  	[tilespmem:s19+$0x170] =	vst v0  }
0x32: {  	[tilespmem:s19+$0x180] =	vst v0  }
0x33: {  	[tilespmem:s19+$0x190] =	vst v0  }
0x34: {  	[tilespmem:s19+$0x1A0] =	vst v0  }
0x35: {  	[tilespmem:s19+$0x1B0] =	vst v0  }
0x36: {  	[tilespmem:s19+$0x1C0] =	vst v0  }
0x37: {  	[spmem:s20] =	stream.linear.scatter [tilespmem:s3], [sflag:$0x5], $0x2800, $0x38;
	[tilespmem:$0x19960] =	vst v63  }
0x38: {  	_ =	swait.ge [sflag:s4], $0x2800  }
0x39: {  	[sflag:s4] =	ssyncset.done $0x0  }
0x3a: {  	[sflag:s4] =	ssyncadd.s32 $0xFFFFD800  }
0x3b: {  	[spmem:s30] =	stream.linear.scatter [tilespmem:s3], [sflag:$0x5], $0x2800, $0x38;
	[tilespmem:$0x19960] =	vst v63  }
0x3c: {  	_ =	swait.ge [sflag:s4], $0x2800  }
0x3d: {  	[sflag:s4] =	ssyncset.done $0x0  }
0x3e: {  	[sflag:s4] =	ssyncadd.s32 $0xFFFFD800  }
0x3f: {  	[spmem:s21] =	stream.linear.scatter [tilespmem:s3], [sflag:$0x5], $0x2800, $0x38;
	[tilespmem:$0x19960] =	vst v63  }
0x40: {  	_ =	swait.ge [sflag:s4], $0x2800  }
0x41: {  	[sflag:s4] =	ssyncset.done $0x0  }
0x42: {  	[sflag:s4] =	ssyncadd.s32 $0xFFFFD800  }
0x43: {  	[spmem:s31] =	stream.linear.scatter [tilespmem:s3], [sflag:$0x5], $0x2800, $0x38;
	[tilespmem:$0x19960] =	vst v63  }
0x44: {  	_ =	swait.ge [sflag:s4], $0x2800  }
0x45: {  	[sflag:s4] =	ssyncset.done $0x0  }
0x46: {  	[sflag:s4] =	ssyncadd.s32 $0xFFFFD800  }
0x47: {  	[spmem:s22] =	stream.linear.scatter [tilespmem:s3], [sflag:$0x5], $0x2800, $0x38;
	[tilespmem:$0x19960] =	vst v63  }
0x48: {  	_ =	swait.ge [sflag:s4], $0x2800  }
0x49: {  	[sflag:s4] =	ssyncset.done $0x0  }
0x4a: {  	[sflag:s4] =	ssyncadd.s32 $0xFFFFD800  }
0x4b: {  	[spmem:s0] =	stream.linear.scatter [tilespmem:s3], [sflag:$0x5], $0x2800, $0x38;
	[tilespmem:$0x19960] =	vst v63  }
0x4c: {  	_ =	swait.ge [sflag:s4], $0x2800  }
0x4d: {  	[sflag:s4] =	ssyncset.done $0x0  }
0x4e: {  	[sflag:s4] =	ssyncadd.s32 $0xFFFFD800  }
0x4f: {  	[spmem:s23] =	stream.linear.scatter [tilespmem:s3], [sflag:$0x5], $0x2800, $0x38;
	[tilespmem:$0x19960] =	vst v63  }
0x50: {  	_ =	swait.ge [sflag:s4], $0x2800  }
0x51: {  	[sflag:s4] =	ssyncset.done $0x0  }
0x52: {  	[sflag:s4] =	ssyncadd.s32 $0xFFFFD800  }
0x53: {  	[spmem:s2] =	stream.linear.scatter [tilespmem:s3], [sflag:$0x5], $0x2800, $0x38;
	[tilespmem:$0x19960] =	vst v63  }
0x54: {  	_ =	swait.ge [sflag:s4], $0x2800  }
0x55: {  	[sflag:s4] =	ssyncset.done $0x0  }
0x56: {  	[sflag:s4] =	ssyncadd.s32 $0xFFFFD800  }
0x57: {  	[bflag:$0x0] =	sbarrier.arrive $0xFFFF  }
0x58: {  	s26 =	rddreg [dreg:$0xb]  }
0x59: {  	[tilespmem:s11], [sflag:$0x5] =	stream.linear.gather [hbm4b:s26+s11], $0xB0, $0x38;
	[tilespmem:$0x19960] =	vst v63  }
0x5a: {  	_ =	swait.ge [sflag:s4], $0xB0  }
0x5b: {  	[sflag:s4] =	ssyncset.done $0x0  }
0x5c: {  	[sflag:s4] =	ssyncadd.s32 $0xFFFFFF50  }
0x5d: {  	[tilespmem:s3], [sflag:$0x1] =	stream.indirect.gather [hbm4b:s14+s5], $0x80, s11, s5, $0xb8;
	[tilespmem:$0x19960] =	vst v63  }
0x5e: {  	s25 =	rddreg [dreg:$0xc]  }
0x5f: {  	[tilespmem:s6], [sflag:$0x4] =	stream.linear.gather [hbm4b:s25+s11], $0xB0, $0x38;
	[tilespmem:$0x19960] =	vst v63  }
0x60: {  	_ =	swait.ge [sflag:s7], $0xB0  }
0x61: {  	[sflag:s7] =	ssyncset.done $0x0  }
0x62: {  	[sflag:s7] =	ssyncadd.s32 $0xFFFFFF50  }
0x63: {  	[tilespmem:s8], [sflag:$0x2] =	stream.indirect.gather [hbm4b:s14+s5], $0x80, s6, s5, $0xb8;
	[tilespmem:$0x19960] =	vst v63  }
0x64: {  	_ =	swait.ge [sflag:s9], $0x2C00  }
0x65: {  	[sflag:s9] =	ssyncset.done $0x0  }
0x66: {  	[sflag:s9] =	ssyncadd.s32 $0xFFFFD400  }
0x67: {  	[spmem:s1] =	stream.indirect.scatter.add.f32 [tilespmem:s3], [sflag:$0x5], $0x80, s5, s5, $0xb8;
	[tilespmem:$0x19960] =	vst v63  }
0x68: {  	_ =	swait.ge [sflag:s4], $0x2C00  }
0x69: {  	s26 =	sshrl.u32 s24, $0x3;
	[sflag:s4] =	ssyncset.done $0x0  }
0x6a: {  	s19 =	sadd.s32 s13, s26;
	[sflag:s4] =	ssyncadd.s32 $0xFFFFD400  }
0x6b: {  	[tilespmem:s11], [sflag:$0x3] =	stream.linear.gather [hbm4b:s19+s11], $0xB0, $0x38;
	[tilespmem:$0x19960] =	vst v63  }
0x6c: {  	_ =	swait.ge [sflag:s10], $0xB0  }
0x6d: {  	[sflag:s10] =	ssyncset.done $0x0  }
0x6e: {  	s19 =	sadd.s32 $0x3, s12;
	[sflag:s10] =	ssyncadd.s32 $0xFFFFFF50  }
0x6f: {  	[tilespmem:s3], [sflag:$0x1] =	stream.indirect.gather [hbm4b:s14+s5], $0x80, s11, s5, $0xb8;
	[tilespmem:$0x19960] =	vst v63  }
0x70: {  	s25 =	smov.u32 s17;
	p0 =	slt.s32 s19, s17;
	_ =	swait.ge [sflag:s15], $0x2C00  }
0x71: {  	s25 =	smov.u32 @p0 s19;
	[sflag:s15] =	ssyncset.done $0x0  }
0x72: {  	s29 =	smov.u32 s24;
	s25 =	smul.u32 $0x16, s25;
	[sflag:s15] =	ssyncadd.s32 $0xFFFFD400  }
0x73: {  	[spmem:s1] =	stream.indirect.scatter.add.f32 [tilespmem:s8], [sflag:$0x5], $0x80, s16, s5, $0xb8;
	[tilespmem:$0x19960] =	vst v63  }
0x74: {  	s19 =	simm.s32 $0x5;
	s25 =	sadd.s32 s13, s25;
	_ =	swait.ge [sflag:s4], $0x2C00  }
.LBB2_4:
0x75: {  	p0 =	sne.s32 s19, $0x73;
	[sflag:s4] =	ssyncset.done $0x0;
	s29 =	sadd.s32 $0x160, s29  }
0x76: {  	s26 =	smov.u32 s19;
	s19 =	sadd.s32 $0x2, s19;
	[sflag:s4] =	ssyncadd.s32 $0xFFFFD400  }
0x77: {  	[tilespmem:s6], [sflag:$0x4] =	stream.linear.gather [hbm4b:s25+s11], $0xB0, $0x38;
	[tilespmem:$0x19960] =	vst v63  }
0x78: {  	_ =	swait.ge [sflag:s7], $0xB0  }
0x79: {  	[sflag:s7] =	ssyncset.done $0x0  }
0x7a: {  	[sflag:s7] =	ssyncadd.s32 $0xFFFFFF50  }
0x7b: {  	[tilespmem:s8], [sflag:$0x2] =	stream.indirect.gather [hbm4b:s14+s5], $0x80, s6, s5, $0xb8;
	[tilespmem:$0x19960] =	vst v63  }
0x7c: {  	_ =	swait.ge [sflag:s9], $0x2C00  }
0x7d: {  	[sflag:s9] =	ssyncset.done $0x0  }
0x7e: {  	s25 =	sshrl.u32 s29, $0x3;
	[sflag:s9] =	ssyncadd.s32 $0xFFFFD400  }
0x7f: {  	[spmem:s1] =	stream.indirect.scatter.add.f32 [tilespmem:s3], [sflag:$0x5], $0x80, s5, s5, $0xb8;
	[tilespmem:$0x19960] =	vst v63  }
0x80: {  	s25 =	sadd.s32 s13, s25;
	_ =	swait.ge [sflag:s4], $0x2C00  }
0x81: {  	[sflag:s4] =	ssyncset.done $0x0  }
0x82: {  	[sflag:s4] =	ssyncadd.s32 $0xFFFFD400  }
0x83: {  	[tilespmem:s11], [sflag:$0x3] =	stream.linear.gather [hbm4b:s25+s11], $0xB0, $0x38;
	[tilespmem:$0x19960] =	vst v63  }
0x84: {  	_ =	swait.ge [sflag:s10], $0xB0  }
0x85: {  	[sflag:s10] =	ssyncset.done $0x0  }
0x86: {  	s25 =	sadd.s32 s26, s12;
	s26 =	smov.u32 s17;
	[sflag:s10] =	ssyncadd.s32 $0xFFFFFF50  }
0x87: {  	[tilespmem:s3], [sflag:$0x1] =	stream.indirect.gather [hbm4b:s14+s5], $0x80, s11, s5, $0xb8;
	[tilespmem:$0x19960] =	vst v63  }
.Ltmp1:
0x88: {  	p1 =	slt.s32 s25, s17;
	_ =	swait.ge [sflag:s15], $0x2C00;
	(pc) =	sbr.rel @p0 .LBB2_4-.Ltmp1, $4  }
0x89: {  	s26 =	smov.u32 @p1 s25;
	[sflag:s15] =	ssyncset.done $0x0  }
0x8a: {  	s25 =	smul.u32 $0x16, s26;
	[sflag:s15] =	ssyncadd.s32 $0xFFFFD400  }
0x8b: {  	[spmem:s1] =	stream.indirect.scatter.add.f32 [tilespmem:s8], [sflag:$0x5], $0x80, s16, s5, $0xb8;
	[tilespmem:$0x19960] =	vst v63  }
0x8c: {  	s25 =	sadd.s32 s13, s25;
	_ =	swait.ge [sflag:s4], $0x2C00  }
0x8d: {  	[sflag:s4] =	ssyncset.done $0x0  }
0x8e: {  	[sflag:s4] =	ssyncadd.s32 $0xFFFFD400  }
0x8f: {  	[tilespmem:s6], [sflag:$0x4] =	stream.linear.gather [hbm4b:s25+s11], $0xB0, $0x38;
	[tilespmem:$0x19960] =	vst v63  }
0x90: {  	_ =	swait.ge [sflag:s9], $0x2C00  }
0x91: {  	[sflag:s9] =	ssyncset.done $0x0  }
0x92: {  	[sflag:s9] =	ssyncadd.s32 $0xFFFFD400  }
0x93: {  	[spmem:s1] =	stream.indirect.scatter.add.f32 [tilespmem:s3], [sflag:$0x5], $0x80, s5, s5, $0xb8;
	[tilespmem:$0x19960] =	vst v63  }
0x94: {  	_ =	swait.ge [sflag:s4], $0x2C00  }
0x95: {  	[sflag:s4] =	ssyncset.done $0x0  }
0x96: {  	[sflag:s4] =	ssyncadd.s32 $0xFFFFD400  }
0x97: {  	_ =	swait.ge [sflag:s7], $0xB0  }
0x98: {  	[sflag:s7] =	ssyncset.done $0x0  }
0x99: {  	[sflag:s7] =	ssyncadd.s32 $0xFFFFFF50  }
0x9a: {  	[bflag:$0x0] =	sbarrier.arrive $0xFFFF  }
0x9b: {  	s19 =	rddreg [dreg:$0xd]  }
0x9c: {  	[tilespmem:s3], [sflag:$0x5] =	stream.linear.gather [spmem:s19], $0x2800, $0x38;
	[tilespmem:$0x19960] =	vst v63  }
0x9d: {  	_ =	swait.ge [sflag:s4], $0x2800  }
0x9e: {  	[sflag:s4] =	ssyncset.done $0x0  }
0x9f: {  	s25 =	rddreg [dreg:$0x3];
	[sflag:s4] =	ssyncadd.s32 $0xFFFFD800  }
0xa0: {  	[hbm4b:s25+s11] =	stream.linear.scatter [tilespmem:s3], [sflag:$0x1], $0x2800, $0x38;
	[tilespmem:$0x19960] =	vst v63  }
0xa1: {  	s26 =	rddreg [dreg:$0xf]  }
0xa2: {  	[tilespmem:s8], [sflag:$0x5] =	stream.linear.gather [spmem:s26], $0x2800, $0x38;
	[tilespmem:$0x19960] =	vst v63  }
0xa3: {  	_ =	swait.ge [sflag:s4], $0x2800  }
0xa4: {  	[sflag:s4] =	ssyncset.done $0x0  }
0xa5: {  	s29 =	rddreg [dreg:$0x4];
	[sflag:s4] =	ssyncadd.s32 $0xFFFFD800  }
0xa6: {  	[hbm4b:s29+s11] =	stream.linear.scatter [tilespmem:s8], [sflag:$0x2], $0x2800, $0x38;
	[tilespmem:$0x19960] =	vst v63  }
0xa7: {  	_ =	swait.ge [sflag:s9], $0x2800  }
0xa8: {  	[sflag:s9] =	ssyncset.done $0x0  }
0xa9: {  	[sflag:s9] =	ssyncadd.s32 $0xFFFFD800  }
0xaa: {  	_ =	swait.ge [sflag:s15], $0x2800  }
0xab: {  	[sflag:s15] =	ssyncset.done $0x0  }
0xac: {  	[sflag:s15] =	ssyncadd.s32 $0xFFFFD800  }
0xad: {  	[tilespmem:s3], [sflag:$0x5] =	stream.linear.gather [spmem:s21], $0x2800, $0x38;
	[tilespmem:$0x19960] =	vst v63  }
0xae: {  	_ =	swait.ge [sflag:s4], $0x2800  }
0xaf: {  	[sflag:s4] =	ssyncset.done $0x0  }
0xb0: {  	s25 =	rddreg [dreg:$0x5];
	[sflag:s4] =	ssyncadd.s32 $0xFFFFD800  }
0xb1: {  	[hbm4b:s25+s11] =	stream.linear.scatter [tilespmem:s3], [sflag:$0x1], $0x2800, $0x38;
	[tilespmem:$0x19960] =	vst v63  }
0xb2: {  	s26 =	rddreg [dreg:$0x10]  }
0xb3: {  	[tilespmem:s8], [sflag:$0x5] =	stream.linear.gather [spmem:s26], $0x2800, $0x38;
	[tilespmem:$0x19960] =	vst v63  }
0xb4: {  	_ =	swait.ge [sflag:s4], $0x2800  }
0xb5: {  	[sflag:s4] =	ssyncset.done $0x0  }
0xb6: {  	s29 =	rddreg [dreg:$0x6];
	[sflag:s4] =	ssyncadd.s32 $0xFFFFD800  }
0xb7: {  	[hbm4b:s29+s11] =	stream.linear.scatter [tilespmem:s8], [sflag:$0x2], $0x2800, $0x38;
	[tilespmem:$0x19960] =	vst v63  }
0xb8: {  	_ =	swait.ge [sflag:s9], $0x2800  }
0xb9: {  	[sflag:s9] =	ssyncset.done $0x0  }
0xba: {  	[sflag:s9] =	ssyncadd.s32 $0xFFFFD800  }
0xbb: {  	_ =	swait.ge [sflag:s15], $0x2800  }
0xbc: {  	[sflag:s15] =	ssyncset.done $0x0  }
0xbd: {  	[sflag:s15] =	ssyncadd.s32 $0xFFFFD800  }
0xbe: {  	[tilespmem:s3], [sflag:$0x5] =	stream.linear.gather [spmem:s22], $0x2800, $0x38;
	[tilespmem:$0x19960] =	vst v63  }
0xbf: {  	_ =	swait.ge [sflag:s4], $0x2800  }
0xc0: {  	[sflag:s4] =	ssyncset.done $0x0  }
0xc1: {  	s25 =	rddreg [dreg:$0x7];
	[sflag:s4] =	ssyncadd.s32 $0xFFFFD800  }
0xc2: {  	[hbm4b:s25+s11] =	stream.linear.scatter [tilespmem:s3], [sflag:$0x1], $0x2800, $0x38;
	[tilespmem:$0x19960] =	vst v63  }
0xc3: {  	s26 =	rddreg [dreg:$0x11]  }
0xc4: {  	[tilespmem:s8], [sflag:$0x5] =	stream.linear.gather [spmem:s26], $0x2800, $0x38;
	[tilespmem:$0x19960] =	vst v63  }
0xc5: {  	_ =	swait.ge [sflag:s4], $0x2800  }
0xc6: {  	[sflag:s4] =	ssyncset.done $0x0  }
0xc7: {  	s29 =	rddreg [dreg:$0x8];
	[sflag:s4] =	ssyncadd.s32 $0xFFFFD800  }
0xc8: {  	[hbm4b:s29+s11] =	stream.linear.scatter [tilespmem:s8], [sflag:$0x2], $0x2800, $0x38;
	[tilespmem:$0x19960] =	vst v63  }
0xc9: {  	_ =	swait.ge [sflag:s9], $0x2800  }
0xca: {  	[sflag:s9] =	ssyncset.done $0x0  }
0xcb: {  	[sflag:s9] =	ssyncadd.s32 $0xFFFFD800  }
0xcc: {  	_ =	swait.ge [sflag:s15], $0x2800  }
0xcd: {  	[sflag:s15] =	ssyncset.done $0x0  }
0xce: {  	[sflag:s15] =	ssyncadd.s32 $0xFFFFD800  }
0xcf: {  	[tilespmem:s3], [sflag:$0x5] =	stream.linear.gather [spmem:s23], $0x2800, $0x38;
	[tilespmem:$0x19960] =	vst v63  }
0xd0: {  	_ =	swait.ge [sflag:s4], $0x2800  }
0xd1: {  	[sflag:s4] =	ssyncset.done $0x0  }
0xd2: {  	s25 =	rddreg [dreg:$0x9];
	[sflag:s4] =	ssyncadd.s32 $0xFFFFD800  }
0xd3: {  	[hbm4b:s25+s11] =	stream.linear.scatter [tilespmem:s3], [sflag:$0x1], $0x2800, $0x38;
	[tilespmem:$0x19960] =	vst v63  }
0xd4: {  	_ = 	snop  }
0xd5: {  	[tilespmem:s8], [sflag:$0x5] =	stream.linear.gather [spmem:s28], $0x2800, $0x38;
	[tilespmem:$0x19960] =	vst v63  }
0xd6: {  	_ =	swait.ge [sflag:s4], $0x2800  }
0xd7: {  	[sflag:s4] =	ssyncset.done $0x0  }
0xd8: {  	s26 =	rddreg [dreg:$0xa];
	[sflag:s4] =	ssyncadd.s32 $0xFFFFD800  }
0xd9: {  	[hbm4b:s26+s11] =	stream.linear.scatter [tilespmem:s8], [sflag:$0x2], $0x2800, $0x38;
	[tilespmem:$0x19960] =	vst v63  }
0xda: {  	_ =	swait.ge [sflag:s9], $0x2800  }
0xdb: {  	[sflag:s9] =	ssyncset.done $0x0  }
0xdc: {  	[sflag:s9] =	ssyncadd.s32 $0xFFFFD800  }
0xdd: {  	_ =	swait.ge [sflag:s15], $0x2800  }
0xde: {  	s18 =	sadd.s32 $0x1, s18;
	s29 =	rddreg [dreg:$0xe]  }
0xdf: {  	p0 =	sne.s32 s18, s29  }
.Ltmp2:
0xe0: {  	_ = 	snop;
	(pc) =	sbr.rel @p0 .LBB2_1-.Ltmp2, $3  }
0xe1: {  	_ =	sdelay $0x1  }
0xe2: {  	[sflag:s15] =	ssyncset.done $0x0  }
0xe3: {  	[sflag:s15] =	ssyncadd.s32 $0xFFFFD800  }
0xe4: {  	_ =	sfence.sel $0x180000  }
0xe5: {  	[bflag:$0x0] =	sbarrier.arrive $0xFFFF  }
0xe6: {  	_ =	strace $0x9000004A  }
0xe7: {  	s0 =	stileid.u32;
	[bflag:$0x2] =	sbarrier.arrive $0xFFFF  }
0xe8: {  	p0 =	sne.s32 s0, $0x0;
	s0 =	rddreg [dreg:$0x2]  }
0xe9: {  	s0 =	sadd.s32 @!p0 $0x100000, s0  }
0xea: {  	[sflag:s0] =	ssyncadd.tile.s32 @!p0 $0x1;
	_ =	shalt  }
.Lfunc_end2:
_tile_overlayer_lowered:
.L_overlay_start_2:
0xeb: {  	(tag) =	ssettag $0x2  }
0xec: {  	s0 =	rddreg [dreg:$0x0];
	s2 =	stileid.u32  }
0xed: {  	s1 =	rddreg [dreg:$0x1];
	p0 =	sne.s32 s2, $0x0  }
0xee: {  	s3 =	rddreg [dreg:$0x2];
	[bflag:$0x3] =	sbarrier.arrive $0xFFFF;
	s2 =	simm.s32 @!p0 $0x1C05  }
0xef: {  	[timem:s3], [sflag:s2] =	dma.local @!p0 [hbm:s0], s1  }
0xf0: {  	s0 =	simm.s32 @!p0 $0x5  }
0xf1: {  	_ =	swait.ge @!p0 [sflag:s0], s1  }
0xf2: {  	s1 =	ssub.s32 @!p0 $0x0, s1;
	[sflag:s0] =	ssyncset.done @!p0 $0x0  }
0xf3: {  	[sflag:s0] =	ssyncadd.s32 @!p0 s1  }
0xf4: {  	[bflag:$0x3] =	sbarrier.arrive $0xFFFF  }
0xf5: {  	_ =	shalt  }

// kernel: kernel.14.cloned.1.call-start
scs
__scs_entry_jumppad:
0x0: {  	(pc) =	sbr.rel $0x88, $3  }
0x1: {  	(tag) =	ssettag $0x0;
	lr =	simm.s32 $0x1  }
0x2: {  	[smem:$0x3F95] =	sst lr;
	_ =	strace $0xD0000000  }
0x3: {  	_ = 	snop  }
0x4: {  	_ = 	snop  }
0x5: {  	_ = 	snop  }
0x6: {  	_ = 	snop  }
0x7: {  	_ = 	snop  }
__scs_overlays_trampoline_lowered:
0x8: {  	[smem:$0x3FA4] =	sst s0  }
0x9: {  	[smem:$0x3FA5] =	sst s1  }
0xa: {  	[smem:$0x3FA6] =	sst s2  }
0xb: {  	[smem:$0x3FA7] =	sst s3  }
0xc: {  	[smem:$0x3FA8] =	sst s4  }
0xd: {  	[smem:$0x3FA9] =	sst s5  }
0xe: {  	[smem:$0x3FAA] =	sst s6  }
0xf: {  	[smem:$0x3FAB] =	sst s7  }
0x10: {  	[smem:$0x3FAC] =	sst s8  }
0x11: {  	[smem:$0x3FAD] =	sst s9;
	s0 =	simm.s32 @!p0 $0x0  }
0x12: {  	s1 =	sld [smem:$0x3F93];
	s0 =	simm.s32 @p0 $0x1  }
0x13: {  	[smem:$0x3FAE] =	sst s0;
	s0 =	simm.s32 @!p1 $0x0  }
0x14: {  	s2 =	sld [smem:$0x3F92];
	s0 =	simm.s32 @p1 $0x1  }
0x15: {  	[smem:$0x3FAF] =	sst s0;
	s0 =	simm.s32 @!p2 $0x0  }
0x16: {  	s3 =	sld [smem:$0x3FDB];
	s0 =	simm.s32 @p2 $0x1  }
0x17: {  	s4 =	simm.s32 $0x1BF5;
	[smem:$0x3FB1] =	sst s0  }
0x18: {  	s0 =	sld [smem:$0x3F94];
	_ =	swait.ge [sflag:s4], $0x0  }
0x19: {  	s7 =	sld [smem:$0x3F95]  }
0x1a: {  	s8 =	sadd.s32 $0xFFFFE003, lr  }
0x1b: {  	s9 =	sadd.s32 $0xFFFFFEF7, lr;
	s5 =	simm.s32 $0xFFFFFFFF;
	p2 =	slt.u32 s8, $0xFFFFF086  }
0x1c: {  	p1 =	slt.u32 s9, $0xF7A;
	s5 =	simm.s32 @!p2 $0x0  }
0x1d: {  	s5 =	simm.s32 @p1 $0x1;
	p0 =	seq.s32 s7, s2  }
0x1e: {  	s7 =	smul.u32 @!p0 $0xF7A, s2;
	p2 =	seq.s32 @!p0 s5, $0x0  }
0x1f: {  	s9 =	smul.u32 $0xF7A, s1;
	s8 =	simm.s32 @!p0 $0x1BF5;
	p2 =	por !p2, p0  }
0x20: {  	[sflag:s8] =	ssyncset.s32 @!p0 $0xFFFFF086;
	s6 =	sadd.s32 @!p0 s3, s7;
	s7 =	simm.s32 @!p0 $0x108  }
0x21: {  	s3 =	sadd.s32 s3, s9;
	s6 =	sadd.s32 @!p0 $0x88, s6;
	s7 =	simm.s32 @p2 $0x1082  }
0x22: {  	[simem:s7], [sflag:s8] =	dma.local @!p0 [hbm:s6], $0xF7A  }
0x23: {  	s9 =	sor.u32 $0xD0000000, s2;
	s6 =	simm.s32 $0x108;
	_ =	swait.ge @!p0 [sflag:s8], $0x0  }
0x24: {  	s3 =	sadd.s32 $0x88, s3;
	s6 =	simm.s32 @!p1 $0x1082;
	[sflag:s4] =	ssyncset.s32 $0xFFFFF086  }
0x25: {  	[simem:s6], [sflag:s4] =	dma.local [hbm:s3], $0xF7A  }
0x26: {  	[smem:$0x3F95] =	sst s1;
	(tag) =	ssettag s2;
	_ =	strace s9  }
0x27: {  	s1 =	sld [smem:$0x3FA5]  }
0x28: {  	s2 =	sld [smem:$0x3FA6]  }
0x29: {  	s4 =	sld [smem:$0x3FA8]  }
0x2a: {  	p0 =	seq.s32 s5, $0x0;
	s5 =	sld [smem:$0x3FA9]  }
0x2b: {  	s6 =	sld [smem:$0x3FAA]  }
0x2c: {  	s7 =	sld [smem:$0x3FAB]  }
0x2d: {  	s3 =	simm.s32 $0x108;
	s8 =	sld [smem:$0x3FAC]  }
0x2e: {  	s3 =	simm.s32 @!p0 $0x1082;
	s9 =	sld [smem:$0x3FAD]  }
0x2f: {  	lr =	sadd.s32 s0, s3;
	s0 =	sld [smem:$0x3FA4]  }
0x30: {  	s3 =	sld [smem:$0x3FA7]  }
0x31: {  	[smem:$0x3FB0] =	sst s10  }
0x32: {  	s10 =	sld [smem:$0x3FAE];
	_ =	sdelay $0x3  }
0x33: {  	p0 =	seq.s32 s10, $0x1;
	s10 =	sld [smem:$0x3FB0];
	_ =	sdelay $0x3  }
0x34: {  	[smem:$0x3FB0] =	sst s10  }
0x35: {  	s10 =	sld [smem:$0x3FAF];
	_ =	sdelay $0x3  }
0x36: {  	p1 =	seq.s32 s10, $0x1;
	s10 =	sld [smem:$0x3FB0];
	_ =	sdelay $0x3  }
0x37: {  	[smem:$0x3FB0] =	sst s10  }
0x38: {  	s10 =	sld [smem:$0x3FB1]  }
0x39: {  	_ = 	snop;
	(pc) =	sbr.ind lr, $3  }
0x3a: {  	_ = 	snop  }
0x3b: {  	_ = 	snop  }
0x3c: {  	p2 =	seq.s32 s10, $0x1;
	s10 =	sld [smem:$0x3FB0]  }
0x3d: {  	_ =	shalt  }
0x3e: {  	_ =	shalt  }
0x3f: {  	_ =	shalt  }
0x40: {  	_ =	shalt  }
0x41: {  	_ =	shalt  }
0x42: {  	_ =	shalt  }
0x43: {  	_ =	shalt  }
0x44: {  	_ =	shalt  }
0x45: {  	_ =	shalt  }
0x46: {  	_ =	shalt  }
0x47: {  	_ =	shalt  }
0x48: {  	_ =	shalt  }
0x49: {  	_ =	shalt  }
0x4a: {  	_ =	shalt  }
0x4b: {  	_ =	shalt  }
0x4c: {  	_ =	shalt  }
0x4d: {  	_ =	shalt  }
0x4e: {  	_ =	shalt  }
0x4f: {  	_ =	shalt  }
0x50: {  	_ =	shalt  }
0x51: {  	_ =	shalt  }
0x52: {  	_ =	shalt  }
0x53: {  	_ =	shalt  }
0x54: {  	_ =	shalt  }
0x55: {  	_ =	shalt  }
0x56: {  	_ =	shalt  }
0x57: {  	_ =	shalt  }
0x58: {  	_ =	shalt  }
0x59: {  	_ =	shalt  }
0x5a: {  	_ =	shalt  }
0x5b: {  	_ =	shalt  }
0x5c: {  	_ =	shalt  }
0x5d: {  	_ =	shalt  }
0x5e: {  	_ =	shalt  }
0x5f: {  	_ =	shalt  }
0x60: {  	_ =	shalt  }
0x61: {  	_ =	shalt  }
0x62: {  	_ =	shalt  }
0x63: {  	_ =	shalt  }
0x64: {  	_ =	shalt  }
0x65: {  	_ =	shalt  }
0x66: {  	_ =	shalt  }
0x67: {  	_ =	shalt  }
0x68: {  	_ =	shalt  }
0x69: {  	_ =	shalt  }
0x6a: {  	_ =	shalt  }
0x6b: {  	_ =	shalt  }
0x6c: {  	_ =	shalt  }
0x6d: {  	_ =	shalt  }
0x6e: {  	_ =	shalt  }
0x6f: {  	_ =	shalt  }
0x70: {  	_ =	shalt  }
0x71: {  	_ =	shalt  }
0x72: {  	_ =	shalt  }
0x73: {  	_ =	shalt  }
0x74: {  	_ =	shalt  }
0x75: {  	_ =	shalt  }
0x76: {  	_ =	shalt  }
0x77: {  	_ =	shalt  }
0x78: {  	_ =	shalt  }
0x79: {  	_ =	shalt  }
0x7a: {  	_ =	shalt  }
0x7b: {  	_ =	shalt  }
0x7c: {  	_ =	shalt  }
0x7d: {  	_ =	shalt  }
0x7e: {  	_ =	shalt  }
0x7f: {  	_ =	shalt  }
0x80: {  	_ =	shalt  }
0x81: {  	_ =	shalt  }
0x82: {  	_ =	shalt  }
0x83: {  	_ =	shalt  }
0x84: {  	_ =	shalt  }
0x85: {  	_ =	shalt  }
0x86: {  	_ =	shalt  }
0x87: {  	_ =	shalt  }
.Lfunc_end0:
.L_simem_size_0:
called_computation.2_lowered:
.L_overlay_start_0:
0x88: {  	s2 =	sld [smem:$0x3FD9]  }
0x89: {  	s3 =	sld [smem:$0x3FFE];
	_ =	sdelay $0x1  }
0x8a: {  	s1 =	srdreg.scid  }
0x8b: {  	s0 =	sand.u32 $0x1, s1  }
0x8c: {  	s16 =	sshll.u32 s0, $0xA;
	s2 =	sadd.s32 s3, s2  }
0x8d: {  	s2 =	sadd.s32 s2, s16  }
0x8e: {  	[smem:$0x3FBC] =	sst s2  }
0x8f: {  	_ = 	snop  }
0x90: {  	(tm) =	ssettm $0x1  }
0x91: {  	s17 =	sld [smem:$0x3FFB];
	_ =	sdelay $0x3  }
0x92: {  	_ =	strace s17  }
0x93: {  	s2 =	sld [smem:$0x3FFC];
	_ =	sdelay $0x3  }
0x94: {  	_ =	strace s2  }
0x95: {  	s2 =	sld [smem:$0x3FFD];
	_ =	sdelay $0x3  }
0x96: {  	_ =	strace s2  }
0x97: {  	_ =	strace $0x8FFFFFFF  }
0x98: {  	s18 =	sld [smem:$0x3FDB];
	_ =	sdelay $0x1  }
0x99: {  	s19 =	simm.s32 $_scs_section_size  }
0x9a: {  	s4 =	simm.s32 $_size__tile_overlayer_lowered;
	s5 =	simm.s32 $_tile_overlayer_lowered  }
0x9b: {  	s22 =	simm.s32 $0x1BFF;
	s21 =	sshll.u32 s5, $0x1;
	s2 =	sadd.s32 s19, s18  }
0x9c: {  	s6 =	simm.s32 $0x0;
	s20 =	sshll.u32 s4, $0x1;
	s4 =	sadd.s32 s21, s2  }
0x9d: {  	[timem:s6], [sflag:s22] =	dma.local [hbm:s4], s20  }
0x9e: {  	_ =	swait.ge [sflag:s22], s20  }
0x9f: {  	s3 =	ssub.s32 $0x0, s20;
	[sflag:s22] =	ssyncset.done $0x0  }
0xa0: {  	[sflag:s22] =	ssyncadd.s32 s3;
	_ =	sdelay $0x1  }
0xa1: {  	s23 =	simm.s32 $0x1B8B  }
0xa2: {  	_ =	swait.ge [sflag:s23], $0x1  }
0xa3: {  	[sflag:s23] =	ssyncset.done $0x0  }
0xa4: {  	s25 =	simm.s32 $0x1B8E;
	s24 =	sld [smem:$0x3FFE];
	[sflag:s23] =	ssyncadd.s32 $0xFFFFFFFF  }
0xa5: {  	s26 =	simm.s32 $execute0_lowered;
	[smem:$0x3FD2] =	sst s25  }
0xa6: {  	s4 =	sshll.u32 s26, $0x1;
	_ =	strace $0x8000004C;
	[dreg:$0x1] =	wrdreg $0xFFFFFFFF  }
0xa7: {  	s28 =	simm.s32 $_size_execute0_lowered;
	s2 =	sadd.s32 s2, s4;
	[dreg:$0x0] =	wrdreg $0x0  }
0xa8: {  	s4 =	sshll.u32 s28, $0x1;
	[dreg:$0x2] =	wrdreg s2  }
0xa9: {  	[dreg:$0x3] =	wrdreg s4  }
0xaa: {  	[dreg:$0x4] =	wrdreg $0xC0  }
0xab: {  	_ =	task [dreg:s6], $0x5FFFF  }
0xac: {  	[dreg:$0x1] =	wrdreg $0xFFFFFFFF  }
0xad: {  	[dreg:$0x0] =	wrdreg $0x60  }
0xae: {  	[dreg:$0x2] =	wrdreg s24  }
0xaf: {  	[dreg:$0x3] =	wrdreg $0x6F600  }
0xb0: {  	[dreg:$0x4] =	wrdreg $0x9  }
0xb1: {  	_ =	task.clear_ibuf [dreg:s6], $0x5FFFF;
	_ =	strace $0x9000004C  }
0xb2: {  	s29 =	simm.s32 $0x9;
	_ =	strace $0x8000004E  }
0xb3: {  	_ =	swait.ge [sflag:s29], $0x1  }
0xb4: {  	[sflag:s29] =	ssyncadd.s32 $0xFFFFFFFF  }
0xb5: {  	_ =	strace $0x9000004E  }
0xb6: {  	_ =	sfence  }
0xb7: {  	s30 =	sld [smem:$0x0];
	_ =	sdelay $0x2  }
0xb8: {  	s31 =	sshll.u32 s1, $0xD;
	s1 =	sshrl.u32 s1, $0x2  }
0xb9: {  	s3 =	sand.u32 $0x4000, s31;
	s1 =	sadd.s32 s1, s30  }
0xba: {  	s0 =	sor.u32 s3, s0;
	s1 =	sshll.u32 s1, $0x11  }
0xbb: {  	s0 =	sor.u32 s1, s0  }
0xbc: {  	s0 =	sadd.s32 $0x8F2B, s0  }
0xbd: {  	[sflag:s0] =	ssyncadd.remote.s32 $0x1  }
0xbe: {  	_ =	sfence.sel $0xFFFF  }
0xbf: {  	[dreg:$0x0] =	wrdreg $0xFFFFFFFF;
	(pc) =	sbr.abs _section_cstart, $3  }
0xc0: {  	[dreg:$0x1] =	wrdreg $0xFFFFFFFF  }
0xc1: {  	_ =	task.clear_ibuf [dreg:s6], $0x2FFFF;
	_ =	strace $0x9FFFFFFF  }
0xc2: {  	(tm) =	ssettm $0x7FFFFFFF  }
0xc3: {  	_ =	shalt  }
tec
execute0_lowered:
.L_overlay_start_1:
0x0: {  	(tag) =	ssettag $0x1  }
0x1: {  	s3 =	rddreg [dreg:$0x0]  }
0x2: {  	s1 =	rddreg [dreg:$0x1];
	s17 =	stileid.u32  }
0x3: {  	s0 =	srdreg.scid;
	s2 =	simm.s32 $0x0;
	s18 =	smul.u32 $0x280, s17  }
0x4: {  	s4 =	sand.u32 $0x1, s0;
	s5 =	sadd.s32 $0xAA000, s3;
	s9 =	smul.u32 $0x19000, s17  }
0x5: {  	s19 =	sshll.u32 s17, $0x1;
	[smem:$0x7FF] =	sst s2;
	s6 =	ssub.s32 $0x2, s4  }
0x6: {  	s7 =	smul.u32 $0x190000, s4;
	s8 =	sshrl.u32 s6, $0x1;
	s10 =	sadd.s32 $0xA0, s18  }
0x7: {  	s15 =	sadd.s32 $0x3200, s9;
	s16 =	sadd.s32 $0xC800, s9;
	s18 =	sadd.s32 $0xFA00, s9  }
0x8: {  	s6 =	ssub.s32 s6, s8;
	s0 =	smul.u32 $0xA0, s10;
	s8 =	sor.u32 s4, s19  }
0x9: {  	s11 =	sadd.s32 s7, s9;
	s12 =	sadd.s32 s7, s15;
	s24 =	sadd.s32 s7, s16  }
0xa: {  	s14 =	sadd.s32 s7, s18;
	s19 =	sadd.s32 $0x12C00, s9;
	s28 =	sadd.s32 s16, s1  }
0xb: {  	s29 =	sadd.s32 s18, s1;
	s16 =	simm.s32 $0x1;
	s18 =	simm.s32 $0x3  }
0xc: {  	s11 =	sshrl.u32 s11, $0x3;
	s20 =	sshrl.u32 s12, $0x3;
	s25 =	sshrl.u32 s24, $0x3  }
0xd: {  	s26 =	sshrl.u32 s14, $0x3;
	s14 =	sadd.s32 s7, s19;
	s24 =	smul.u32 $0x4F10, s8  }
0xe: {  	s30 =	sadd.s32 s19, s1;
	s13 =	sadd.s32 s7, s0;
	s11 =	sadd.s32 s5, s11  }
0xf: {  	[dreg:$0x3] =	wrdreg s11;
	s11 =	sadd.s32 s5, s20;
	s20 =	smul.u32 $0x4F10, s4  }
0x10: {  	s19 =	simm.s32 $0x2;
	s21 =	sshrl.u32 s13, $0x3;
	s4 =	smul.u32 $0x73, s4  }
0x11: {  	s13 =	sadd.s32 s5, s26;
	s26 =	smul.u32 $0x9E2, s8;
	[dreg:$0x4] =	wrdreg s11  }
0x12: {  	s22 =	sadd.s32 s5, s21;
	s11 =	sadd.s32 $0x3200, s0;
	[dreg:$0x8] =	wrdreg s13  }
0x13: {  	s21 =	sadd.s32 $0x15E00, s9;
	s13 =	sadd.s32 $0x17200, s3;
	s0 =	sadd.s32 s0, s1  }
0x14: {  	[dreg:$0x5] =	wrdreg s22;
	s23 =	sadd.s32 s7, s11;
	s7 =	sadd.s32 s7, s21  }
0x15: {  	s22 =	smul.u32 $0x9E20, s17;
	s31 =	sadd.s32 s21, s1;
	s12 =	sshrl.u32 s23, $0x3  }
0x16: {  	s21 =	simm.s32 $0x108;
	s7 =	sshrl.u32 s7, $0x3;
	s12 =	sadd.s32 s5, s12  }
0x17: {  	s23 =	smul.u32 $0xE6, s17;
	[dreg:$0x6] =	wrdreg s12;
	s12 =	sadd.s32 s5, s25  }
0x18: {  	s25 =	smul.u32 $0x73, s8;
	[dreg:$0x7] =	wrdreg s12;
	s12 =	sshrl.u32 s14, $0x3  }
0x19: {  	s8 =	simm.s32 $0x58;
	s14 =	sadd.s32 $0x79200, s3;
	s12 =	sadd.s32 s5, s12  }
0x1a: {  	s5 =	sadd.s32 s5, s7;
	s7 =	sadd.s32 s20, s22;
	s20 =	sshrl.u32 s24, $0x3  }
0x1b: {  	s24 =	sadd.s32 s9, s1;
	s9 =	smax.u32 s6, $0x1;
	[dreg:$0x9] =	wrdreg s12  }
0x1c: {  	s6 =	simm.s32 $0x160;
	[dreg:$0xa] =	wrdreg s5;
	s5 =	sadd.s32 s13, s26  }
0x1d: {  	s12 =	sadd.s32 s4, s23;
	_ =	strace $0x8000004D;
	[dreg:$0xb] =	wrdreg s5  }
0x1e: {  	s22 =	sadd.s32 s13, s20;
	s23 =	smul.u32 $0x64000, s17;
	[dreg:$0xd] =	wrdreg s24  }
0x1f: {  	s17 =	sadd.s32 $0x72, s25;
	s25 =	smul.u32 $0x280, s10;
	[dreg:$0xe] =	wrdreg s9  }
0x20: {  	s3 =	sadd.s32 $0x16, s22;
	[dreg:$0x13] =	wrdreg s0;
	s9 =	simm.s32 $0xB0  }
0x21: {  	[dreg:$0xc] =	wrdreg s3;
	s26 =	sshrl.u32 s23, $0x2;
	s10 =	sadd.s32 $0x32000, s23  }
0x22: {  	s3 =	sshrl.u32 s25, $0x2;
	s22 =	sadd.s32 $0x4B000, s23;
	s25 =	sadd.s32 s15, s1  }
0x23: {  	s15 =	simm.s32 $0x3860;
	s20 =	sadd.s32 s26, s1;
	s4 =	sshrl.u32 s10, $0x2  }
0x24: {  	s3 =	sadd.s32 s3, s1;
	s24 =	sshrl.u32 s22, $0x2;
	[dreg:$0x12] =	wrdreg s25  }
0x25: {  	s26 =	sadd.s32 s11, s1;
	s11 =	simm.s32 $0x4;
	s22 =	simm.s32 $0x0  }
0x26: {  	[dreg:$0xf] =	wrdreg s3;
	s23 =	sadd.s32 s4, s1;
	s3 =	sadd.s32 s24, s1  }
0x27: {  	[dreg:$0x14] =	wrdreg s26;
	s24 =	sadd.s32 $0x160, s7;
	s0 =	sadd.s32 $0x3200, s20  }
0x28: {  	s4 =	sadd.s32 $0xFA00, s20;
	s5 =	sadd.s32 $0x15E00, s20;
	[dreg:$0x10] =	wrdreg s23  }
0x29: {  	v0 =	vimm.f32 $0.0e+00;
	s7 =	simm.s32 $0x5;
	[dreg:$0x11] =	wrdreg s3;
	s3 =	sadd.s32 $0x9600, s20  }
.LBB2_1:
0x2a: {  	s10 =	simm.s32 $0x0;
	s23 =	simm.s32 $0x280  }
.LBB2_2:
0x2b: {  	p0 =	sne.s32 s23, $0xC580;
	[tilespmem:s10+$0x1F0] =	vst v0  }
0x2c: {  	[tilespmem:s10+$0x160] =	vst v0  }
0x2d: {  	[tilespmem:s10+$0x170] =	vst v0  }
0x2e: {  	[tilespmem:s10+$0x180] =	vst v0  }
0x2f: {  	[tilespmem:s10+$0x190] =	vst v0  }
.Ltmp0:
0x30: {  	[tilespmem:s10+$0x1A0] =	vst v0;
	(pc) =	sbr.rel @p0 .LBB2_2-.Ltmp0, $4  }
0x31: {  	[tilespmem:s10+$0x1B0] =	vst v0  }
0x32: {  	[tilespmem:s10+$0x1C0] =	vst v0  }
0x33: {  	[tilespmem:s10+$0x1D0] =	vst v0  }
0x34: {  	[tilespmem:s10+$0x1E0] =	vst v0;
	s10 =	sshra.s32 s23, $0x2;
	s23 =	sadd.s32 $0x280, s23  }
0x35: {  	[tilespmem:s10+$0x1F0] =	vst v0  }
0x36: {  	[tilespmem:s10+$0x160] =	vst v0  }
0x37: {  	[tilespmem:s10+$0x170] =	vst v0  }
0x38: {  	[tilespmem:s10+$0x180] =	vst v0  }
0x39: {  	[tilespmem:s10+$0x190] =	vst v0  }
0x3a: {  	[tilespmem:s10+$0x1A0] =	vst v0  }
0x3b: {  	[tilespmem:s10+$0x1B0] =	vst v0  }
0x3c: {  	[tilespmem:s10+$0x1C0] =	vst v0  }
0x3d: {  	[tilespmem:s10+$0x1D0] =	vst v0  }
0x3e: {  	[tilespmem:s10+$0x1E0] =	vst v0  }
0x3f: {  	[spmem:s20] =	stream.linear.scatter [tilespmem:s6], [sflag:$0x5], $0x3200, $0x38;
	[tilespmem:$0x1FF60] =	vst v63  }
0x40: {  	_ =	swait.ge [sflag:s7], $0x3200  }
0x41: {  	[sflag:s7] =	ssyncset.done $0x0  }
0x42: {  	[sflag:s7] =	ssyncadd.s32 $0xFFFFCE00  }
0x43: {  	[spmem:s0] =	stream.linear.scatter [tilespmem:s6], [sflag:$0x5], $0x3200, $0x38;
	[tilespmem:$0x1FF60] =	vst v63  }
0x44: {  	_ =	swait.ge [sflag:s7], $0x3200  }
0x45: {  	[sflag:s7] =	ssyncset.done $0x0  }
0x46: {  	s23 =	rddreg [dreg:$0xf];
	[sflag:s7] =	ssyncadd.s32 $0xFFFFCE00  }
0x47: {  	[spmem:s23] =	stream.linear.scatter [tilespmem:s6], [sflag:$0x5], $0x3200, $0x38;
	[tilespmem:$0x1FF60] =	vst v63  }
0x48: {  	_ =	swait.ge [sflag:s7], $0x3200  }
0x49: {  	[sflag:s7] =	ssyncset.done $0x0  }
0x4a: {  	[sflag:s7] =	ssyncadd.s32 $0xFFFFCE00  }
0x4b: {  	[spmem:s3] =	stream.linear.scatter [tilespmem:s6], [sflag:$0x5], $0x3200, $0x38;
	[tilespmem:$0x1FF60] =	vst v63  }
0x4c: {  	_ =	swait.ge [sflag:s7], $0x3200  }
0x4d: {  	[sflag:s7] =	ssyncset.done $0x0  }
0x4e: {  	s25 =	rddreg [dreg:$0x10];
	[sflag:s7] =	ssyncadd.s32 $0xFFFFCE00  }
0x4f: {  	[spmem:s25] =	stream.linear.scatter [tilespmem:s6], [sflag:$0x5], $0x3200, $0x38;
	[tilespmem:$0x1FF60] =	vst v63  }
0x50: {  	_ =	swait.ge [sflag:s7], $0x3200  }
0x51: {  	[sflag:s7] =	ssyncset.done $0x0  }
0x52: {  	[sflag:s7] =	ssyncadd.s32 $0xFFFFCE00  }
0x53: {  	[spmem:s4] =	stream.linear.scatter [tilespmem:s6], [sflag:$0x5], $0x3200, $0x38;
	[tilespmem:$0x1FF60] =	vst v63  }
0x54: {  	_ =	swait.ge [sflag:s7], $0x3200  }
0x55: {  	[sflag:s7] =	ssyncset.done $0x0  }
0x56: {  	s26 =	rddreg [dreg:$0x11];
	[sflag:s7] =	ssyncadd.s32 $0xFFFFCE00  }
0x57: {  	[spmem:s26] =	stream.linear.scatter [tilespmem:s6], [sflag:$0x5], $0x3200, $0x38;
	[tilespmem:$0x1FF60] =	vst v63  }
0x58: {  	_ =	swait.ge [sflag:s7], $0x3200  }
0x59: {  	[sflag:s7] =	ssyncset.done $0x0  }
0x5a: {  	[sflag:s7] =	ssyncadd.s32 $0xFFFFCE00  }
0x5b: {  	[spmem:s5] =	stream.linear.scatter [tilespmem:s6], [sflag:$0x5], $0x3200, $0x38;
	[tilespmem:$0x1FF60] =	vst v63  }
0x5c: {  	_ =	swait.ge [sflag:s7], $0x3200  }
0x5d: {  	[sflag:s7] =	ssyncset.done $0x0  }
0x5e: {  	[sflag:s7] =	ssyncadd.s32 $0xFFFFCE00  }
0x5f: {  	[bflag:$0x0] =	sbarrier.arrive $0xFFFF  }
0x60: {  	s23 =	rddreg [dreg:$0xb]  }
0x61: {  	[tilespmem:s2], [sflag:$0x5] =	stream.linear.gather [hbm4b:s23+s2], $0xB0, $0x38;
	[tilespmem:$0x1FF60] =	vst v63  }
0x62: {  	_ =	swait.ge [sflag:s7], $0xB0  }
0x63: {  	[sflag:s7] =	ssyncset.done $0x0  }
0x64: {  	[sflag:s7] =	ssyncadd.s32 $0xFFFFFF50  }
0x65: {  	[tilespmem:s6], [sflag:$0x1] =	stream.indirect.gather [hbm4b:s14+s8], $0xA0, s2, s8, $0xb8;
	[tilespmem:$0x1FF60] =	vst v63  }
0x66: {  	s25 =	rddreg [dreg:$0xc]  }
0x67: {  	[tilespmem:s9], [sflag:$0x4] =	stream.linear.gather [hbm4b:s25+s2], $0xB0, $0x38;
	[tilespmem:$0x1FF60] =	vst v63  }
0x68: {  	_ =	swait.ge [sflag:s11], $0xB0  }
0x69: {  	[sflag:s11] =	ssyncset.done $0x0  }
0x6a: {  	[sflag:s11] =	ssyncadd.s32 $0xFFFFFF50  }
0x6b: {  	[tilespmem:s15], [sflag:$0x2] =	stream.indirect.gather [hbm4b:s14+s8], $0xA0, s9, s8, $0xb8;
	[tilespmem:$0x1FF60] =	vst v63  }
0x6c: {  	_ =	swait.ge [sflag:s16], $0x3700  }
0x6d: {  	[sflag:s16] =	ssyncset.done $0x0  }
0x6e: {  	[sflag:s16] =	ssyncadd.s32 $0xFFFFC900  }
0x6f: {  	[spmem:s1] =	stream.indirect.scatter.add.f32 [tilespmem:s6], [sflag:$0x5], $0xA0, s8, s8, $0xb8;
	[tilespmem:$0x1FF60] =	vst v63  }
0x70: {  	_ =	swait.ge [sflag:s7], $0x3700  }
0x71: {  	s26 =	sshrl.u32 s24, $0x3;
	[sflag:s7] =	ssyncset.done $0x0  }
0x72: {  	s10 =	sadd.s32 s13, s26;
	[sflag:s7] =	ssyncadd.s32 $0xFFFFC900  }
0x73: {  	[tilespmem:s2], [sflag:$0x3] =	stream.linear.gather [hbm4b:s10+s2], $0xB0, $0x38;
	[tilespmem:$0x1FF60] =	vst v63  }
0x74: {  	_ =	swait.ge [sflag:s18], $0xB0  }
0x75: {  	[sflag:s18] =	ssyncset.done $0x0  }
0x76: {  	s10 =	sadd.s32 $0x3, s12;
	[sflag:s18] =	ssyncadd.s32 $0xFFFFFF50  }
0x77: {  	[tilespmem:s6], [sflag:$0x1] =	stream.indirect.gather [hbm4b:s14+s8], $0xA0, s2, s8, $0xb8;
	[tilespmem:$0x1FF60] =	vst v63  }
0x78: {  	s23 =	smov.u32 s17;
	p0 =	slt.s32 s10, s17;
	_ =	swait.ge [sflag:s19], $0x3700  }
0x79: {  	s23 =	smov.u32 @p0 s10;
	[sflag:s19] =	ssyncset.done $0x0  }
0x7a: {  	s10 =	smul.u32 $0x16, s23;
	s23 =	simm.s32 $0x5;
	[sflag:s19] =	ssyncadd.s32 $0xFFFFC900  }
0x7b: {  	[spmem:s1] =	stream.indirect.scatter.add.f32 [tilespmem:s15], [sflag:$0x5], $0xA0, s21, s8, $0xb8;
	[tilespmem:$0x1FF60] =	vst v63  }
0x7c: {  	s25 =	sadd.s32 s13, s10;
	s10 =	smov.u32 s24;
	_ =	swait.ge [sflag:s7], $0x3700  }
.LBB2_4:
0x7d: {  	p0 =	sne.s32 s23, $0x73;
	[sflag:s7] =	ssyncset.done $0x0;
	s10 =	sadd.s32 $0x160, s10  }
0x7e: {  	s26 =	smov.u32 s23;
	s23 =	sadd.s32 $0x2, s23;
	[sflag:s7] =	ssyncadd.s32 $0xFFFFC900  }
0x7f: {  	[tilespmem:s9], [sflag:$0x4] =	stream.linear.gather [hbm4b:s25+s2], $0xB0, $0x38;
	[tilespmem:$0x1FF60] =	vst v63  }
0x80: {  	_ =	swait.ge [sflag:s11], $0xB0  }
0x81: {  	[sflag:s11] =	ssyncset.done $0x0  }
0x82: {  	[sflag:s11] =	ssyncadd.s32 $0xFFFFFF50  }
0x83: {  	[tilespmem:s15], [sflag:$0x2] =	stream.indirect.gather [hbm4b:s14+s8], $0xA0, s9, s8, $0xb8;
	[tilespmem:$0x1FF60] =	vst v63  }
0x84: {  	_ =	swait.ge [sflag:s16], $0x3700  }
0x85: {  	[sflag:s16] =	ssyncset.done $0x0  }
0x86: {  	s25 =	sshrl.u32 s10, $0x3;
	[sflag:s16] =	ssyncadd.s32 $0xFFFFC900  }
0x87: {  	[spmem:s1] =	stream.indirect.scatter.add.f32 [tilespmem:s6], [sflag:$0x5], $0xA0, s8, s8, $0xb8;
	[tilespmem:$0x1FF60] =	vst v63  }
0x88: {  	s25 =	sadd.s32 s13, s25;
	_ =	swait.ge [sflag:s7], $0x3700  }
0x89: {  	[sflag:s7] =	ssyncset.done $0x0  }
0x8a: {  	[sflag:s7] =	ssyncadd.s32 $0xFFFFC900  }
0x8b: {  	[tilespmem:s2], [sflag:$0x3] =	stream.linear.gather [hbm4b:s25+s2], $0xB0, $0x38;
	[tilespmem:$0x1FF60] =	vst v63  }
0x8c: {  	_ =	swait.ge [sflag:s18], $0xB0  }
0x8d: {  	[sflag:s18] =	ssyncset.done $0x0  }
0x8e: {  	s25 =	sadd.s32 s26, s12;
	s26 =	smov.u32 s17;
	[sflag:s18] =	ssyncadd.s32 $0xFFFFFF50  }
0x8f: {  	[tilespmem:s6], [sflag:$0x1] =	stream.indirect.gather [hbm4b:s14+s8], $0xA0, s2, s8, $0xb8;
	[tilespmem:$0x1FF60] =	vst v63  }
.Ltmp1:
0x90: {  	p1 =	slt.s32 s25, s17;
	_ =	swait.ge [sflag:s19], $0x3700;
	(pc) =	sbr.rel @p0 .LBB2_4-.Ltmp1, $4  }
0x91: {  	s26 =	smov.u32 @p1 s25;
	[sflag:s19] =	ssyncset.done $0x0  }
0x92: {  	s25 =	smul.u32 $0x16, s26;
	[sflag:s19] =	ssyncadd.s32 $0xFFFFC900  }
0x93: {  	[spmem:s1] =	stream.indirect.scatter.add.f32 [tilespmem:s15], [sflag:$0x5], $0xA0, s21, s8, $0xb8;
	[tilespmem:$0x1FF60] =	vst v63  }
0x94: {  	s25 =	sadd.s32 s13, s25;
	_ =	swait.ge [sflag:s7], $0x3700  }
0x95: {  	[sflag:s7] =	ssyncset.done $0x0  }
0x96: {  	[sflag:s7] =	ssyncadd.s32 $0xFFFFC900  }
0x97: {  	[tilespmem:s9], [sflag:$0x4] =	stream.linear.gather [hbm4b:s25+s2], $0xB0, $0x38;
	[tilespmem:$0x1FF60] =	vst v63  }
0x98: {  	_ =	swait.ge [sflag:s16], $0x3700  }
0x99: {  	[sflag:s16] =	ssyncset.done $0x0  }
0x9a: {  	[sflag:s16] =	ssyncadd.s32 $0xFFFFC900  }
0x9b: {  	[spmem:s1] =	stream.indirect.scatter.add.f32 [tilespmem:s6], [sflag:$0x5], $0xA0, s8, s8, $0xb8;
	[tilespmem:$0x1FF60] =	vst v63  }
0x9c: {  	_ =	swait.ge [sflag:s7], $0x3700  }
0x9d: {  	[sflag:s7] =	ssyncset.done $0x0  }
0x9e: {  	[sflag:s7] =	ssyncadd.s32 $0xFFFFC900  }
0x9f: {  	_ =	swait.ge [sflag:s11], $0xB0  }
0xa0: {  	[sflag:s11] =	ssyncset.done $0x0  }
0xa1: {  	[sflag:s11] =	ssyncadd.s32 $0xFFFFFF50  }
0xa2: {  	[bflag:$0x0] =	sbarrier.arrive $0xFFFF  }
0xa3: {  	s10 =	rddreg [dreg:$0xd]  }
0xa4: {  	[tilespmem:s6], [sflag:$0x5] =	stream.linear.gather [spmem:s10], $0x3200, $0x38;
	[tilespmem:$0x1FF60] =	vst v63  }
0xa5: {  	_ =	swait.ge [sflag:s7], $0x3200  }
0xa6: {  	[sflag:s7] =	ssyncset.done $0x0  }
0xa7: {  	s23 =	rddreg [dreg:$0x3];
	[sflag:s7] =	ssyncadd.s32 $0xFFFFCE00  }
0xa8: {  	[hbm4b:s23+s2] =	stream.linear.scatter [tilespmem:s6], [sflag:$0x1], $0x3200, $0x38;
	[tilespmem:$0x1FF60] =	vst v63  }
0xa9: {  	s25 =	rddreg [dreg:$0x12]  }
0xaa: {  	[tilespmem:s15], [sflag:$0x5] =	stream.linear.gather [spmem:s25], $0x3200, $0x38;
	[tilespmem:$0x1FF60] =	vst v63  }
0xab: {  	_ =	swait.ge [sflag:s7], $0x3200  }
0xac: {  	[sflag:s7] =	ssyncset.done $0x0  }
0xad: {  	s26 =	rddreg [dreg:$0x4];
	[sflag:s7] =	ssyncadd.s32 $0xFFFFCE00  }
0xae: {  	[hbm4b:s26+s2] =	stream.linear.scatter [tilespmem:s15], [sflag:$0x2], $0x3200, $0x38;
	[tilespmem:$0x1FF60] =	vst v63  }
0xaf: {  	_ =	swait.ge [sflag:s16], $0x3200  }
0xb0: {  	[sflag:s16] =	ssyncset.done $0x0  }
0xb1: {  	[sflag:s16] =	ssyncadd.s32 $0xFFFFCE00  }
0xb2: {  	_ =	swait.ge [sflag:s19], $0x3200  }
0xb3: {  	[sflag:s19] =	ssyncset.done $0x0  }
0xb4: {  	s23 =	rddreg [dreg:$0x13];
	[sflag:s19] =	ssyncadd.s32 $0xFFFFCE00  }
0xb5: {  	[tilespmem:s6], [sflag:$0x5] =	stream.linear.gather [spmem:s23], $0x3200, $0x38;
	[tilespmem:$0x1FF60] =	vst v63  }
0xb6: {  	_ =	swait.ge [sflag:s7], $0x3200  }
0xb7: {  	[sflag:s7] =	ssyncset.done $0x0  }
0xb8: {  	s25 =	rddreg [dreg:$0x5];
	[sflag:s7] =	ssyncadd.s32 $0xFFFFCE00  }
0xb9: {  	[hbm4b:s25+s2] =	stream.linear.scatter [tilespmem:s6], [sflag:$0x1], $0x3200, $0x38;
	[tilespmem:$0x1FF60] =	vst v63  }
0xba: {  	s26 =	rddreg [dreg:$0x14]  }
0xbb: {  	[tilespmem:s15], [sflag:$0x5] =	stream.linear.gather [spmem:s26], $0x3200, $0x38;
	[tilespmem:$0x1FF60] =	vst v63  }
0xbc: {  	_ =	swait.ge [sflag:s7], $0x3200  }
0xbd: {  	[sflag:s7] =	ssyncset.done $0x0  }
0xbe: {  	s23 =	rddreg [dreg:$0x6];
	[sflag:s7] =	ssyncadd.s32 $0xFFFFCE00  }
0xbf: {  	[hbm4b:s23+s2] =	stream.linear.scatter [tilespmem:s15], [sflag:$0x2], $0x3200, $0x38;
	[tilespmem:$0x1FF60] =	vst v63  }
0xc0: {  	_ =	swait.ge [sflag:s16], $0x3200  }
0xc1: {  	[sflag:s16] =	ssyncset.done $0x0  }
0xc2: {  	[sflag:s16] =	ssyncadd.s32 $0xFFFFCE00  }
0xc3: {  	_ =	swait.ge [sflag:s19], $0x3200  }
0xc4: {  	[sflag:s19] =	ssyncset.done $0x0  }
0xc5: {  	[sflag:s19] =	ssyncadd.s32 $0xFFFFCE00  }
0xc6: {  	[tilespmem:s6], [sflag:$0x5] =	stream.linear.gather [spmem:s28], $0x3200, $0x38;
	[tilespmem:$0x1FF60] =	vst v63  }
0xc7: {  	_ =	swait.ge [sflag:s7], $0x3200  }
0xc8: {  	[sflag:s7] =	ssyncset.done $0x0  }
0xc9: {  	s25 =	rddreg [dreg:$0x7];
	[sflag:s7] =	ssyncadd.s32 $0xFFFFCE00  }
0xca: {  	[hbm4b:s25+s2] =	stream.linear.scatter [tilespmem:s6], [sflag:$0x1], $0x3200, $0x38;
	[tilespmem:$0x1FF60] =	vst v63  }
0xcb: {  	_ = 	snop  }
0xcc: {  	[tilespmem:s15], [sflag:$0x5] =	stream.linear.gather [spmem:s29], $0x3200, $0x38;
	[tilespmem:$0x1FF60] =	vst v63  }
0xcd: {  	_ =	swait.ge [sflag:s7], $0x3200  }
0xce: {  	[sflag:s7] =	ssyncset.done $0x0  }
0xcf: {  	s26 =	rddreg [dreg:$0x8];
	[sflag:s7] =	ssyncadd.s32 $0xFFFFCE00  }
0xd0: {  	[hbm4b:s26+s2] =	stream.linear.scatter [tilespmem:s15], [sflag:$0x2], $0x3200, $0x38;
	[tilespmem:$0x1FF60] =	vst v63  }
0xd1: {  	_ =	swait.ge [sflag:s16], $0x3200  }
0xd2: {  	[sflag:s16] =	ssyncset.done $0x0  }
0xd3: {  	[sflag:s16] =	ssyncadd.s32 $0xFFFFCE00  }
0xd4: {  	_ =	swait.ge [sflag:s19], $0x3200  }
0xd5: {  	[sflag:s19] =	ssyncset.done $0x0  }
0xd6: {  	[sflag:s19] =	ssyncadd.s32 $0xFFFFCE00  }
0xd7: {  	[tilespmem:s6], [sflag:$0x5] =	stream.linear.gather [spmem:s30], $0x3200, $0x38;
	[tilespmem:$0x1FF60] =	vst v63  }
0xd8: {  	_ =	swait.ge [sflag:s7], $0x3200  }
0xd9: {  	[sflag:s7] =	ssyncset.done $0x0  }
0xda: {  	s23 =	rddreg [dreg:$0x9];
	[sflag:s7] =	ssyncadd.s32 $0xFFFFCE00  }
0xdb: {  	[hbm4b:s23+s2] =	stream.linear.scatter [tilespmem:s6], [sflag:$0x1], $0x3200, $0x38;
	[tilespmem:$0x1FF60] =	vst v63  }
0xdc: {  	_ = 	snop  }
0xdd: {  	[tilespmem:s15], [sflag:$0x5] =	stream.linear.gather [spmem:s31], $0x3200, $0x38;
	[tilespmem:$0x1FF60] =	vst v63  }
0xde: {  	_ =	swait.ge [sflag:s7], $0x3200  }
0xdf: {  	[sflag:s7] =	ssyncset.done $0x0  }
0xe0: {  	s25 =	rddreg [dreg:$0xa];
	[sflag:s7] =	ssyncadd.s32 $0xFFFFCE00  }
0xe1: {  	[hbm4b:s25+s2] =	stream.linear.scatter [tilespmem:s15], [sflag:$0x2], $0x3200, $0x38;
	[tilespmem:$0x1FF60] =	vst v63  }
0xe2: {  	_ =	swait.ge [sflag:s16], $0x3200  }
0xe3: {  	[sflag:s16] =	ssyncset.done $0x0  }
0xe4: {  	[sflag:s16] =	ssyncadd.s32 $0xFFFFCE00  }
0xe5: {  	_ =	swait.ge [sflag:s19], $0x3200  }
0xe6: {  	s22 =	sadd.s32 $0x1, s22;
	s26 =	rddreg [dreg:$0xe]  }
0xe7: {  	p0 =	sne.s32 s22, s26  }
.Ltmp2:
0xe8: {  	_ = 	snop;
	(pc) =	sbr.rel @p0 .LBB2_1-.Ltmp2, $3  }
0xe9: {  	_ =	sdelay $0x1  }
0xea: {  	[sflag:s19] =	ssyncset.done $0x0  }
0xeb: {  	[sflag:s19] =	ssyncadd.s32 $0xFFFFCE00  }
0xec: {  	_ =	sfence.sel $0x180000  }
0xed: {  	[bflag:$0x0] =	sbarrier.arrive $0xFFFF  }
0xee: {  	_ =	strace $0x9000004D  }
0xef: {  	s0 =	stileid.u32;
	[bflag:$0x2] =	sbarrier.arrive $0xFFFF  }
0xf0: {  	p0 =	sne.s32 s0, $0x0;
	s0 =	rddreg [dreg:$0x2]  }
0xf1: {  	s0 =	sadd.s32 @!p0 $0x100000, s0  }
0xf2: {  	[sflag:s0] =	ssyncadd.tile.s32 @!p0 $0x1;
	_ =	shalt  }
.Lfunc_end2:
_tile_overlayer_lowered:
.L_overlay_start_2:
0xf3: {  	(tag) =	ssettag $0x2  }
0xf4: {  	s0 =	rddreg [dreg:$0x0];
	s2 =	stileid.u32  }
0xf5: {  	s1 =	rddreg [dreg:$0x1];
	p0 =	sne.s32 s2, $0x0  }
0xf6: {  	s3 =	rddreg [dreg:$0x2];
	[bflag:$0x3] =	sbarrier.arrive $0xFFFF;
	s2 =	simm.s32 @!p0 $0x1C05  }
0xf7: {  	[timem:s3], [sflag:s2] =	dma.local @!p0 [hbm:s0], s1  }
0xf8: {  	s0 =	simm.s32 @!p0 $0x5  }
0xf9: {  	_ =	swait.ge @!p0 [sflag:s0], s1  }
0xfa: {  	s1 =	ssub.s32 @!p0 $0x0, s1;
	[sflag:s0] =	ssyncset.done @!p0 $0x0  }
0xfb: {  	[sflag:s0] =	ssyncadd.s32 @!p0 s1  }
0xfc: {  	[bflag:$0x3] =	sbarrier.arrive $0xFFFF  }
0xfd: {  	_ =	shalt  }

// kernel: kernel.8.cloned.1.call-start
scs
__scs_entry_jumppad:
0x0: {  	(pc) =	sbr.rel $0x88, $3  }
0x1: {  	(tag) =	ssettag $0x0;
	lr =	simm.s32 $0x1  }
0x2: {  	[smem:$0x3F95] =	sst lr;
	_ =	strace $0xD0000000  }
0x3: {  	_ = 	snop  }
0x4: {  	_ = 	snop  }
0x5: {  	_ = 	snop  }
0x6: {  	_ = 	snop  }
0x7: {  	_ = 	snop  }
__scs_overlays_trampoline_lowered:
0x8: {  	[smem:$0x3FA4] =	sst s0  }
0x9: {  	[smem:$0x3FA5] =	sst s1  }
0xa: {  	[smem:$0x3FA6] =	sst s2  }
0xb: {  	[smem:$0x3FA7] =	sst s3  }
0xc: {  	[smem:$0x3FA8] =	sst s4  }
0xd: {  	[smem:$0x3FA9] =	sst s5  }
0xe: {  	[smem:$0x3FAA] =	sst s6  }
0xf: {  	[smem:$0x3FAB] =	sst s7  }
0x10: {  	[smem:$0x3FAC] =	sst s8  }
0x11: {  	[smem:$0x3FAD] =	sst s9;
	s0 =	simm.s32 @!p0 $0x0  }
0x12: {  	s1 =	sld [smem:$0x3F93];
	s0 =	simm.s32 @p0 $0x1  }
0x13: {  	[smem:$0x3FAE] =	sst s0;
	s0 =	simm.s32 @!p1 $0x0  }
0x14: {  	s2 =	sld [smem:$0x3F92];
	s0 =	simm.s32 @p1 $0x1  }
0x15: {  	[smem:$0x3FAF] =	sst s0;
	s0 =	simm.s32 @!p2 $0x0  }
0x16: {  	s3 =	sld [smem:$0x3FDB];
	s0 =	simm.s32 @p2 $0x1  }
0x17: {  	s4 =	simm.s32 $0x1BF5;
	[smem:$0x3FB1] =	sst s0  }
0x18: {  	s0 =	sld [smem:$0x3F94];
	_ =	swait.ge [sflag:s4], $0x0  }
0x19: {  	s7 =	sld [smem:$0x3F95]  }
0x1a: {  	s8 =	sadd.s32 $0xFFFFE003, lr  }
0x1b: {  	s9 =	sadd.s32 $0xFFFFFEF7, lr;
	s5 =	simm.s32 $0xFFFFFFFF;
	p2 =	slt.u32 s8, $0xFFFFF086  }
0x1c: {  	p1 =	slt.u32 s9, $0xF7A;
	s5 =	simm.s32 @!p2 $0x0  }
0x1d: {  	s5 =	simm.s32 @p1 $0x1;
	p0 =	seq.s32 s7, s2  }
0x1e: {  	s7 =	smul.u32 @!p0 $0xF7A, s2;
	p2 =	seq.s32 @!p0 s5, $0x0  }
0x1f: {  	s9 =	smul.u32 $0xF7A, s1;
	s8 =	simm.s32 @!p0 $0x1BF5;
	p2 =	por !p2, p0  }
0x20: {  	[sflag:s8] =	ssyncset.s32 @!p0 $0xFFFFF086;
	s6 =	sadd.s32 @!p0 s3, s7;
	s7 =	simm.s32 @!p0 $0x108  }
0x21: {  	s3 =	sadd.s32 s3, s9;
	s6 =	sadd.s32 @!p0 $0x88, s6;
	s7 =	simm.s32 @p2 $0x1082  }
0x22: {  	[simem:s7], [sflag:s8] =	dma.local @!p0 [hbm:s6], $0xF7A  }
0x23: {  	s9 =	sor.u32 $0xD0000000, s2;
	s6 =	simm.s32 $0x108;
	_ =	swait.ge @!p0 [sflag:s8], $0x0  }
0x24: {  	s3 =	sadd.s32 $0x88, s3;
	s6 =	simm.s32 @!p1 $0x1082;
	[sflag:s4] =	ssyncset.s32 $0xFFFFF086  }
0x25: {  	[simem:s6], [sflag:s4] =	dma.local [hbm:s3], $0xF7A  }
0x26: {  	[smem:$0x3F95] =	sst s1;
	(tag) =	ssettag s2;
	_ =	strace s9  }
0x27: {  	s1 =	sld [smem:$0x3FA5]  }
0x28: {  	s2 =	sld [smem:$0x3FA6]  }
0x29: {  	s4 =	sld [smem:$0x3FA8]  }
0x2a: {  	p0 =	seq.s32 s5, $0x0;
	s5 =	sld [smem:$0x3FA9]  }
0x2b: {  	s6 =	sld [smem:$0x3FAA]  }
0x2c: {  	s7 =	sld [smem:$0x3FAB]  }
0x2d: {  	s3 =	simm.s32 $0x108;
	s8 =	sld [smem:$0x3FAC]  }
0x2e: {  	s3 =	simm.s32 @!p0 $0x1082;
	s9 =	sld [smem:$0x3FAD]  }
0x2f: {  	lr =	sadd.s32 s0, s3;
	s0 =	sld [smem:$0x3FA4]  }
0x30: {  	s3 =	sld [smem:$0x3FA7]  }
0x31: {  	[smem:$0x3FB0] =	sst s10  }
0x32: {  	s10 =	sld [smem:$0x3FAE];
	_ =	sdelay $0x3  }
0x33: {  	p0 =	seq.s32 s10, $0x1;
	s10 =	sld [smem:$0x3FB0];
	_ =	sdelay $0x3  }
0x34: {  	[smem:$0x3FB0] =	sst s10  }
0x35: {  	s10 =	sld [smem:$0x3FAF];
	_ =	sdelay $0x3  }
0x36: {  	p1 =	seq.s32 s10, $0x1;
	s10 =	sld [smem:$0x3FB0];
	_ =	sdelay $0x3  }
0x37: {  	[smem:$0x3FB0] =	sst s10  }
0x38: {  	s10 =	sld [smem:$0x3FB1]  }
0x39: {  	_ = 	snop;
	(pc) =	sbr.ind lr, $3  }
0x3a: {  	_ = 	snop  }
0x3b: {  	_ = 	snop  }
0x3c: {  	p2 =	seq.s32 s10, $0x1;
	s10 =	sld [smem:$0x3FB0]  }
0x3d: {  	_ =	shalt  }
0x3e: {  	_ =	shalt  }
0x3f: {  	_ =	shalt  }
0x40: {  	_ =	shalt  }
0x41: {  	_ =	shalt  }
0x42: {  	_ =	shalt  }
0x43: {  	_ =	shalt  }
0x44: {  	_ =	shalt  }
0x45: {  	_ =	shalt  }
0x46: {  	_ =	shalt  }
0x47: {  	_ =	shalt  }
0x48: {  	_ =	shalt  }
0x49: {  	_ =	shalt  }
0x4a: {  	_ =	shalt  }
0x4b: {  	_ =	shalt  }
0x4c: {  	_ =	shalt  }
0x4d: {  	_ =	shalt  }
0x4e: {  	_ =	shalt  }
0x4f: {  	_ =	shalt  }
0x50: {  	_ =	shalt  }
0x51: {  	_ =	shalt  }
0x52: {  	_ =	shalt  }
0x53: {  	_ =	shalt  }
0x54: {  	_ =	shalt  }
0x55: {  	_ =	shalt  }
0x56: {  	_ =	shalt  }
0x57: {  	_ =	shalt  }
0x58: {  	_ =	shalt  }
0x59: {  	_ =	shalt  }
0x5a: {  	_ =	shalt  }
0x5b: {  	_ =	shalt  }
0x5c: {  	_ =	shalt  }
0x5d: {  	_ =	shalt  }
0x5e: {  	_ =	shalt  }
0x5f: {  	_ =	shalt  }
0x60: {  	_ =	shalt  }
0x61: {  	_ =	shalt  }
0x62: {  	_ =	shalt  }
0x63: {  	_ =	shalt  }
0x64: {  	_ =	shalt  }
0x65: {  	_ =	shalt  }
0x66: {  	_ =	shalt  }
0x67: {  	_ =	shalt  }
0x68: {  	_ =	shalt  }
0x69: {  	_ =	shalt  }
0x6a: {  	_ =	shalt  }
0x6b: {  	_ =	shalt  }
0x6c: {  	_ =	shalt  }
0x6d: {  	_ =	shalt  }
0x6e: {  	_ =	shalt  }
0x6f: {  	_ =	shalt  }
0x70: {  	_ =	shalt  }
0x71: {  	_ =	shalt  }
0x72: {  	_ =	shalt  }
0x73: {  	_ =	shalt  }
0x74: {  	_ =	shalt  }
0x75: {  	_ =	shalt  }
0x76: {  	_ =	shalt  }
0x77: {  	_ =	shalt  }
0x78: {  	_ =	shalt  }
0x79: {  	_ =	shalt  }
0x7a: {  	_ =	shalt  }
0x7b: {  	_ =	shalt  }
0x7c: {  	_ =	shalt  }
0x7d: {  	_ =	shalt  }
0x7e: {  	_ =	shalt  }
0x7f: {  	_ =	shalt  }
0x80: {  	_ =	shalt  }
0x81: {  	_ =	shalt  }
0x82: {  	_ =	shalt  }
0x83: {  	_ =	shalt  }
0x84: {  	_ =	shalt  }
0x85: {  	_ =	shalt  }
0x86: {  	_ =	shalt  }
0x87: {  	_ =	shalt  }
.Lfunc_end0:
.L_simem_size_0:
called_computation_lowered:
.L_overlay_start_0:
0x88: {  	s2 =	sld [smem:$0x3FD9]  }
0x89: {  	s3 =	sld [smem:$0x3FFE];
	_ =	sdelay $0x1  }
0x8a: {  	s1 =	srdreg.scid  }
0x8b: {  	s0 =	sand.u32 $0x1, s1  }
0x8c: {  	s16 =	sshll.u32 s0, $0xA;
	s2 =	sadd.s32 s3, s2  }
0x8d: {  	s2 =	sadd.s32 s2, s16  }
0x8e: {  	[smem:$0x3FBC] =	sst s2  }
0x8f: {  	_ = 	snop  }
0x90: {  	(tm) =	ssettm $0x1  }
0x91: {  	s17 =	sld [smem:$0x3FFB];
	_ =	sdelay $0x3  }
0x92: {  	_ =	strace s17  }
0x93: {  	s2 =	sld [smem:$0x3FFC];
	_ =	sdelay $0x3  }
0x94: {  	_ =	strace s2  }
0x95: {  	s2 =	sld [smem:$0x3FFD];
	_ =	sdelay $0x3  }
0x96: {  	_ =	strace s2  }
0x97: {  	_ =	strace $0x8FFFFFFF  }
0x98: {  	s18 =	sld [smem:$0x3FDB];
	_ =	sdelay $0x1  }
0x99: {  	s19 =	simm.s32 $_scs_section_size  }
0x9a: {  	s4 =	simm.s32 $_size__tile_overlayer_lowered;
	s5 =	simm.s32 $_tile_overlayer_lowered  }
0x9b: {  	s22 =	simm.s32 $0x1BFF;
	s21 =	sshll.u32 s5, $0x1;
	s2 =	sadd.s32 s19, s18  }
0x9c: {  	s6 =	simm.s32 $0x0;
	s20 =	sshll.u32 s4, $0x1;
	s4 =	sadd.s32 s21, s2  }
0x9d: {  	[timem:s6], [sflag:s22] =	dma.local [hbm:s4], s20  }
0x9e: {  	_ =	swait.ge [sflag:s22], s20  }
0x9f: {  	s3 =	ssub.s32 $0x0, s20;
	[sflag:s22] =	ssyncset.done $0x0  }
0xa0: {  	[sflag:s22] =	ssyncadd.s32 s3;
	_ =	sdelay $0x1  }
0xa1: {  	s23 =	simm.s32 $0x1B8B  }
0xa2: {  	_ =	swait.ge [sflag:s23], $0x1  }
0xa3: {  	[sflag:s23] =	ssyncset.done $0x0  }
0xa4: {  	s25 =	simm.s32 $0x1B8E;
	s24 =	sld [smem:$0x3FFE];
	[sflag:s23] =	ssyncadd.s32 $0xFFFFFFFF  }
0xa5: {  	s26 =	simm.s32 $execute0_lowered;
	[smem:$0x3FD2] =	sst s25  }
0xa6: {  	s4 =	sshll.u32 s26, $0x1;
	_ =	strace $0x80000046;
	[dreg:$0x1] =	wrdreg $0xFFFFFFFF  }
0xa7: {  	s28 =	simm.s32 $_size_execute0_lowered;
	s2 =	sadd.s32 s2, s4;
	[dreg:$0x0] =	wrdreg $0x0  }
0xa8: {  	s4 =	sshll.u32 s28, $0x1;
	[dreg:$0x2] =	wrdreg s2  }
0xa9: {  	[dreg:$0x3] =	wrdreg s4  }
0xaa: {  	[dreg:$0x4] =	wrdreg $0xC0  }
0xab: {  	_ =	task [dreg:s6], $0x5FFFF  }
0xac: {  	[dreg:$0x1] =	wrdreg $0xFFFFFFFF  }
0xad: {  	[dreg:$0x0] =	wrdreg $0x60  }
0xae: {  	[dreg:$0x2] =	wrdreg s24  }
0xaf: {  	[dreg:$0x3] =	wrdreg $0x50F00  }
0xb0: {  	[dreg:$0x4] =	wrdreg $0x53700  }
0xb1: {  	[dreg:$0x5] =	wrdreg $0x9  }
0xb2: {  	_ =	task.clear_ibuf [dreg:s6], $0x6FFFF;
	_ =	strace $0x90000046  }
0xb3: {  	s29 =	simm.s32 $0x9;
	_ =	strace $0x80000048  }
0xb4: {  	_ =	swait.ge [sflag:s29], $0x1  }
0xb5: {  	[sflag:s29] =	ssyncadd.s32 $0xFFFFFFFF  }
0xb6: {  	_ =	strace $0x90000048  }
0xb7: {  	_ =	sfence  }
0xb8: {  	s30 =	sld [smem:$0x0];
	_ =	sdelay $0x2  }
0xb9: {  	s31 =	sshll.u32 s1, $0xD;
	s1 =	sshrl.u32 s1, $0x2  }
0xba: {  	s3 =	sand.u32 $0x4000, s31;
	s1 =	sadd.s32 s1, s30  }
0xbb: {  	s0 =	sor.u32 s3, s0;
	s1 =	sshll.u32 s1, $0x11  }
0xbc: {  	s0 =	sor.u32 s1, s0  }
0xbd: {  	s0 =	sadd.s32 $0x8F2B, s0  }
0xbe: {  	[sflag:s0] =	ssyncadd.remote.s32 $0x1  }
0xbf: {  	_ =	sfence.sel $0xFFFF  }
0xc0: {  	[dreg:$0x0] =	wrdreg $0xFFFFFFFF;
	(pc) =	sbr.abs _section_cstart, $3  }
0xc1: {  	[dreg:$0x1] =	wrdreg $0xFFFFFFFF  }
0xc2: {  	_ =	task.clear_ibuf [dreg:s6], $0x2FFFF;
	_ =	strace $0x9FFFFFFF  }
0xc3: {  	(tm) =	ssettm $0x7FFFFFFF  }
tec
execute0_lowered:
.L_overlay_start_1:
0x0: {  	(tag) =	ssettag $0x1  }
0x1: {  	s5 =	rddreg [dreg:$0x0]  }
0x2: {  	s2 =	rddreg [dreg:$0x1]  }
0x3: {  	s3 =	rddreg [dreg:$0x2]  }
0x4: {  	s0 =	rddreg [dreg:$0x3];
	s4 =	srdreg.scid  }
0x5: {  	s1 =	stileid.u32;
	s11 =	simm.s32 $0x3;
	s12 =	simm.s32 $0x4E70  }
0x6: {  	s13 =	simm.s32 $0x50;
	s14 =	simm.s32 $0x4E20;
	s15 =	simm.s32 $0x1  }
0x7: {  	s16 =	simm.s32 $0x2;
	s17 =	simm.s32 $0x0;
	s6 =	sand.u32 $0x1, s4  }
0x8: {  	s7 =	sshll.u32 s1, $0x1;
	s8 =	smul.u32 $0x280, s1;
	s4 =	simm.s32 $0x0  }
0x9: {  	s7 =	sor.u32 s6, s7;
	s9 =	smul.u32 $0x5000, s6;
	s6 =	ssub.s32 $0x2, s6  }
0xa: {  	[smem:$0x7FF] =	sst s4;
	s7 =	smul.u32 $0x9C4, s7;
	s10 =	sshrl.u32 s6, $0x1  }
0xb: {  	_ =	strace $0x80000047;
	s9 =	sadd.s32 s8, s9;
	s10 =	ssub.s32 s6, s10  }
0xc: {  	s6 =	sadd.s32 s8, s2;
	s7 =	sadd.s32 s7, s5;
	s9 =	sshrl.u32 s9, $0x3  }
0xd: {  	s10 =	smax.u32 s10, $0x1;
	s9 =	sadd.s32 s9, s5;
	s5 =	sadd.s32 $0x2400, s7  }
0xe: {  	v0 =	vimm.f32 $1.000000000e+00;
	v1 =	vimm.f32 $0.0e+00;
	s7 =	sadd.s32 s8, s3;
	s8 =	sadd.s32 $0x15E00, s9;
	s9 =	sadd.s32 $0x16300, s9  }
.LBB2_1:
0xf: {  	[tilespmem:s4], [sflag:$0x3] =	stream.linear.gather [hbm4b:s5+s4], $0x4E20, $0x38;
	[tilespmem:$0x55F0] =	vst v63  }
0x10: {  	_ =	swait.ge [sflag:s11], $0x4E20  }
0x11: {  	[sflag:s11] =	ssyncset.done $0x0  }
0x12: {  	[sflag:s11] =	ssyncadd.s32 $0xFFFFB1E0  }
0x13: {  	[tilespmem:$0x4E20] =	vst v0  }
0x14: {  	[tilespmem:$0x4E30] =	vst v0  }
0x15: {  	[tilespmem:$0x4E40] =	vst v0  }
0x16: {  	[tilespmem:$0x4E50] =	vst v0  }
0x17: {  	[tilespmem:$0x4E60] =	vst v0  }
0x18: {  	[tilespmem:$0x4E70] =	vst v1  }
0x19: {  	[tilespmem:$0x4E80] =	vst v1  }
0x1a: {  	[tilespmem:$0x4E90] =	vst v1  }
0x1b: {  	[tilespmem:$0x4EA0] =	vst v1  }
0x1c: {  	[tilespmem:$0x4EB0] =	vst v1  }
0x1d: {  	[tilespmem:$0x4EC0] =	vst v1  }
0x1e: {  	[tilespmem:$0x4ED0] =	vst v1  }
0x1f: {  	[tilespmem:$0x4EE0] =	vst v1  }
0x20: {  	[tilespmem:$0x4EF0] =	vst v1  }
0x21: {  	[tilespmem:$0x4F00] =	vst v1  }
0x22: {  	[tilespmem:$0x4F10] =	vst v1  }
0x23: {  	[tilespmem:$0x4F20] =	vst v1  }
0x24: {  	[tilespmem:$0x4F30] =	vst v1  }
0x25: {  	[tilespmem:$0x4F40] =	vst v1  }
0x26: {  	[tilespmem:$0x4F50] =	vst v1  }
0x27: {  	[tilespmem:$0x4F60] =	vst v1  }
0x28: {  	[tilespmem:$0x4F70] =	vst v1  }
0x29: {  	[tilespmem:$0x4F80] =	vst v1  }
0x2a: {  	[tilespmem:$0x4F90] =	vst v1  }
0x2b: {  	[tilespmem:$0x4FA0] =	vst v1  }
0x2c: {  	[tilespmem:$0x4FB0] =	vst v1  }
0x2d: {  	[tilespmem:$0x4FC0] =	vst v1  }
0x2e: {  	[tilespmem:$0x4FD0] =	vst v1  }
0x2f: {  	[tilespmem:$0x4FE0] =	vst v1  }
0x30: {  	[tilespmem:$0x4FF0] =	vst v1  }
0x31: {  	[tilespmem:$0x5000] =	vst v1  }
0x32: {  	[tilespmem:$0x5010] =	vst v1  }
0x33: {  	[tilespmem:$0x5020] =	vst v1  }
0x34: {  	[tilespmem:$0x5030] =	vst v1  }
0x35: {  	[tilespmem:$0x5040] =	vst v1  }
0x36: {  	[tilespmem:$0x5050] =	vst v1  }
0x37: {  	[tilespmem:$0x5060] =	vst v1  }
0x38: {  	[tilespmem:$0x5070] =	vst v1  }
0x39: {  	[tilespmem:$0x5080] =	vst v1  }
0x3a: {  	[tilespmem:$0x5090] =	vst v1  }
0x3b: {  	[tilespmem:$0x50A0] =	vst v1  }
0x3c: {  	[tilespmem:$0x50B0] =	vst v1  }
0x3d: {  	[tilespmem:$0x50C0] =	vst v1  }
0x3e: {  	[tilespmem:$0x50D0] =	vst v1  }
0x3f: {  	[tilespmem:$0x50E0] =	vst v1  }
0x40: {  	[spmem:s6] =	stream.linear.scatter [tilespmem:s12], [sflag:$0x3], $0x280, $0x38;
	[tilespmem:$0x55F0] =	vst v63  }
0x41: {  	_ =	swait.ge [sflag:s11], $0x280  }
0x42: {  	[sflag:s11] =	ssyncset.done $0x0  }
0x43: {  	[sflag:s11] =	ssyncadd.s32 $0xFFFFFD80  }
0x44: {  	[spmem:s7] =	stream.linear.scatter [tilespmem:s12], [sflag:$0x3], $0x280, $0x38;
	[tilespmem:$0x55F0] =	vst v63  }
0x45: {  	_ =	swait.ge [sflag:s11], $0x280  }
0x46: {  	[sflag:s11] =	ssyncset.done $0x0  }
0x47: {  	[sflag:s11] =	ssyncadd.s32 $0xFFFFFD80  }
0x48: {  	s18 =	simm.s32 $0x0;
	[bflag:$0x0] =	sbarrier.arrive $0xFFFF  }
0x49: {  	[spmem:s2] =	stream.indirect.scatter.add.f32 [tilespmem:s14], [sflag:$0x1], $0x1, s18, s13, $0xb8;
	[tilespmem:$0x55F0] =	vst v63  }
0x4a: {  	s22 =	simm.s32 $0x50  }
0x4b: {  	[spmem:s3] =	stream.indirect.scatter.add.f32 [tilespmem:s14], [sflag:$0x2], $0x1, s22, s13, $0xb8;
	[tilespmem:$0x55F0] =	vst v63  }
0x4c: {  	s23 =	simm.s32 $0xA0  }
0x4d: {  	[spmem:s2] =	stream.indirect.scatter.add.f32 [tilespmem:s14], [sflag:$0x1], $0x1, s23, s13, $0xb8;
	[tilespmem:$0x55F0] =	vst v63  }
0x4e: {  	s24 =	simm.s32 $0xF0  }
0x4f: {  	[spmem:s3] =	stream.indirect.scatter.add.f32 [tilespmem:s14], [sflag:$0x2], $0x1, s24, s13, $0xb8;
	[tilespmem:$0x55F0] =	vst v63  }
0x50: {  	s25 =	simm.s32 $0x140  }
0x51: {  	[spmem:s2] =	stream.indirect.scatter.add.f32 [tilespmem:s14], [sflag:$0x1], $0x1, s25, s13, $0xb8;
	[tilespmem:$0x55F0] =	vst v63  }
0x52: {  	s26 =	simm.s32 $0x190  }
0x53: {  	[spmem:s3] =	stream.indirect.scatter.add.f32 [tilespmem:s14], [sflag:$0x2], $0x1, s26, s13, $0xb8;
	[tilespmem:$0x55F0] =	vst v63  }
0x54: {  	s28 =	simm.s32 $0x1E0  }
0x55: {  	[spmem:s2] =	stream.indirect.scatter.add.f32 [tilespmem:s14], [sflag:$0x1], $0x1, s28, s13, $0xb8;
	[tilespmem:$0x55F0] =	vst v63  }
0x56: {  	s29 =	simm.s32 $0x230  }
0x57: {  	[spmem:s3] =	stream.indirect.scatter.add.f32 [tilespmem:s14], [sflag:$0x2], $0x1, s29, s13, $0xb8;
	[tilespmem:$0x55F0] =	vst v63  }
0x58: {  	s30 =	simm.s32 $0x280  }
0x59: {  	[spmem:s2] =	stream.indirect.scatter.add.f32 [tilespmem:s14], [sflag:$0x1], $0x1, s30, s13, $0xb8;
	[tilespmem:$0x55F0] =	vst v63  }
0x5a: {  	s31 =	simm.s32 $0x2D0  }
0x5b: {  	[spmem:s3] =	stream.indirect.scatter.add.f32 [tilespmem:s14], [sflag:$0x2], $0x1, s31, s13, $0xb8;
	[tilespmem:$0x55F0] =	vst v63  }
0x5c: {  	_ =	swait.ge [sflag:s15], $0x50  }
0x5d: {  	[sflag:s15] =	ssyncset.done $0x0  }
0x5e: {  	[sflag:s15] =	ssyncadd.s32 $0xFFFFFFB0  }
0x5f: {  	_ =	swait.ge [sflag:s16], $0x50  }
0x60: {  	[sflag:s16] =	ssyncset.done $0x0  }
0x61: {  	[sflag:s16] =	ssyncadd.s32 $0xFFFFFFB0  }
0x62: {  	_ =	swait.ge [sflag:s15], $0x50  }
0x63: {  	[sflag:s15] =	ssyncset.done $0x0  }
0x64: {  	[sflag:s15] =	ssyncadd.s32 $0xFFFFFFB0  }
0x65: {  	_ =	swait.ge [sflag:s16], $0x50  }
0x66: {  	[sflag:s16] =	ssyncset.done $0x0  }
0x67: {  	[sflag:s16] =	ssyncadd.s32 $0xFFFFFFB0  }
0x68: {  	_ =	swait.ge [sflag:s15], $0x50  }
0x69: {  	[sflag:s15] =	ssyncset.done $0x0  }
0x6a: {  	[sflag:s15] =	ssyncadd.s32 $0xFFFFFFB0  }
0x6b: {  	_ =	swait.ge [sflag:s16], $0x50  }
0x6c: {  	[sflag:s16] =	ssyncset.done $0x0  }
0x6d: {  	[sflag:s16] =	ssyncadd.s32 $0xFFFFFFB0  }
0x6e: {  	_ =	swait.ge [sflag:s15], $0x50  }
0x6f: {  	[sflag:s15] =	ssyncset.done $0x0  }
0x70: {  	[sflag:s15] =	ssyncadd.s32 $0xFFFFFFB0  }
0x71: {  	_ =	swait.ge [sflag:s16], $0x50  }
0x72: {  	[sflag:s16] =	ssyncset.done $0x0  }
0x73: {  	[sflag:s16] =	ssyncadd.s32 $0xFFFFFFB0  }
0x74: {  	_ =	swait.ge [sflag:s15], $0x50  }
0x75: {  	[sflag:s15] =	ssyncset.done $0x0  }
0x76: {  	[sflag:s15] =	ssyncadd.s32 $0xFFFFFFB0  }
0x77: {  	_ =	swait.ge [sflag:s16], $0x50  }
0x78: {  	s20 =	simm.s32 $0x1900;
	s18 =	simm.s32 $0xC80;
	[sflag:s16] =	ssyncset.done $0x0  }
.LBB2_2:
0x79: {  	s21 =	sshra.s32 s18, $0x2  }
0x7a: {  	[sflag:s16] =	ssyncadd.s32 $0xFFFFFFB0;
	s18 =	smov.u32 s20;
	s19 =	sadd.s32 $0xC80, s20  }
0x7b: {  	[spmem:s2] =	stream.indirect.scatter.add.f32 [tilespmem:s14], [sflag:$0x1], $0x1, s21, s13, $0xb8;
	[tilespmem:$0x55F0] =	vst v63  }
0x7c: {  	p0 =	sne.s32 s20, $0x12C00;
	s20 =	sadd.s32 $0x50, s21  }
0x7d: {  	[spmem:s3] =	stream.indirect.scatter.add.f32 [tilespmem:s14], [sflag:$0x2], $0x1, s20, s13, $0xb8;
	[tilespmem:$0x55F0] =	vst v63  }
0x7e: {  	s20 =	sadd.s32 $0xA0, s21  }
0x7f: {  	[spmem:s2] =	stream.indirect.scatter.add.f32 [tilespmem:s14], [sflag:$0x1], $0x1, s20, s13, $0xb8;
	[tilespmem:$0x55F0] =	vst v63  }
0x80: {  	s20 =	sadd.s32 $0xF0, s21  }
0x81: {  	[spmem:s3] =	stream.indirect.scatter.add.f32 [tilespmem:s14], [sflag:$0x2], $0x1, s20, s13, $0xb8;
	[tilespmem:$0x55F0] =	vst v63  }
0x82: {  	s20 =	sadd.s32 $0x140, s21  }
0x83: {  	[spmem:s2] =	stream.indirect.scatter.add.f32 [tilespmem:s14], [sflag:$0x1], $0x1, s20, s13, $0xb8;
	[tilespmem:$0x55F0] =	vst v63  }
0x84: {  	s20 =	sadd.s32 $0x190, s21  }
0x85: {  	[spmem:s3] =	stream.indirect.scatter.add.f32 [tilespmem:s14], [sflag:$0x2], $0x1, s20, s13, $0xb8;
	[tilespmem:$0x55F0] =	vst v63  }
0x86: {  	s20 =	sadd.s32 $0x1E0, s21  }
0x87: {  	[spmem:s2] =	stream.indirect.scatter.add.f32 [tilespmem:s14], [sflag:$0x1], $0x1, s20, s13, $0xb8;
	[tilespmem:$0x55F0] =	vst v63  }
0x88: {  	s20 =	sadd.s32 $0x230, s21  }
0x89: {  	[spmem:s3] =	stream.indirect.scatter.add.f32 [tilespmem:s14], [sflag:$0x2], $0x1, s20, s13, $0xb8;
	[tilespmem:$0x55F0] =	vst v63  }
0x8a: {  	s20 =	sadd.s32 $0x280, s21  }
0x8b: {  	[spmem:s2] =	stream.indirect.scatter.add.f32 [tilespmem:s14], [sflag:$0x1], $0x1, s20, s13, $0xb8;
	[tilespmem:$0x55F0] =	vst v63  }
0x8c: {  	s20 =	sadd.s32 $0x2D0, s21  }
0x8d: {  	[spmem:s3] =	stream.indirect.scatter.add.f32 [tilespmem:s14], [sflag:$0x2], $0x1, s20, s13, $0xb8;
	[tilespmem:$0x55F0] =	vst v63  }
0x8e: {  	_ =	swait.ge [sflag:s15], $0x50  }
0x8f: {  	[sflag:s15] =	ssyncset.done $0x0  }
0x90: {  	[sflag:s15] =	ssyncadd.s32 $0xFFFFFFB0  }
0x91: {  	_ =	swait.ge [sflag:s16], $0x50  }
0x92: {  	[sflag:s16] =	ssyncset.done $0x0  }
0x93: {  	[sflag:s16] =	ssyncadd.s32 $0xFFFFFFB0  }
0x94: {  	_ =	swait.ge [sflag:s15], $0x50  }
0x95: {  	[sflag:s15] =	ssyncset.done $0x0  }
0x96: {  	[sflag:s15] =	ssyncadd.s32 $0xFFFFFFB0  }
0x97: {  	_ =	swait.ge [sflag:s16], $0x50  }
0x98: {  	[sflag:s16] =	ssyncset.done $0x0  }
0x99: {  	[sflag:s16] =	ssyncadd.s32 $0xFFFFFFB0  }
0x9a: {  	_ =	swait.ge [sflag:s15], $0x50  }
0x9b: {  	[sflag:s15] =	ssyncset.done $0x0  }
0x9c: {  	[sflag:s15] =	ssyncadd.s32 $0xFFFFFFB0  }
0x9d: {  	_ =	swait.ge [sflag:s16], $0x50  }
0x9e: {  	[sflag:s16] =	ssyncset.done $0x0  }
0x9f: {  	[sflag:s16] =	ssyncadd.s32 $0xFFFFFFB0  }
0xa0: {  	_ =	swait.ge [sflag:s15], $0x50  }
0xa1: {  	[sflag:s15] =	ssyncset.done $0x0  }
0xa2: {  	[sflag:s15] =	ssyncadd.s32 $0xFFFFFFB0  }
0xa3: {  	_ =	swait.ge [sflag:s16], $0x50  }
0xa4: {  	[sflag:s16] =	ssyncset.done $0x0  }
0xa5: {  	[sflag:s16] =	ssyncadd.s32 $0xFFFFFFB0  }
.Ltmp0:
0xa6: {  	_ =	swait.ge [sflag:s15], $0x50;
	(pc) =	sbr.rel @p0 .LBB2_2-.Ltmp0, $4  }
0xa7: {  	[sflag:s15] =	ssyncset.done $0x0  }
0xa8: {  	[sflag:s15] =	ssyncadd.s32 $0xFFFFFFB0  }
0xa9: {  	_ =	swait.ge [sflag:s16], $0x50  }
0xaa: {  	s20 =	smov.u32 s19;
	[sflag:s16] =	ssyncset.done $0x0  }
0xab: {  	s18 =	sshra.s32 s18, $0x2;
	[sflag:s16] =	ssyncadd.s32 $0xFFFFFFB0  }
0xac: {  	[spmem:s2] =	stream.indirect.scatter.add.f32 [tilespmem:s14], [sflag:$0x1], $0x1, s18, s13, $0xb8;
	[tilespmem:$0x55F0] =	vst v63  }
0xad: {  	s19 =	sadd.s32 $0x50, s18  }
0xae: {  	[spmem:s3] =	stream.indirect.scatter.add.f32 [tilespmem:s14], [sflag:$0x2], $0x1, s19, s13, $0xb8;
	[tilespmem:$0x55F0] =	vst v63  }
0xaf: {  	s24 =	sadd.s32 $0xA0, s18  }
0xb0: {  	[spmem:s2] =	stream.indirect.scatter.add.f32 [tilespmem:s14], [sflag:$0x1], $0x1, s24, s13, $0xb8;
	[tilespmem:$0x55F0] =	vst v63  }
0xb1: {  	s25 =	sadd.s32 $0xF0, s18  }
0xb2: {  	[spmem:s3] =	stream.indirect.scatter.add.f32 [tilespmem:s14], [sflag:$0x2], $0x1, s25, s13, $0xb8;
	[tilespmem:$0x55F0] =	vst v63  }
0xb3: {  	s26 =	sadd.s32 $0x140, s18  }
0xb4: {  	[spmem:s2] =	stream.indirect.scatter.add.f32 [tilespmem:s14], [sflag:$0x1], $0x1, s26, s13, $0xb8;
	[tilespmem:$0x55F0] =	vst v63  }
0xb5: {  	s28 =	sadd.s32 $0x190, s18  }
0xb6: {  	[spmem:s3] =	stream.indirect.scatter.add.f32 [tilespmem:s14], [sflag:$0x2], $0x1, s28, s13, $0xb8;
	[tilespmem:$0x55F0] =	vst v63  }
0xb7: {  	s29 =	sadd.s32 $0x1E0, s18  }
0xb8: {  	[spmem:s2] =	stream.indirect.scatter.add.f32 [tilespmem:s14], [sflag:$0x1], $0x1, s29, s13, $0xb8;
	[tilespmem:$0x55F0] =	vst v63  }
0xb9: {  	s30 =	sadd.s32 $0x230, s18  }
0xba: {  	[spmem:s3] =	stream.indirect.scatter.add.f32 [tilespmem:s14], [sflag:$0x2], $0x1, s30, s13, $0xb8;
	[tilespmem:$0x55F0] =	vst v63  }
0xbb: {  	s31 =	sadd.s32 $0x280, s18  }
0xbc: {  	[spmem:s2] =	stream.indirect.scatter.add.f32 [tilespmem:s14], [sflag:$0x1], $0x1, s31, s13, $0xb8;
	[tilespmem:$0x55F0] =	vst v63  }
0xbd: {  	s18 =	sadd.s32 $0x2D0, s18  }
0xbe: {  	[spmem:s3] =	stream.indirect.scatter.add.f32 [tilespmem:s14], [sflag:$0x2], $0x1, s18, s13, $0xb8;
	[tilespmem:$0x55F0] =	vst v63  }
0xbf: {  	_ =	swait.ge [sflag:s15], $0x50  }
0xc0: {  	[sflag:s15] =	ssyncset.done $0x0  }
0xc1: {  	[sflag:s15] =	ssyncadd.s32 $0xFFFFFFB0  }
0xc2: {  	_ =	swait.ge [sflag:s16], $0x50  }
0xc3: {  	[sflag:s16] =	ssyncset.done $0x0  }
0xc4: {  	[sflag:s16] =	ssyncadd.s32 $0xFFFFFFB0  }
0xc5: {  	_ =	swait.ge [sflag:s15], $0x50  }
0xc6: {  	[sflag:s15] =	ssyncset.done $0x0  }
0xc7: {  	[sflag:s15] =	ssyncadd.s32 $0xFFFFFFB0  }
0xc8: {  	_ =	swait.ge [sflag:s16], $0x50  }
0xc9: {  	[sflag:s16] =	ssyncset.done $0x0  }
0xca: {  	[sflag:s16] =	ssyncadd.s32 $0xFFFFFFB0  }
0xcb: {  	_ =	swait.ge [sflag:s15], $0x50  }
0xcc: {  	[sflag:s15] =	ssyncset.done $0x0  }
0xcd: {  	[sflag:s15] =	ssyncadd.s32 $0xFFFFFFB0  }
0xce: {  	_ =	swait.ge [sflag:s16], $0x50  }
0xcf: {  	[sflag:s16] =	ssyncset.done $0x0  }
0xd0: {  	[sflag:s16] =	ssyncadd.s32 $0xFFFFFFB0  }
0xd1: {  	_ =	swait.ge [sflag:s15], $0x50  }
0xd2: {  	[sflag:s15] =	ssyncset.done $0x0  }
0xd3: {  	[sflag:s15] =	ssyncadd.s32 $0xFFFFFFB0  }
0xd4: {  	_ =	swait.ge [sflag:s16], $0x50  }
0xd5: {  	[sflag:s16] =	ssyncset.done $0x0  }
0xd6: {  	[sflag:s16] =	ssyncadd.s32 $0xFFFFFFB0  }
0xd7: {  	_ =	swait.ge [sflag:s15], $0x50  }
0xd8: {  	[sflag:s15] =	ssyncset.done $0x0  }
0xd9: {  	[sflag:s15] =	ssyncadd.s32 $0xFFFFFFB0  }
0xda: {  	_ =	swait.ge [sflag:s16], $0x50  }
0xdb: {  	[sflag:s16] =	ssyncset.done $0x0  }
0xdc: {  	[sflag:s16] =	ssyncadd.s32 $0xFFFFFFB0  }
0xdd: {  	[bflag:$0x0] =	sbarrier.arrive $0xFFFF  }
0xde: {  	[tilespmem:s12], [sflag:$0x3] =	stream.linear.gather [spmem:s6], $0x280, $0x38;
	[tilespmem:$0x55F0] =	vst v63  }
0xdf: {  	_ =	swait.ge [sflag:s11], $0x280  }
0xe0: {  	[sflag:s11] =	ssyncset.done $0x0  }
0xe1: {  	[sflag:s11] =	ssyncadd.s32 $0xFFFFFD80  }
0xe2: {  	[hbm4b:s8+s4] =	stream.linear.scatter [tilespmem:s12], [sflag:$0x3], $0x280, $0x38;
	[tilespmem:$0x55F0] =	vst v63  }
0xe3: {  	_ =	swait.ge [sflag:s11], $0x280  }
0xe4: {  	[sflag:s11] =	ssyncset.done $0x0  }
0xe5: {  	[sflag:s11] =	ssyncadd.s32 $0xFFFFFD80  }
0xe6: {  	[tilespmem:s12], [sflag:$0x3] =	stream.linear.gather [spmem:s7], $0x280, $0x38;
	[tilespmem:$0x55F0] =	vst v63  }
0xe7: {  	s17 =	sadd.s32 $0x1, s17;
	_ =	swait.ge [sflag:s11], $0x280  }
0xe8: {  	p0 =	sne.s32 s17, s10;
	[sflag:s11] =	ssyncset.done $0x0  }
.Ltmp1:
0xe9: {  	[sflag:s11] =	ssyncadd.s32 $0xFFFFFD80;
	(pc) =	sbr.rel @p0 .LBB2_1-.Ltmp1, $4  }
0xea: {  	[hbm4b:s9+s4] =	stream.linear.scatter [tilespmem:s12], [sflag:$0x3], $0x280, $0x38;
	[tilespmem:$0x55F0] =	vst v63  }
0xeb: {  	_ =	swait.ge [sflag:s11], $0x280  }
0xec: {  	[sflag:s11] =	ssyncset.done $0x0  }
0xed: {  	[sflag:s11] =	ssyncadd.s32 $0xFFFFFD80  }
0xee: {  	_ =	sfence.sel $0x180000  }
0xef: {  	[bflag:$0x0] =	sbarrier.arrive $0xFFFF  }
0xf0: {  	p0 =	sne.s32 s1, $0x0;
	_ =	strace $0x90000047  }
0xf1: {  	s0 =	sadd.s32 @!p0 $0x100000, s0;
	[bflag:$0x2] =	sbarrier.arrive $0xFFFF  }
0xf2: {  	[sflag:s0] =	ssyncadd.tile.s32 @!p0 $0x1;
	_ =	shalt  }
.Lfunc_end2:
_tile_overlayer_lowered:
.L_overlay_start_2:
0xf3: {  	(tag) =	ssettag $0x2  }
0xf4: {  	s0 =	rddreg [dreg:$0x0];
	s2 =	stileid.u32  }
0xf5: {  	s1 =	rddreg [dreg:$0x1];
	p0 =	sne.s32 s2, $0x0  }
0xf6: {  	s3 =	rddreg [dreg:$0x2];
	[bflag:$0x3] =	sbarrier.arrive $0xFFFF;
	s2 =	simm.s32 @!p0 $0x1C03  }
0xf7: {  	[timem:s3], [sflag:s2] =	dma.local @!p0 [hbm:s0], s1  }
0xf8: {  	s0 =	simm.s32 @!p0 $0x3  }
0xf9: {  	_ =	swait.ge @!p0 [sflag:s0], s1  }
0xfa: {  	s1 =	ssub.s32 @!p0 $0x0, s1;
	[sflag:s0] =	ssyncset.done @!p0 $0x0  }
0xfb: {  	[sflag:s0] =	ssyncadd.s32 @!p0 s1  }
0xfc: {  	[bflag:$0x3] =	sbarrier.arrive $0xFFFF  }
0xfd: {  	_ =	shalt  }

</sc_bundles>
